<compile_context>
chip_gen: v7x
topology: tpu7x:2x2x1
jax: 0.10.2.dev20260603
libtpu: 0.0.44.dev20260713+nightly
codegen_flags: <defaults>
</compile_context>

<pallas_src>
import functools

import jax
import jax.numpy as jnp
from jax import lax
from jax.experimental import pallas as pl
from jax.experimental.pallas import tpu as pltpu
from jax.experimental.pallas import tpu_sc as plsc

_N = 10000
_E = 320000
_HID = 128
_HEADS = 8
_DH = 16
_CLAMP = 5.0
_EPS = 1e-5

_NC = 2
_NS = 16
_NW = _NC * _NS
_PERW = _E // _NW
_CG = 80
_NCHG = _PERW // _CG
_SW = 16
_HN = _N // _NC
_ACC_R = 5120
_ROWS_T = _ACC_R // _NS
_PERW_S = _E // _NS
_NCHS = _PERW_S // _CG

_NB = 1000
_EB = 4000


def _ln_tc(h, w, b):
    mu = jnp.mean(h, axis=-1, keepdims=True)
    var = jnp.mean((h - mu) ** 2, axis=-1, keepdims=True)
    return (h - mu) * jax.lax.rsqrt(var + _EPS) * w + b


def _gather_body(x_hbm, dst3_hbm, src3_hbm, xd_hbm, xs_hbm,
                 idxd, idxs, db0, sb0, sem0, db1, sb1, sem1):
    bufs = ((db0, sb0, sem0), (db1, sb1, sem1))
    wid = lax.axis_index("s") * _NC + lax.axis_index("c")
    base = wid * _PERW
    pltpu.sync_copy(dst3_hbm.at[wid], idxd)
    pltpu.sync_copy(src3_hbm.at[wid], idxs)

    def issue(j, buf):
        db, sb, sem = buf
        pltpu.async_copy(x_hbm.at[idxd.at[j]], db, sem)
        pltpu.async_copy(x_hbm.at[idxs.at[j]], sb, sem)

    def finish(j, buf):
        db, sb, sem = buf
        off = base + j * _CG
        pltpu.make_async_copy(x_hbm.at[idxd.at[j]], db, sem).wait()
        pltpu.make_async_copy(x_hbm.at[idxs.at[j]], sb, sem).wait()
        pltpu.sync_copy(db, xd_hbm.at[pl.ds(off, _CG)])
        pltpu.sync_copy(sb, xs_hbm.at[pl.ds(off, _CG)])

    issue(0, bufs[0])

    def outer(g, carry):
        j0 = 2 * g
        issue(j0 + 1, bufs[1])
        finish(j0, bufs[0])
        issue(j0 + 2, bufs[0])
        finish(j0 + 1, bufs[1])
        return carry

    lax.fori_loop(0, _NCHG // 2, outer, 0)
    finish(_NCHG - 1, bufs[0])


def _gather_call(x, dst3, src3):
    buf_set = [
        pltpu.VMEM((_CG, _HID), jnp.float32),
        pltpu.VMEM((_CG, _HID), jnp.float32),
        pltpu.SemaphoreType.DMA,
    ]
    f = pl.kernel(
        _gather_body,
        out_type=[jax.ShapeDtypeStruct((_E, _HID), jnp.float32)] * 2,
        mesh=plsc.VectorSubcoreMesh(core_axis_name="c", subcore_axis_name="s"),
        scratch_types=[
            pltpu.VMEM((_NCHG, _CG), jnp.int32),
            pltpu.VMEM((_NCHG, _CG), jnp.int32),
        ] + buf_set + buf_set,
    )
    return f(x, dst3, src3)


def _edge_body(e_ref, xd_ref, xs_ref, wqT, wkvT, qb, kvb, ewT, ewb, A_ref,
               c1T, c1b, S_ref, edw_ref, eds_ref, cc1_ref):
    e_blk = e_ref[...]
    eh = jnp.dot(e_blk, ewT[...], preferred_element_type=jnp.float32)
    eh = eh + ewb[...]
    Ew = eh[:, :_HID]
    Eb = eh[:, _HID:]
    kv = jnp.dot(xs_ref[...], wkvT[...], preferred_element_type=jnp.float32)
    kv = kv + kvb[...]
    qk = (jnp.dot(xd_ref[...], wqT[...], preferred_element_type=jnp.float32)
          + kv[:, :_HID] + qb[...])
    conn1 = qk * Ew
    a = jnp.abs(conn1)
    conn2 = (jnp.sign(conn1) * jnp.sqrt(jnp.where(a > 0, a, 1.0))
             * (a > 0).astype(jnp.float32))
    conn = jnp.maximum(conn2 + Eb, 0.0)
    score = jnp.dot(conn, A_ref[...], preferred_element_type=jnp.float32)
    w = jnp.exp(jnp.clip(score, -_CLAMP, _CLAMP))
    cc1 = jnp.dot(conn, c1T[...], preferred_element_type=jnp.float32)
    cc1 = cc1 + c1b[...]
    msg = kv[:, _HID:] + cc1
    wfull = jnp.dot(w, S_ref[...], preferred_element_type=jnp.float32)
    edw_ref[...] = msg * wfull
    eds_ref[:, :_HEADS] = w
    eds_ref[:, _HEADS:] = jnp.zeros((e_blk.shape[0], _SW - _HEADS),
                                    jnp.float32)
    cc1_ref[...] = cc1


def _edge_call(e, xd, xs, wqT, wkvT, qb, kvb, ewT, ewb, A, c1T, c1b, S):
    full = lambda shape: pl.BlockSpec(shape, lambda i: (0, 0))
    return pl.pallas_call(
        _edge_body,
        grid=(_E // _EB,),
        in_specs=[
            pl.BlockSpec((_EB, _HID), lambda i: (i, 0)),
            pl.BlockSpec((_EB, _HID), lambda i: (i, 0)),
            pl.BlockSpec((_EB, _HID), lambda i: (i, 0)),
            full((_HID, _HID)),
            full((_HID, 2 * _HID)),
            full((1, _HID)),
            full((1, 2 * _HID)),
            full((_HID, 2 * _HID)),
            full((1, 2 * _HID)),
            full((_HID, _HEADS)),
            full((_HID, _HID)),
            full((1, _HID)),
            full((_HEADS, _HID)),
        ],
        out_specs=[
            pl.BlockSpec((_EB, _HID), lambda i: (i, 0)),
            pl.BlockSpec((_EB, _SW), lambda i: (i, 0)),
            pl.BlockSpec((_EB, _HID), lambda i: (i, 0)),
        ],
        out_shape=[
            jax.ShapeDtypeStruct((_E, _HID), jnp.float32),
            jax.ShapeDtypeStruct((_E, _SW), jnp.float32),
            jax.ShapeDtypeStruct((_E, _HID), jnp.float32),
        ],
    )(e, xd, xs, wqT, wkvT, qb, kvb, ewT, ewb, A, c1T, c1b, S)


def _conn_body(e_ref, cc1_ref, c2T, c2b, l1w, l1b, l2w, l2b, co_ref):
    cc1 = cc1_ref[...]
    co = _ln_tc(cc1, l1w[...], l1b[...])
    co = jnp.maximum(co, 0.0)
    co = jnp.dot(co, c2T[...], preferred_element_type=jnp.float32)
    co = co + c2b[...] + e_ref[...]
    co_ref[...] = _ln_tc(co, l2w[...], l2b[...])


def _conn_call(e, cc1, c2T, c2b, l1w, l1b, l2w, l2b):
    full = lambda shape: pl.BlockSpec(shape, lambda i: (0, 0))
    return pl.pallas_call(
        _conn_body,
        grid=(_E // _EB,),
        in_specs=[
            pl.BlockSpec((_EB, _HID), lambda i: (i, 0)),
            pl.BlockSpec((_EB, _HID), lambda i: (i, 0)),
            full((_HID, _HID)),
            full((1, _HID)),
            full((1, _HID)),
            full((1, _HID)),
            full((1, _HID)),
            full((1, _HID)),
        ],
        out_specs=pl.BlockSpec((_EB, _HID), lambda i: (i, 0)),
        out_shape=jax.ShapeDtypeStruct((_E, _HID), jnp.float32),
    )(e, cc1, c2T, c2b, l1w, l1b, l2w, l2b)


def _scatter_body(edw_hbm, eds_hbm, dst3_hbm, outw_hbm, outs_hbm,
                  idx0, rw0, rs0, sem0, idx1, rw1, rs1, sem1,
                  zbw, zbs, accw, accs):
    bufs = ((idx0, rw0, rs0, sem0), (idx1, rw1, rs1, sem1))
    cid = lax.axis_index("c")
    sid = lax.axis_index("s")
    z16 = jnp.zeros((16,), jnp.float32)

    lo = cid * _HN
    trash = _HN + sid

    def zrow(r, c):
        for cc in range(_HID // 16):
            zbw[r, pl.ds(cc * 16, 16)] = z16
        zbs[r, :] = z16
        return c

    lax.fori_loop(0, _ROWS_T, zrow, 0)
    pltpu.sync_copy(zbw, accw.at[pl.ds(sid * _ROWS_T, _ROWS_T)])
    pltpu.sync_copy(zbs, accs.at[pl.ds(sid * _ROWS_T, _ROWS_T)])
    plsc.subcore_barrier()

    base = sid * _PERW_S

    def issue(j, buf):
        idxv, rw, rs, sem = buf
        off = base + j * _CG
        pltpu.async_copy(dst3_hbm.at[sid, j], idxv, sem)
        pltpu.async_copy(edw_hbm.at[pl.ds(off, _CG)], rw, sem)
        pltpu.async_copy(eds_hbm.at[pl.ds(off, _CG)], rs, sem)

    def finish(j, buf):
        idxv, rw, rs, sem = buf
        off = base + j * _CG
        pltpu.make_async_copy(dst3_hbm.at[sid, j], idxv, sem).wait()
        pltpu.make_async_copy(edw_hbm.at[pl.ds(off, _CG)], rw, sem).wait()
        pltpu.make_async_copy(eds_hbm.at[pl.ds(off, _CG)], rs, sem).wait()
        for s in range(_CG // 16):
            sl = pl.ds(s * 16, 16)
            v = idxv[sl]
            local = v - lo
            ok = (local >= 0) & (local < _HN)
            idxv[sl] = jnp.where(ok, local, trash)
        pltpu.sync_copy(rw, accw.at[idxv], add=True)
        pltpu.sync_copy(rs, accs.at[idxv], add=True)

    issue(0, bufs[0])

    def outer(g, carry):
        j0 = 2 * g
        issue(j0 + 1, bufs[1])
        finish(j0, bufs[0])
        issue(j0 + 2, bufs[0])
        finish(j0 + 1, bufs[1])
        return carry

    lax.fori_loop(0, _NCHS // 2 - 1, outer, 0)
    issue(_NCHS - 1, bufs[1])
    finish(_NCHS - 2, bufs[0])
    finish(_NCHS - 1, bufs[1])
    plsc.subcore_barrier()
    pltpu.sync_copy(accw.at[pl.ds(sid * _ROWS_T, _ROWS_T)],
                    outw_hbm.at[cid, pl.ds(sid * _ROWS_T, _ROWS_T)])
    pltpu.sync_copy(accs.at[pl.ds(sid * _ROWS_T, _ROWS_T)],
                    outs_hbm.at[cid, pl.ds(sid * _ROWS_T, _ROWS_T)])


def _scatter_call(edw, eds, dst3s):
    buf_set = [
        pltpu.VMEM((_CG,), jnp.int32),
        pltpu.VMEM((_CG, _HID), jnp.float32),
        pltpu.VMEM((_CG, _SW), jnp.float32),
        pltpu.SemaphoreType.DMA,
    ]
    f = pl.kernel(
        _scatter_body,
        out_type=[
            jax.ShapeDtypeStruct((_NC, _ACC_R, _HID), jnp.float32),
            jax.ShapeDtypeStruct((_NC, _ACC_R, _SW), jnp.float32),
        ],
        mesh=plsc.VectorSubcoreMesh(core_axis_name="c", subcore_axis_name="s"),
        scratch_types=buf_set + buf_set + [
            pltpu.VMEM((_ROWS_T, _HID), jnp.float32),
            pltpu.VMEM((_ROWS_T, _SW), jnp.float32),
            pltpu.VMEM_SHARED((_ACC_R, _HID), jnp.float32),
            pltpu.VMEM_SHARED((_ACC_R, _SW), jnp.float32),
        ],
        compiler_params=pltpu.CompilerParams(use_tc_tiling_on_sc=False),
    )
    return f(edw, eds, dst3s)


def _node_body(x_ref, pw_ref, ps_ref, S_ref, f1T, f1b, f2T, f2b, l1w, l1b,
               l2w, l2b, h_ref):
    aggW = pw_ref[0]
    sumw = ps_ref[0][:, :_HEADS]
    inv = 1.0 / (sumw + 1e-16)
    agg = aggW * jnp.dot(inv, S_ref[...], preferred_element_type=jnp.float32)
    h0 = x_ref[...] + agg
    h = _ln_tc(h0, l1w[...], l1b[...])
    h = jnp.dot(h, f1T[...], preferred_element_type=jnp.float32) + f1b[...]
    h = jnp.maximum(h, 0.0)
    h = jnp.dot(h, f2T[...], preferred_element_type=jnp.float32) + f2b[...]
    h = h + h0
    h_ref[...] = _ln_tc(h, l2w[...], l2b[...])


def _node_call(x, pw, ps, S, f1T, f1b, f2T, f2b, l1w, l1b, l2w, l2b):
    full = lambda shape: pl.BlockSpec(shape, lambda i: (0,) * len(shape))
    return pl.pallas_call(
        _node_body,
        grid=(_N // _NB,),
        in_specs=[
            pl.BlockSpec((_NB, _HID), lambda i: (i, 0)),
            pl.BlockSpec((1, _NB, _HID),
                         lambda i: (i // (_HN // _NB), i % (_HN // _NB), 0)),
            pl.BlockSpec((1, _NB, _SW),
                         lambda i: (i // (_HN // _NB), i % (_HN // _NB), 0)),
            full((_HEADS, _HID)),
            full((_HID, 2 * _HID)),
            full((1, 2 * _HID)),
            full((2 * _HID, _HID)),
            full((1, _HID)),
            full((1, _HID)),
            full((1, _HID)),
            full((1, _HID)),
            full((1, _HID)),
        ],
        out_specs=pl.BlockSpec((_NB, _HID), lambda i: (i, 0)),
        out_shape=jax.ShapeDtypeStruct((_N, _HID), jnp.float32),
    )(x, pw, ps, S, f1T, f1b, f2T, f2b, l1w, l1b, l2w, l2b)


def kernel(x, e, edge_index, qkv_w, qkv_b, ew_w, ew_b, aw, c1_w, c1_b,
           c2_w, c2_b, f1_w, f1_b, f2_w, f2_b, ln1h_w, ln1h_b, ln2h_w,
           ln2h_b, ln1c_w, ln1c_b, ln2c_w, ln2c_b):
    f32 = jnp.float32
    dst = edge_index[0]
    src = edge_index[1]
    row = lambda b: b.reshape(1, -1).astype(f32)

    S = jnp.repeat(jnp.eye(_HEADS, dtype=f32), _DH, axis=1)
    awflat = aw[:, :, 0].T.reshape(_HID, 1)
    A = S.T * awflat

    wqT = qkv_w[:_HID].T
    wkvT = qkv_w[_HID:].T
    dst3 = dst.reshape(_NW, _NCHG, _CG)
    src3 = src.reshape(_NW, _NCHG, _CG)
    dst3s = dst.reshape(_NS, _NCHS, _CG)
    xd, xs = _gather_call(x, dst3, src3)
    edw, eds, cc1 = _edge_call(e, xd, xs, wqT, wkvT, row(qkv_b[:_HID]),
                               row(qkv_b[_HID:]), ew_w.T, row(ew_b), A,
                               c1_w.T, row(c1_b), S)
    pw, ps = _scatter_call(edw, eds, dst3s)
    co = _conn_call(e, cc1, c2_w.T, row(c2_b), row(ln1c_w), row(ln1c_b),
                    row(ln2c_w), row(ln2c_b))
    h = _node_call(x, pw, ps, S, f1_w.T, row(f1_b), f2_w.T, row(f2_b),
                   row(ln1h_w), row(ln1h_b), row(ln2h_w), row(ln2h_b))
    return h, co

# --- scband reference (transcript-rebuilt; emitter-appended) ---
"""Pipeline reference for scband-conditional-attention-24824910970959 (READ-ONLY COPY).

The authoritative reference and input builder live on the scoring server;
editing this copy changes nothing except your own understanding.
"""

import jax, jax.numpy as jnp
import numpy as np

N = 10000
E_EDGES = 320000
HID = 128
HEADS = 8
DH = HID // HEADS
CLAMP = 5.0


def _ln(x, w, b, eps=1e-5):
    mu = jnp.mean(x, axis=-1, keepdims=True)
    var = jnp.mean((x - mu) ** 2, axis=-1, keepdims=True)
    return (x - mu) / jnp.sqrt(var + eps) * w + b


def _signed_sqrt(x):
    # equals sqrt(relu(x)) - sqrt(relu(-x)), written grad-safely
    a = jnp.abs(x)
    safe = jnp.where(a > 0, a, 1.0)
    return jnp.sign(x) * jnp.sqrt(safe) * (a > 0).astype(x.dtype)


def _pyg_softmax(src, index, num_nodes):
    smax = jax.ops.segment_max(src, index, num_segments=num_nodes)
    smax = jnp.where(jnp.isfinite(smax), smax, 0.0)
    out = jnp.exp(src - smax[index])
    denom = jax.ops.segment_sum(out, index, num_segments=num_nodes)[index] + 1e-16
    return out / denom


def _forward(edge_index, x, e, qkv_w, qkv_b, ew_w, ew_b, aw, c1_w, c1_b, c2_w, c2_b, f1_w, f1_b, f2_w, f2_b, ln1h_w, ln1h_b, ln2h_w, ln2h_b, ln1c_w, ln1c_b, ln2c_w, ln2c_b):
    dst = edge_index[0]
    src = edge_index[1]
    qkv = x @ qkv_w.T + qkv_b
    Qh, Kh, Vh = jnp.split(qkv, 3, axis=-1)
    Qdst = Qh[dst]
    Ksrc = Kh[src]
    Vsrc = Vh[src]
    Eh = e @ ew_w.T + ew_b
    Ew = Eh[:, :HID]
    Eb = Eh[:, HID:]
    conn1 = (Qdst + Ksrc) * Ew
    conn2 = _signed_sqrt(conn1)
    conn = jax.nn.relu(conn2 + Eb)
    cr = conn.reshape(-1, HEADS, DH)
    score = jnp.einsum('ehd,dhc->ehc', cr, aw)
    score = jnp.clip(score, -CLAMP, CLAMP)
    score = _pyg_softmax(score, dst, N)
    conn = conn @ c1_w.T + c1_b
    msg = (Vsrc + conn).reshape(-1, HEADS, DH)
    agg = jax.ops.segment_sum(msg * score, dst, num_segments=N).reshape(N, HID)
    h = x + agg
    h_res = h
    h = _ln(h, ln1h_w, ln1h_b)
    h = h @ f1_w.T + f1_b
    h = jax.nn.relu(h)
    h = h @ f2_w.T + f2_b
    h = h + h_res
    h = _ln(h, ln2h_w, ln2h_b)
    conn = _ln(conn, ln1c_w, ln1c_b)
    conn = jax.nn.relu(conn)
    conn = conn @ c2_w.T + c2_b
    conn = conn + e
    conn = _ln(conn, ln2c_w, ln2c_b)
    return h, conn


def setup_inputs(seed: int = 0):
    key = jax.random.key(seed)
    ks = jax.random.split(key, 12)
    f32 = jnp.float32
    inp = {}
    inp['x'] = jax.random.normal(ks[0], (N, HID), dtype=f32)
    inp['e'] = jax.random.normal(ks[1], (E_EDGES, HID), dtype=f32)
    inp['edge_index'] = jax.random.randint(ks[2], (2, E_EDGES), 0, N, dtype=jnp.int32)
    inp['qkv_w'] = jax.random.normal(ks[3], (3 * HID, HID), dtype=f32) * 0.06
    inp['qkv_b'] = jnp.zeros((3 * HID,), f32)
    inp['ew_w'] = jax.random.normal(ks[4], (2 * HID, HID), dtype=f32) * 0.06
    inp['ew_b'] = jnp.zeros((2 * HID,), f32)
    inp['aw'] = jax.random.normal(ks[5], (DH, HEADS, 1), dtype=f32) * 0.3
    inp['c1_w'] = jax.random.normal(ks[6], (HID, HID), dtype=f32) * 0.08
    inp['c1_b'] = jnp.zeros((HID,), f32)
    inp['c2_w'] = jax.random.normal(ks[7], (HID, HID), dtype=f32) * 0.08
    inp['c2_b'] = jnp.zeros((HID,), f32)
    inp['f1_w'] = jax.random.normal(ks[8], (2 * HID, HID), dtype=f32) * 0.08
    inp['f1_b'] = jnp.zeros((2 * HID,), f32)
    inp['f2_w'] = jax.random.normal(ks[9], (HID, 2 * HID), dtype=f32) * 0.06
    inp['f2_b'] = jnp.zeros((HID,), f32)
    for nm in ['ln1h', 'ln2h', 'ln1c', 'ln2c']:
        inp[nm + '_w'] = jnp.ones((HID,), f32)
        inp[nm + '_b'] = jnp.zeros((HID,), f32)
    return inp


def reference(x, e, edge_index, qkv_w, qkv_b, ew_w, ew_b, aw, c1_w, c1_b, c2_w, c2_b, f1_w, f1_b, f2_w, f2_b, ln1h_w, ln1h_b, ln2h_w, ln2h_b, ln1c_w, ln1c_b, ln2c_w, ln2c_b):
    return _forward(edge_index, x, e, qkv_w, qkv_b, ew_w, ew_b, aw, c1_w, c1_b, c2_w, c2_b, f1_w, f1_b, f2_w, f2_b, ln1h_w, ln1h_b, ln2h_w, ln2h_b, ln1c_w, ln1c_b, ln2c_w, ln2c_b)

if __name__ == "__main__":
    import jax
    _d = setup_inputs()
    print(jax.jit(kernel)(*tuple(_d.values())))

</pallas_src>

<mosaic_0001>
#map = affine_map<(d0, d1) -> (0, 0)>
#map1 = affine_map<(d0, d1) -> (0, 0, 0)>
module attributes {stable_mosaic.version = 14 : i64} {
  func.func @_scatter_body(%arg0: i32, %arg1: i32, %arg2: memref<320000x128xf32, #tpu.memory_space<hbm>>, %arg3: memref<320000x16xf32, #tpu.memory_space<hbm>>, %arg4: memref<16x250x80xi32, #tpu.memory_space<hbm>>, %arg5: memref<2x5120x128xf32, #tpu.memory_space<hbm>>, %arg6: memref<2x5120x16xf32, #tpu.memory_space<hbm>>, %arg7: memref<80xi32, #tpu.memory_space<vmem>>, %arg8: memref<80x128xf32, #tpu.memory_space<vmem>>, %arg9: memref<80x16xf32, #tpu.memory_space<vmem>>, %arg10: memref<!tpu.dma_semaphore, #tpu.memory_space<semaphore_mem>>, %arg11: memref<80xi32, #tpu.memory_space<vmem>>, %arg12: memref<80x128xf32, #tpu.memory_space<vmem>>, %arg13: memref<80x16xf32, #tpu.memory_space<vmem>>, %arg14: memref<!tpu.dma_semaphore, #tpu.memory_space<semaphore_mem>>, %arg15: memref<320x128xf32, #tpu.memory_space<vmem>>, %arg16: memref<320x16xf32, #tpu.memory_space<vmem>>, %arg17: memref<5120x128xf32, #tpu.memory_space<vmem_shared>>, %arg18: memref<5120x16xf32, #tpu.memory_space<vmem_shared>>) attributes {dimension_semantics = [#tpu.dimension_semantics<core_parallel>, #tpu.dimension_semantics<subcore_parallel>], iteration_bounds = array<i64: 2, 16>, scalar_prefetch = 0 : i64, scratch_operands = 12 : i64, tpu.core_type = #tpu.core_type<sc_vector_subcore>, window_params = [{transform_indices = #map}, {transform_indices = #map}, {transform_indices = #map1}, {transform_indices = #map1}, {transform_indices = #map1}]} {
    %broadcast_in_dim3A = arith.constant 0.000000e+00 : f32
    %broadcast_in_dim3A_0 = vector.broadcast %broadcast_in_dim3A : f32 to vector<16xf32>
    %mul3A = arith.constant 5000 : i32
    %mul3A_1 = arith.muli %arg0, %mul3A : i32
    %add3A = arith.constant 5000 : i32
    %add3A_2 = arith.addi %add3A, %arg1 : i32
    %scan3A = arith.constant 0 : i32
    %scan3A_3 = arith.constant 0 : i32
    %scan3A_4 = arith.constant 320 : i32
    %scan3A_5 = arith.addi %scan3A_3, %scan3A_4 : i32
    %scan3A_6 = arith.constant 1 : i32
    scf.for %scan3A_268 = %scan3A_3 to %scan3A_5 step %scan3A_6  : i32 {
      %swap3A_269 = arith.index_cast %scan3A_268 : i32 to index
      %swap3A_270 = arith.constant 0 : index
      %swap3A_271 = tpu.vector_load %arg15[%swap3A_269, %swap3A_270] {strides = array<i32>} : memref<320x128xf32, #tpu.memory_space<vmem>>, vector<1x16xf32>,
      %swap3A_272 = vector.shape_cast %swap3A_271 : vector<1x16xf32> to vector<16xf32>
      %swap3A_273 = vector.shape_cast %broadcast_in_dim3A_0 : vector<16xf32> to vector<1x16xf32>
      tpu.vector_store %arg15[%swap3A_269, %swap3A_270], %swap3A_273 {strides = array<i32>} : memref<320x128xf32, #tpu.memory_space<vmem>>, vector<1x16xf32>,
      %swap3A_274 = arith.index_cast %scan3A_268 : i32 to index
      %swap3A_275 = arith.constant 16 : index
      %swap3A_276 = tpu.vector_load %arg15[%swap3A_274, %swap3A_275] {strides = array<i32>} : memref<320x128xf32, #tpu.memory_space<vmem>>, vector<1x16xf32>,
      %swap3A_277 = vector.shape_cast %swap3A_276 : vector<1x16xf32> to vector<16xf32>
      %swap3A_278 = vector.shape_cast %broadcast_in_dim3A_0 : vector<16xf32> to vector<1x16xf32>
      tpu.vector_store %arg15[%swap3A_274, %swap3A_275], %swap3A_278 {strides = array<i32>} : memref<320x128xf32, #tpu.memory_space<vmem>>, vector<1x16xf32>,
      %swap3A_279 = arith.index_cast %scan3A_268 : i32 to index
      %swap3A_280 = arith.constant 32 : index
      %swap3A_281 = tpu.vector_load %arg15[%swap3A_279, %swap3A_280] {strides = array<i32>} : memref<320x128xf32, #tpu.memory_space<vmem>>, vector<1x16xf32>,
      %swap3A_282 = vector.shape_cast %swap3A_281 : vector<1x16xf32> to vector<16xf32>
      %swap3A_283 = vector.shape_cast %broadcast_in_dim3A_0 : vector<16xf32> to vector<1x16xf32>
      tpu.vector_store %arg15[%swap3A_279, %swap3A_280], %swap3A_283 {strides = array<i32>} : memref<320x128xf32, #tpu.memory_space<vmem>>, vector<1x16xf32>,
      %swap3A_284 = arith.index_cast %scan3A_268 : i32 to index
      %swap3A_285 = arith.constant 48 : index
      %swap3A_286 = tpu.vector_load %arg15[%swap3A_284, %swap3A_285] {strides = array<i32>} : memref<320x128xf32, #tpu.memory_space<vmem>>, vector<1x16xf32>,
      %swap3A_287 = vector.shape_cast %swap3A_286 : vector<1x16xf32> to vector<16xf32>
      %swap3A_288 = vector.shape_cast %broadcast_in_dim3A_0 : vector<16xf32> to vector<1x16xf32>
      tpu.vector_store %arg15[%swap3A_284, %swap3A_285], %swap3A_288 {strides = array<i32>} : memref<320x128xf32, #tpu.memory_space<vmem>>, vector<1x16xf32>,
      %swap3A_289 = arith.index_cast %scan3A_268 : i32 to index
      %swap3A_290 = arith.constant 64 : index
      %swap3A_291 = tpu.vector_load %arg15[%swap3A_289, %swap3A_290] {strides = array<i32>} : memref<320x128xf32, #tpu.memory_space<vmem>>, vector<1x16xf32>,
      %swap3A_292 = vector.shape_cast %swap3A_291 : vector<1x16xf32> to vector<16xf32>
      %swap3A_293 = vector.shape_cast %broadcast_in_dim3A_0 : vector<16xf32> to vector<1x16xf32>
      tpu.vector_store %arg15[%swap3A_289, %swap3A_290], %swap3A_293 {strides = array<i32>} : memref<320x128xf32, #tpu.memory_space<vmem>>, vector<1x16xf32>,
      %swap3A_294 = arith.index_cast %scan3A_268 : i32 to index
      %swap3A_295 = arith.constant 80 : index
      %swap3A_296 = tpu.vector_load %arg15[%swap3A_294, %swap3A_295] {strides = array<i32>} : memref<320x128xf32, #tpu.memory_space<vmem>>, vector<1x16xf32>,
      %swap3A_297 = vector.shape_cast %swap3A_296 : vector<1x16xf32> to vector<16xf32>
      %swap3A_298 = vector.shape_cast %broadcast_in_dim3A_0 : vector<16xf32> to vector<1x16xf32>
      tpu.vector_store %arg15[%swap3A_294, %swap3A_295], %swap3A_298 {strides = array<i32>} : memref<320x128xf32, #tpu.memory_space<vmem>>, vector<1x16xf32>,
      %swap3A_299 = arith.index_cast %scan3A_268 : i32 to index
      %swap3A_300 = arith.constant 96 : index
      %swap3A_301 = tpu.vector_load %arg15[%swap3A_299, %swap3A_300] {strides = array<i32>} : memref<320x128xf32, #tpu.memory_space<vmem>>, vector<1x16xf32>,
      %swap3A_302 = vector.shape_cast %swap3A_301 : vector<1x16xf32> to vector<16xf32>
      %swap3A_303 = vector.shape_cast %broadcast_in_dim3A_0 : vector<16xf32> to vector<1x16xf32>
      tpu.vector_store %arg15[%swap3A_299, %swap3A_300], %swap3A_303 {strides = array<i32>} : memref<320x128xf32, #tpu.memory_space<vmem>>, vector<1x16xf32>,
      %swap3A_304 = arith.index_cast %scan3A_268 : i32 to index
      %swap3A_305 = arith.constant 112 : index
      %swap3A_306 = tpu.vector_load %arg15[%swap3A_304, %swap3A_305] {strides = array<i32>} : memref<320x128xf32, #tpu.memory_space<vmem>>, vector<1x16xf32>,
      %swap3A_307 = vector.shape_cast %swap3A_306 : vector<1x16xf32> to vector<16xf32>
      %swap3A_308 = vector.shape_cast %broadcast_in_dim3A_0 : vector<16xf32> to vector<1x16xf32>
      tpu.vector_store %arg15[%swap3A_304, %swap3A_305], %swap3A_308 {strides = array<i32>} : memref<320x128xf32, #tpu.memory_space<vmem>>, vector<1x16xf32>,
      %swap3A_309 = arith.index_cast %scan3A_268 : i32 to index
      %swap3A_310 = arith.constant 0 : index
      %swap3A_311 = tpu.vector_load %arg16[%swap3A_309, %swap3A_310] {strides = array<i32>} : memref<320x16xf32, #tpu.memory_space<vmem>>, vector<1x16xf32>,
      %swap3A_312 = vector.shape_cast %swap3A_311 : vector<1x16xf32> to vector<16xf32>
      %swap3A_313 = vector.shape_cast %broadcast_in_dim3A_0 : vector<16xf32> to vector<1x16xf32>
      tpu.vector_store %arg16[%swap3A_309, %swap3A_310], %swap3A_313 {strides = array<i32>} : memref<320x16xf32, #tpu.memory_space<vmem>>, vector<1x16xf32>,
    }
    %scan3A_7 = arith.constant 320 : i32
    %mul3A_8 = arith.constant 320 : i32
    %mul3A_9 = arith.muli %arg1, %mul3A_8 : i32
    "tpu.region"() ({
      %run_scoped3A = tpu.sem_alloc : memref<!tpu.dma_semaphore, #tpu.memory_space<semaphore_mem>>
      %dma_start3A_268 = arith.constant 0 : i32
      %dma_start3A_269 = tpu.memref_slice %arg17[%mul3A_9, %dma_start3A_268] : memref<5120x128xf32, #tpu.memory_space<vmem_shared>> -> memref<320x128xf32, #tpu.memory_space<vmem_shared>>
      %dma_start3A_270 = arith.constant 0 : i32
      %dma_start3A_271 = tpu.memref_slice %arg17[%mul3A_9, %dma_start3A_270] : memref<5120x128xf32, #tpu.memory_space<vmem_shared>> -> memref<320x128xf32, #tpu.memory_space<vmem_shared>>
      tpu.enqueue_dma source(%arg15 : memref<320x128xf32, #tpu.memory_space<vmem>>) target(%dma_start3A_271 : memref<320x128xf32, #tpu.memory_space<vmem_shared>>) target_semaphore(%run_scoped3A : memref<!tpu.dma_semaphore, #tpu.memory_space<semaphore_mem>>)
      %dma_wait3A_272 = arith.constant 0 : i32
      %dma_wait3A_273 = tpu.memref_slice %arg17[%mul3A_9, %dma_wait3A_272] : memref<5120x128xf32, #tpu.memory_space<vmem_shared>> -> memref<320x128xf32, #tpu.memory_space<vmem_shared>>
      %dma_wait3A_274 = arith.constant 0 : i32
      %dma_wait3A_275 = tpu.memref_slice %arg17[%mul3A_9, %dma_wait3A_274] : memref<5120x128xf32, #tpu.memory_space<vmem_shared>> -> memref<320x128xf32, #tpu.memory_space<vmem_shared>>
      tpu.wait_dma2 semaphore(%run_scoped3A : memref<!tpu.dma_semaphore, #tpu.memory_space<semaphore_mem>>) src(%arg15 : memref<320x128xf32, #tpu.memory_space<vmem>>) dst(%dma_wait3A_275 : memref<320x128xf32, #tpu.memory_space<vmem_shared>>)
      tpu.yield
    }) : () -> ()
    %mul3A_10 = arith.constant 320 : i32
    %mul3A_11 = arith.muli %arg1, %mul3A_10 : i32
    "tpu.region"() ({
      %run_scoped3A = tpu.sem_alloc : memref<!tpu.dma_semaphore, #tpu.memory_space<semaphore_mem>>
      %dma_start3A_268 = arith.constant 0 : i32
      %dma_start3A_269 = tpu.memref_slice %arg18[%mul3A_11, %dma_start3A_268] : memref<5120x16xf32, #tpu.memory_space<vmem_shared>> -> memref<320x16xf32, #tpu.memory_space<vmem_shared>>
      %dma_start3A_270 = arith.constant 0 : i32
      %dma_start3A_271 = tpu.memref_slice %arg18[%mul3A_11, %dma_start3A_270] : memref<5120x16xf32, #tpu.memory_space<vmem_shared>> -> memref<320x16xf32, #tpu.memory_space<vmem_shared>>
      tpu.enqueue_dma source(%arg16 : memref<320x16xf32, #tpu.memory_space<vmem>>) target(%dma_start3A_271 : memref<320x16xf32, #tpu.memory_space<vmem_shared>>) target_semaphore(%run_scoped3A : memref<!tpu.dma_semaphore, #tpu.memory_space<semaphore_mem>>)
      %dma_wait3A_272 = arith.constant 0 : i32
      %dma_wait3A_273 = tpu.memref_slice %arg18[%mul3A_11, %dma_wait3A_272] : memref<5120x16xf32, #tpu.memory_space<vmem_shared>> -> memref<320x16xf32, #tpu.memory_space<vmem_shared>>
      %dma_wait3A_274 = arith.constant 0 : i32
      %dma_wait3A_275 = tpu.memref_slice %arg18[%mul3A_11, %dma_wait3A_274] : memref<5120x16xf32, #tpu.memory_space<vmem_shared>> -> memref<320x16xf32, #tpu.memory_space<vmem_shared>>
      tpu.wait_dma2 semaphore(%run_scoped3A : memref<!tpu.dma_semaphore, #tpu.memory_space<semaphore_mem>>) src(%arg16 : memref<320x16xf32, #tpu.memory_space<vmem>>) dst(%dma_wait3A_275 : memref<320x16xf32, #tpu.memory_space<vmem_shared>>)
      tpu.yield
    }) : () -> ()
    %barrier3A = arith.constant 0 : index
    tpu.barrier barrier_id(%barrier3A)
    %mul3A_12 = arith.constant 20000 : i32
    %mul3A_13 = arith.muli %arg1, %mul3A_12 : i32
    %add3A_14 = arith.constant 0 : i32
    %add3A_15 = arith.addi %mul3A_13, %add3A_14 : i32
    %dma_start3A = arith.constant 0 : i32
    %dma_start3A_16 = arith.constant 0 : i32
    %dma_start3A_17 = tpu.memref_slice %arg4[%arg1, %dma_start3A, %dma_start3A_16] : memref<16x250x80xi32, #tpu.memory_space<hbm>> -> memref<1x1x80xi32, #tpu.memory_space<hbm>>
    %dma_start3A_18 = tpu.memref_squeeze %dma_start3A_17 : memref<1x1x80xi32, #tpu.memory_space<hbm>> -> memref<80xi32, #tpu.memory_space<hbm>>
    %dma_start3A_19 = arith.constant 0 : i32
    %dma_start3A_20 = tpu.memref_slice %arg4[%arg1, %dma_start3A, %dma_start3A_19] : memref<16x250x80xi32, #tpu.memory_space<hbm>> -> memref<1x1x80xi32, #tpu.memory_space<hbm>>
    %dma_start3A_21 = tpu.memref_squeeze %dma_start3A_20 : memref<1x1x80xi32, #tpu.memory_space<hbm>> -> memref<80xi32, #tpu.memory_space<hbm>>
    tpu.enqueue_dma source(%dma_start3A_21 : memref<80xi32, #tpu.memory_space<hbm>>) target(%arg7 : memref<80xi32, #tpu.memory_space<vmem>>) target_semaphore(%arg10 : memref<!tpu.dma_semaphore, #tpu.memory_space<semaphore_mem>>)
    %dma_start3A_22 = arith.constant 0 : i32
    %dma_start3A_23 = tpu.memref_slice %arg2[%add3A_15, %dma_start3A_22] : memref<320000x128xf32, #tpu.memory_space<hbm>> -> memref<80x128xf32, #tpu.memory_space<hbm>>
    %dma_start3A_24 = arith.constant 0 : i32
    %dma_start3A_25 = tpu.memref_slice %arg2[%add3A_15, %dma_start3A_24] : memref<320000x128xf32, #tpu.memory_space<hbm>> -> memref<80x128xf32, #tpu.memory_space<hbm>>
    tpu.enqueue_dma source(%dma_start3A_25 : memref<80x128xf32, #tpu.memory_space<hbm>>) target(%arg8 : memref<80x128xf32, #tpu.memory_space<vmem>>) target_semaphore(%arg10 : memref<!tpu.dma_semaphore, #tpu.memory_space<semaphore_mem>>)
    %dma_start3A_26 = arith.constant 0 : i32
    %dma_start3A_27 = tpu.memref_slice %arg3[%add3A_15, %dma_start3A_26] : memref<320000x16xf32, #tpu.memory_space<hbm>> -> memref<80x16xf32, #tpu.memory_space<hbm>>
    %dma_start3A_28 = arith.constant 0 : i32
    %dma_start3A_29 = tpu.memref_slice %arg3[%add3A_15, %dma_start3A_28] : memref<320000x16xf32, #tpu.memory_space<hbm>> -> memref<80x16xf32, #tpu.memory_space<hbm>>
    tpu.enqueue_dma source(%dma_start3A_29 : memref<80x16xf32, #tpu.memory_space<hbm>>) target(%arg9 : memref<80x16xf32, #tpu.memory_space<vmem>>) target_semaphore(%arg10 : memref<!tpu.dma_semaphore, #tpu.memory_space<semaphore_mem>>)
    %scan3A_30 = arith.constant 0 : i32
    %scan3A_31 = arith.constant 0 : i32
    %scan3A_32 = arith.constant 124 : i32
    %scan3A_33 = arith.addi %scan3A_31, %scan3A_32 : i32
    %scan3A_34 = arith.constant 1 : i32
    scf.for %scan3A_268 = %scan3A_31 to %scan3A_33 step %scan3A_34  : i32 {
      %mul3A_269 = arith.constant 2 : i32
      %mul3A_270 = arith.muli %mul3A_269, %scan3A_268 : i32
      %add3A_271 = arith.constant 1 : i32
      %add3A_272 = arith.addi %mul3A_270, %add3A_271 : i32
      %mul3A_273 = arith.constant 80 : i32
      %mul3A_274 = arith.muli %add3A_272, %mul3A_273 : i32
      %add3A_275 = arith.addi %mul3A_13, %mul3A_274 : i32
      %dma_start3A_276 = arith.constant 0 : i32
      %dma_start3A_277 = tpu.memref_slice %arg4[%arg1, %add3A_272, %dma_start3A_276] : memref<16x250x80xi32, #tpu.memory_space<hbm>> -> memref<1x1x80xi32, #tpu.memory_space<hbm>>
      %dma_start3A_278 = tpu.memref_squeeze %dma_start3A_277 : memref<1x1x80xi32, #tpu.memory_space<hbm>> -> memref<80xi32, #tpu.memory_space<hbm>>
      %dma_start3A_279 = arith.constant 0 : i32
      %dma_start3A_280 = tpu.memref_slice %arg4[%arg1, %add3A_272, %dma_start3A_279] : memref<16x250x80xi32, #tpu.memory_space<hbm>> -> memref<1x1x80xi32, #tpu.memory_space<hbm>>
      %dma_start3A_281 = tpu.memref_squeeze %dma_start3A_280 : memref<1x1x80xi32, #tpu.memory_space<hbm>> -> memref<80xi32, #tpu.memory_space<hbm>>
      tpu.enqueue_dma source(%dma_start3A_281 : memref<80xi32, #tpu.memory_space<hbm>>) target(%arg11 : memref<80xi32, #tpu.memory_space<vmem>>) target_semaphore(%arg14 : memref<!tpu.dma_semaphore, #tpu.memory_space<semaphore_mem>>)
      %dma_start3A_282 = arith.constant 0 : i32
      %dma_start3A_283 = tpu.memref_slice %arg2[%add3A_275, %dma_start3A_282] : memref<320000x128xf32, #tpu.memory_space<hbm>> -> memref<80x128xf32, #tpu.memory_space<hbm>>
      %dma_start3A_284 = arith.constant 0 : i32
      %dma_start3A_285 = tpu.memref_slice %arg2[%add3A_275, %dma_start3A_284] : memref<320000x128xf32, #tpu.memory_space<hbm>> -> memref<80x128xf32, #tpu.memory_space<hbm>>
      tpu.enqueue_dma source(%dma_start3A_285 : memref<80x128xf32, #tpu.memory_space<hbm>>) target(%arg12 : memref<80x128xf32, #tpu.memory_space<vmem>>) target_semaphore(%arg14 : memref<!tpu.dma_semaphore, #tpu.memory_space<semaphore_mem>>)
      %dma_start3A_286 = arith.constant 0 : i32
      %dma_start3A_287 = tpu.memref_slice %arg3[%add3A_275, %dma_start3A_286] : memref<320000x16xf32, #tpu.memory_space<hbm>> -> memref<80x16xf32, #tpu.memory_space<hbm>>
      %dma_start3A_288 = arith.constant 0 : i32
      %dma_start3A_289 = tpu.memref_slice %arg3[%add3A_275, %dma_start3A_288] : memref<320000x16xf32, #tpu.memory_space<hbm>> -> memref<80x16xf32, #tpu.memory_space<hbm>>
      tpu.enqueue_dma source(%dma_start3A_289 : memref<80x16xf32, #tpu.memory_space<hbm>>) target(%arg13 : memref<80x16xf32, #tpu.memory_space<vmem>>) target_semaphore(%arg14 : memref<!tpu.dma_semaphore, #tpu.memory_space<semaphore_mem>>)
      %mul3A_290 = arith.constant 80 : i32
      %mul3A_291 = arith.muli %mul3A_270, %mul3A_290 : i32
      %add3A_292 = arith.addi %mul3A_13, %mul3A_291 : i32
      %dma_wait3A_293 = arith.constant 0 : i32
      %dma_wait3A_294 = tpu.memref_slice %arg4[%arg1, %mul3A_270, %dma_wait3A_293] : memref<16x250x80xi32, #tpu.memory_space<hbm>> -> memref<1x1x80xi32, #tpu.memory_space<hbm>>
      %dma_wait3A_295 = tpu.memref_squeeze %dma_wait3A_294 : memref<1x1x80xi32, #tpu.memory_space<hbm>> -> memref<80xi32, #tpu.memory_space<hbm>>
      %dma_wait3A_296 = arith.constant 0 : i32
      %dma_wait3A_297 = tpu.memref_slice %arg4[%arg1, %mul3A_270, %dma_wait3A_296] : memref<16x250x80xi32, #tpu.memory_space<hbm>> -> memref<1x1x80xi32, #tpu.memory_space<hbm>>
      %dma_wait3A_298 = tpu.memref_squeeze %dma_wait3A_297 : memref<1x1x80xi32, #tpu.memory_space<hbm>> -> memref<80xi32, #tpu.memory_space<hbm>>
      tpu.wait_dma2 semaphore(%arg10 : memref<!tpu.dma_semaphore, #tpu.memory_space<semaphore_mem>>) src(%dma_wait3A_298 : memref<80xi32, #tpu.memory_space<hbm>>) dst(%arg7 : memref<80xi32, #tpu.memory_space<vmem>>)
      %dma_wait3A_299 = arith.constant 0 : i32
      %dma_wait3A_300 = tpu.memref_slice %arg2[%add3A_292, %dma_wait3A_299] : memref<320000x128xf32, #tpu.memory_space<hbm>> -> memref<80x128xf32, #tpu.memory_space<hbm>>
      %dma_wait3A_301 = arith.constant 0 : i32
      %dma_wait3A_302 = tpu.memref_slice %arg2[%add3A_292, %dma_wait3A_301] : memref<320000x128xf32, #tpu.memory_space<hbm>> -> memref<80x128xf32, #tpu.memory_space<hbm>>
      tpu.wait_dma2 semaphore(%arg10 : memref<!tpu.dma_semaphore, #tpu.memory_space<semaphore_mem>>) src(%dma_wait3A_302 : memref<80x128xf32, #tpu.memory_space<hbm>>) dst(%arg8 : memref<80x128xf32, #tpu.memory_space<vmem>>)
      %dma_wait3A_303 = arith.constant 0 : i32
      %dma_wait3A_304 = tpu.memref_slice %arg3[%add3A_292, %dma_wait3A_303] : memref<320000x16xf32, #tpu.memory_space<hbm>> -> memref<80x16xf32, #tpu.memory_space<hbm>>
      %dma_wait3A_305 = arith.constant 0 : i32
      %dma_wait3A_306 = tpu.memref_slice %arg3[%add3A_292, %dma_wait3A_305] : memref<320000x16xf32, #tpu.memory_space<hbm>> -> memref<80x16xf32, #tpu.memory_space<hbm>>
      tpu.wait_dma2 semaphore(%arg10 : memref<!tpu.dma_semaphore, #tpu.memory_space<semaphore_mem>>) src(%dma_wait3A_306 : memref<80x16xf32, #tpu.memory_space<hbm>>) dst(%arg9 : memref<80x16xf32, #tpu.memory_space<vmem>>)
      %get3A_307 = arith.constant 0 : index
      %get3A_308 = tpu.vector_load %arg7[%get3A_307] {strides = array<i32>} : memref<80xi32, #tpu.memory_space<vmem>>, vector<16xi32>,
      %get3A_309 = vector.shape_cast %get3A_308 : vector<16xi32> to vector<16xi32>
      %sub3A_310 = vector.broadcast %mul3A_1 : i32 to vector<16xi32>
      %sub3A_311 = arith.subi %get3A_309, %sub3A_310 : vector<16xi32>
      %ge3A_312 = arith.constant 0 : i32
      %ge3A_313 = vector.broadcast %ge3A_312 : i32 to vector<16xi32>
      %ge3A_314 = arith.cmpi sge, %sub3A_311, %ge3A_313 : vector<16xi32>
      %lt3A_315 = arith.constant 5000 : i32
      %lt3A_316 = vector.broadcast %lt3A_315 : i32 to vector<16xi32>
      %lt3A_317 = arith.cmpi slt, %sub3A_311, %lt3A_316 : vector<16xi32>
      %and3A_318 = arith.andi %ge3A_314, %lt3A_317 : vector<16xi1>
      %broadcast_in_dim3A_319 = vector.broadcast %add3A_2 : i32 to vector<16xi32>
      %select_n3A_320 = arith.select %and3A_318, %sub3A_311, %broadcast_in_dim3A_319 : vector<16xi1>, vector<16xi32>
      %swap3A_321 = arith.constant 0 : index
      %swap3A_322 = tpu.vector_load %arg7[%swap3A_321] {strides = array<i32>} : memref<80xi32, #tpu.memory_space<vmem>>, vector<16xi32>,
      %swap3A_323 = vector.shape_cast %swap3A_322 : vector<16xi32> to vector<16xi32>
      %swap3A_324 = vector.shape_cast %select_n3A_320 : vector<16xi32> to vector<16xi32>
      tpu.vector_store %arg7[%swap3A_321], %swap3A_324 {strides = array<i32>} : memref<80xi32, #tpu.memory_space<vmem>>, vector<16xi32>,
      %get3A_325 = arith.constant 16 : index
      %get3A_326 = tpu.vector_load %arg7[%get3A_325] {strides = array<i32>} : memref<80xi32, #tpu.memory_space<vmem>>, vector<16xi32>,
      %get3A_327 = vector.shape_cast %get3A_326 : vector<16xi32> to vector<16xi32>
      %sub3A_328 = vector.broadcast %mul3A_1 : i32 to vector<16xi32>
      %sub3A_329 = arith.subi %get3A_327, %sub3A_328 : vector<16xi32>
      %ge3A_330 = arith.constant 0 : i32
      %ge3A_331 = vector.broadcast %ge3A_330 : i32 to vector<16xi32>
      %ge3A_332 = arith.cmpi sge, %sub3A_329, %ge3A_331 : vector<16xi32>
      %lt3A_333 = arith.constant 5000 : i32
      %lt3A_334 = vector.broadcast %lt3A_333 : i32 to vector<16xi32>
      %lt3A_335 = arith.cmpi slt, %sub3A_329, %lt3A_334 : vector<16xi32>
      %and3A_336 = arith.andi %ge3A_332, %lt3A_335 : vector<16xi1>
      %broadcast_in_dim3A_337 = vector.broadcast %add3A_2 : i32 to vector<16xi32>
      %select_n3A_338 = arith.select %and3A_336, %sub3A_329, %broadcast_in_dim3A_337 : vector<16xi1>, vector<16xi32>
      %swap3A_339 = arith.constant 16 : index
      %swap3A_340 = tpu.vector_load %arg7[%swap3A_339] {strides = array<i32>} : memref<80xi32, #tpu.memory_space<vmem>>, vector<16xi32>,
      %swap3A_341 = vector.shape_cast %swap3A_340 : vector<16xi32> to vector<16xi32>
      %swap3A_342 = vector.shape_cast %select_n3A_338 : vector<16xi32> to vector<16xi32>
      tpu.vector_store %arg7[%swap3A_339], %swap3A_342 {strides = array<i32>} : memref<80xi32, #tpu.memory_space<vmem>>, vector<16xi32>,
      %get3A_343 = arith.constant 32 : index
      %get3A_344 = tpu.vector_load %arg7[%get3A_343] {strides = array<i32>} : memref<80xi32, #tpu.memory_space<vmem>>, vector<16xi32>,
      %get3A_345 = vector.shape_cast %get3A_344 : vector<16xi32> to vector<16xi32>
      %sub3A_346 = vector.broadcast %mul3A_1 : i32 to vector<16xi32>
      %sub3A_347 = arith.subi %get3A_345, %sub3A_346 : vector<16xi32>
      %ge3A_348 = arith.constant 0 : i32
      %ge3A_349 = vector.broadcast %ge3A_348 : i32 to vector<16xi32>
      %ge3A_350 = arith.cmpi sge, %sub3A_347, %ge3A_349 : vector<16xi32>
      %lt3A_351 = arith.constant 5000 : i32
      %lt3A_352 = vector.broadcast %lt3A_351 : i32 to vector<16xi32>
      %lt3A_353 = arith.cmpi slt, %sub3A_347, %lt3A_352 : vector<16xi32>
      %and3A_354 = arith.andi %ge3A_350, %lt3A_353 : vector<16xi1>
      %broadcast_in_dim3A_355 = vector.broadcast %add3A_2 : i32 to vector<16xi32>
      %select_n3A_356 = arith.select %and3A_354, %sub3A_347, %broadcast_in_dim3A_355 : vector<16xi1>, vector<16xi32>
      %swap3A_357 = arith.constant 32 : index
      %swap3A_358 = tpu.vector_load %arg7[%swap3A_357] {strides = array<i32>} : memref<80xi32, #tpu.memory_space<vmem>>, vector<16xi32>,
      %swap3A_359 = vector.shape_cast %swap3A_358 : vector<16xi32> to vector<16xi32>
      %swap3A_360 = vector.shape_cast %select_n3A_356 : vector<16xi32> to vector<16xi32>
      tpu.vector_store %arg7[%swap3A_357], %swap3A_360 {strides = array<i32>} : memref<80xi32, #tpu.memory_space<vmem>>, vector<16xi32>,
      %get3A_361 = arith.constant 48 : index
      %get3A_362 = tpu.vector_load %arg7[%get3A_361] {strides = array<i32>} : memref<80xi32, #tpu.memory_space<vmem>>, vector<16xi32>,
      %get3A_363 = vector.shape_cast %get3A_362 : vector<16xi32> to vector<16xi32>
      %sub3A_364 = vector.broadcast %mul3A_1 : i32 to vector<16xi32>
      %sub3A_365 = arith.subi %get3A_363, %sub3A_364 : vector<16xi32>
      %ge3A_366 = arith.constant 0 : i32
      %ge3A_367 = vector.broadcast %ge3A_366 : i32 to vector<16xi32>
      %ge3A_368 = arith.cmpi sge, %sub3A_365, %ge3A_367 : vector<16xi32>
      %lt3A_369 = arith.constant 5000 : i32
      %lt3A_370 = vector.broadcast %lt3A_369 : i32 to vector<16xi32>
      %lt3A_371 = arith.cmpi slt, %sub3A_365, %lt3A_370 : vector<16xi32>
      %and3A_372 = arith.andi %ge3A_368, %lt3A_371 : vector<16xi1>
      %broadcast_in_dim3A_373 = vector.broadcast %add3A_2 : i32 to vector<16xi32>
      %select_n3A_374 = arith.select %and3A_372, %sub3A_365, %broadcast_in_dim3A_373 : vector<16xi1>, vector<16xi32>
      %swap3A_375 = arith.constant 48 : index
      %swap3A_376 = tpu.vector_load %arg7[%swap3A_375] {strides = array<i32>} : memref<80xi32, #tpu.memory_space<vmem>>, vector<16xi32>,
      %swap3A_377 = vector.shape_cast %swap3A_376 : vector<16xi32> to vector<16xi32>
      %swap3A_378 = vector.shape_cast %select_n3A_374 : vector<16xi32> to vector<16xi32>
      tpu.vector_store %arg7[%swap3A_375], %swap3A_378 {strides = array<i32>} : memref<80xi32, #tpu.memory_space<vmem>>, vector<16xi32>,
      %get3A_379 = arith.constant 64 : index
      %get3A_380 = tpu.vector_load %arg7[%get3A_379] {strides = array<i32>} : memref<80xi32, #tpu.memory_space<vmem>>, vector<16xi32>,
      %get3A_381 = vector.shape_cast %get3A_380 : vector<16xi32> to vector<16xi32>
      %sub3A_382 = vector.broadcast %mul3A_1 : i32 to vector<16xi32>
      %sub3A_383 = arith.subi %get3A_381, %sub3A_382 : vector<16xi32>
      %ge3A_384 = arith.constant 0 : i32
      %ge3A_385 = vector.broadcast %ge3A_384 : i32 to vector<16xi32>
      %ge3A_386 = arith.cmpi sge, %sub3A_383, %ge3A_385 : vector<16xi32>
      %lt3A_387 = arith.constant 5000 : i32
      %lt3A_388 = vector.broadcast %lt3A_387 : i32 to vector<16xi32>
      %lt3A_389 = arith.cmpi slt, %sub3A_383, %lt3A_388 : vector<16xi32>
      %and3A_390 = arith.andi %ge3A_386, %lt3A_389 : vector<16xi1>
      %broadcast_in_dim3A_391 = vector.broadcast %add3A_2 : i32 to vector<16xi32>
      %select_n3A_392 = arith.select %and3A_390, %sub3A_383, %broadcast_in_dim3A_391 : vector<16xi1>, vector<16xi32>
      %swap3A_393 = arith.constant 64 : index
      %swap3A_394 = tpu.vector_load %arg7[%swap3A_393] {strides = array<i32>} : memref<80xi32, #tpu.memory_space<vmem>>, vector<16xi32>,
      %swap3A_395 = vector.shape_cast %swap3A_394 : vector<16xi32> to vector<16xi32>
      %swap3A_396 = vector.shape_cast %select_n3A_392 : vector<16xi32> to vector<16xi32>
      tpu.vector_store %arg7[%swap3A_393], %swap3A_396 {strides = array<i32>} : memref<80xi32, #tpu.memory_space<vmem>>, vector<16xi32>,
      "tpu.region"() ({
        %run_scoped3A = tpu.sem_alloc : memref<!tpu.dma_semaphore, #tpu.memory_space<semaphore_mem>>
        %dma_start3A_525 = arith.constant 0 : i32
        %dma_start3A_526 = arith.constant 0 : i32
        %dma_start3A_527 = tpu.memref_slice %arg17[%dma_start3A_525, %dma_start3A_526] : memref<5120x128xf32, #tpu.memory_space<vmem_shared>> -> memref<5120x128xf32, #tpu.memory_space<vmem_shared>>
        tpu.enqueue_indirect_dma source(%arg8 : memref<80x128xf32, #tpu.memory_space<vmem>>) target(%dma_start3A_527 : memref<5120x128xf32, #tpu.memory_space<vmem_shared>>) offsets(%arg7 : memref<80xi32, #tpu.memory_space<vmem>>) semaphore(%run_scoped3A : memref<!tpu.dma_semaphore, #tpu.memory_space<semaphore_mem>>) {add = true}
        %dma_wait3A_528 = arith.constant 0 : i32
        %dma_wait3A_529 = arith.constant 0 : i32
        %dma_wait3A_530 = tpu.memref_slice %arg17[%dma_wait3A_528, %dma_wait3A_529] : memref<5120x128xf32, #tpu.memory_space<vmem_shared>> -> memref<5120x128xf32, #tpu.memory_space<vmem_shared>>
        tpu.wait_indirect_dma semaphore(%run_scoped3A : memref<!tpu.dma_semaphore, #tpu.memory_space<semaphore_mem>>) src(%arg8 : memref<80x128xf32, #tpu.memory_space<vmem>>) dst(%dma_wait3A_530 : memref<5120x128xf32, #tpu.memory_space<vmem_shared>>)
        tpu.yield
      }) : () -> ()
      "tpu.region"() ({
        %run_scoped3A = tpu.sem_alloc : memref<!tpu.dma_semaphore, #tpu.memory_space<semaphore_mem>>
        %dma_start3A_525 = arith.constant 0 : i32
        %dma_start3A_526 = arith.constant 0 : i32
        %dma_start3A_527 = tpu.memref_slice %arg18[%dma_start3A_525, %dma_start3A_526] : memref<5120x16xf32, #tpu.memory_space<vmem_shared>> -> memref<5120x16xf32, #tpu.memory_space<vmem_shared>>
        tpu.enqueue_indirect_dma source(%arg9 : memref<80x16xf32, #tpu.memory_space<vmem>>) target(%dma_start3A_527 : memref<5120x16xf32, #tpu.memory_space<vmem_shared>>) offsets(%arg7 : memref<80xi32, #tpu.memory_space<vmem>>) semaphore(%run_scoped3A : memref<!tpu.dma_semaphore, #tpu.memory_space<semaphore_mem>>) {add = true}
        %dma_wait3A_528 = arith.constant 0 : i32
        %dma_wait3A_529 = arith.constant 0 : i32
        %dma_wait3A_530 = tpu.memref_slice %arg18[%dma_wait3A_528, %dma_wait3A_529] : memref<5120x16xf32, #tpu.memory_space<vmem_shared>> -> memref<5120x16xf32, #tpu.memory_space<vmem_shared>>
        tpu.wait_indirect_dma semaphore(%run_scoped3A : memref<!tpu.dma_semaphore, #tpu.memory_space<semaphore_mem>>) src(%arg9 : memref<80x16xf32, #tpu.memory_space<vmem>>) dst(%dma_wait3A_530 : memref<5120x16xf32, #tpu.memory_space<vmem_shared>>)
        tpu.yield
      }) : () -> ()
      %add3A_397 = arith.constant 2 : i32
      %add3A_398 = arith.addi %mul3A_270, %add3A_397 : i32
      %mul3A_399 = arith.constant 80 : i32
      %mul3A_400 = arith.muli %add3A_398, %mul3A_399 : i32
      %add3A_401 = arith.addi %mul3A_13, %mul3A_400 : i32
      %dma_start3A_402 = arith.constant 0 : i32
      %dma_start3A_403 = tpu.memref_slice %arg4[%arg1, %add3A_398, %dma_start3A_402] : memref<16x250x80xi32, #tpu.memory_space<hbm>> -> memref<1x1x80xi32, #tpu.memory_space<hbm>>
      %dma_start3A_404 = tpu.memref_squeeze %dma_start3A_403 : memref<1x1x80xi32, #tpu.memory_space<hbm>> -> memref<80xi32, #tpu.memory_space<hbm>>
      %dma_start3A_405 = arith.constant 0 : i32
      %dma_start3A_406 = tpu.memref_slice %arg4[%arg1, %add3A_398, %dma_start3A_405] : memref<16x250x80xi32, #tpu.memory_space<hbm>> -> memref<1x1x80xi32, #tpu.memory_space<hbm>>
      %dma_start3A_407 = tpu.memref_squeeze %dma_start3A_406 : memref<1x1x80xi32, #tpu.memory_space<hbm>> -> memref<80xi32, #tpu.memory_space<hbm>>
      tpu.enqueue_dma source(%dma_start3A_407 : memref<80xi32, #tpu.memory_space<hbm>>) target(%arg7 : memref<80xi32, #tpu.memory_space<vmem>>) target_semaphore(%arg10 : memref<!tpu.dma_semaphore, #tpu.memory_space<semaphore_mem>>)
      %dma_start3A_408 = arith.constant 0 : i32
      %dma_start3A_409 = tpu.memref_slice %arg2[%add3A_401, %dma_start3A_408] : memref<320000x128xf32, #tpu.memory_space<hbm>> -> memref<80x128xf32, #tpu.memory_space<hbm>>
      %dma_start3A_410 = arith.constant 0 : i32
      %dma_start3A_411 = tpu.memref_slice %arg2[%add3A_401, %dma_start3A_410] : memref<320000x128xf32, #tpu.memory_space<hbm>> -> memref<80x128xf32, #tpu.memory_space<hbm>>
      tpu.enqueue_dma source(%dma_start3A_411 : memref<80x128xf32, #tpu.memory_space<hbm>>) target(%arg8 : memref<80x128xf32, #tpu.memory_space<vmem>>) target_semaphore(%arg10 : memref<!tpu.dma_semaphore, #tpu.memory_space<semaphore_mem>>)
      %dma_start3A_412 = arith.constant 0 : i32
      %dma_start3A_413 = tpu.memref_slice %arg3[%add3A_401, %dma_start3A_412] : memref<320000x16xf32, #tpu.memory_space<hbm>> -> memref<80x16xf32, #tpu.memory_space<hbm>>
      %dma_start3A_414 = arith.constant 0 : i32
      %dma_start3A_415 = tpu.memref_slice %arg3[%add3A_401, %dma_start3A_414] : memref<320000x16xf32, #tpu.memory_space<hbm>> -> memref<80x16xf32, #tpu.memory_space<hbm>>
      tpu.enqueue_dma source(%dma_start3A_415 : memref<80x16xf32, #tpu.memory_space<hbm>>) target(%arg9 : memref<80x16xf32, #tpu.memory_space<vmem>>) target_semaphore(%arg10 : memref<!tpu.dma_semaphore, #tpu.memory_space<semaphore_mem>>)
      %add3A_416 = arith.constant 1 : i32
      %add3A_417 = arith.addi %mul3A_270, %add3A_416 : i32
      %mul3A_418 = arith.constant 80 : i32
      %mul3A_419 = arith.muli %add3A_417, %mul3A_418 : i32
      %add3A_420 = arith.addi %mul3A_13, %mul3A_419 : i32
      %dma_wait3A_421 = arith.constant 0 : i32
      %dma_wait3A_422 = tpu.memref_slice %arg4[%arg1, %add3A_417, %dma_wait3A_421] : memref<16x250x80xi32, #tpu.memory_space<hbm>> -> memref<1x1x80xi32, #tpu.memory_space<hbm>>
      %dma_wait3A_423 = tpu.memref_squeeze %dma_wait3A_422 : memref<1x1x80xi32, #tpu.memory_space<hbm>> -> memref<80xi32, #tpu.memory_space<hbm>>
      %dma_wait3A_424 = arith.constant 0 : i32
      %dma_wait3A_425 = tpu.memref_slice %arg4[%arg1, %add3A_417, %dma_wait3A_424] : memref<16x250x80xi32, #tpu.memory_space<hbm>> -> memref<1x1x80xi32, #tpu.memory_space<hbm>>
      %dma_wait3A_426 = tpu.memref_squeeze %dma_wait3A_425 : memref<1x1x80xi32, #tpu.memory_space<hbm>> -> memref<80xi32, #tpu.memory_space<hbm>>
      tpu.wait_dma2 semaphore(%arg14 : memref<!tpu.dma_semaphore, #tpu.memory_space<semaphore_mem>>) src(%dma_wait3A_426 : memref<80xi32, #tpu.memory_space<hbm>>) dst(%arg11 : memref<80xi32, #tpu.memory_space<vmem>>)
      %dma_wait3A_427 = arith.constant 0 : i32
      %dma_wait3A_428 = tpu.memref_slice %arg2[%add3A_420, %dma_wait3A_427] : memref<320000x128xf32, #tpu.memory_space<hbm>> -> memref<80x128xf32, #tpu.memory_space<hbm>>
      %dma_wait3A_429 = arith.constant 0 : i32
      %dma_wait3A_430 = tpu.memref_slice %arg2[%add3A_420, %dma_wait3A_429] : memref<320000x128xf32, #tpu.memory_space<hbm>> -> memref<80x128xf32, #tpu.memory_space<hbm>>
      tpu.wait_dma2 semaphore(%arg14 : memref<!tpu.dma_semaphore, #tpu.memory_space<semaphore_mem>>) src(%dma_wait3A_430 : memref<80x128xf32, #tpu.memory_space<hbm>>) dst(%arg12 : memref<80x128xf32, #tpu.memory_space<vmem>>)
      %dma_wait3A_431 = arith.constant 0 : i32
      %dma_wait3A_432 = tpu.memref_slice %arg3[%add3A_420, %dma_wait3A_431] : memref<320000x16xf32, #tpu.memory_space<hbm>> -> memref<80x16xf32, #tpu.memory_space<hbm>>
      %dma_wait3A_433 = arith.constant 0 : i32
      %dma_wait3A_434 = tpu.memref_slice %arg3[%add3A_420, %dma_wait3A_433] : memref<320000x16xf32, #tpu.memory_space<hbm>> -> memref<80x16xf32, #tpu.memory_space<hbm>>
      tpu.wait_dma2 semaphore(%arg14 : memref<!tpu.dma_semaphore, #tpu.memory_space<semaphore_mem>>) src(%dma_wait3A_434 : memref<80x16xf32, #tpu.memory_space<hbm>>) dst(%arg13 : memref<80x16xf32, #tpu.memory_space<vmem>>)
      %get3A_435 = arith.constant 0 : index
      %get3A_436 = tpu.vector_load %arg11[%get3A_435] {strides = array<i32>} : memref<80xi32, #tpu.memory_space<vmem>>, vector<16xi32>,
      %get3A_437 = vector.shape_cast %get3A_436 : vector<16xi32> to vector<16xi32>
      %sub3A_438 = vector.broadcast %mul3A_1 : i32 to vector<16xi32>
      %sub3A_439 = arith.subi %get3A_437, %sub3A_438 : vector<16xi32>
      %ge3A_440 = arith.constant 0 : i32
      %ge3A_441 = vector.broadcast %ge3A_440 : i32 to vector<16xi32>
      %ge3A_442 = arith.cmpi sge, %sub3A_439, %ge3A_441 : vector<16xi32>
      %lt3A_443 = arith.constant 5000 : i32
      %lt3A_444 = vector.broadcast %lt3A_443 : i32 to vector<16xi32>
      %lt3A_445 = arith.cmpi slt, %sub3A_439, %lt3A_444 : vector<16xi32>
      %and3A_446 = arith.andi %ge3A_442, %lt3A_445 : vector<16xi1>
      %broadcast_in_dim3A_447 = vector.broadcast %add3A_2 : i32 to vector<16xi32>
      %select_n3A_448 = arith.select %and3A_446, %sub3A_439, %broadcast_in_dim3A_447 : vector<16xi1>, vector<16xi32>
      %swap3A_449 = arith.constant 0 : index
      %swap3A_450 = tpu.vector_load %arg11[%swap3A_449] {strides = array<i32>} : memref<80xi32, #tpu.memory_space<vmem>>, vector<16xi32>,
      %swap3A_451 = vector.shape_cast %swap3A_450 : vector<16xi32> to vector<16xi32>
      %swap3A_452 = vector.shape_cast %select_n3A_448 : vector<16xi32> to vector<16xi32>
      tpu.vector_store %arg11[%swap3A_449], %swap3A_452 {strides = array<i32>} : memref<80xi32, #tpu.memory_space<vmem>>, vector<16xi32>,
      %get3A_453 = arith.constant 16 : index
      %get3A_454 = tpu.vector_load %arg11[%get3A_453] {strides = array<i32>} : memref<80xi32, #tpu.memory_space<vmem>>, vector<16xi32>,
      %get3A_455 = vector.shape_cast %get3A_454 : vector<16xi32> to vector<16xi32>
      %sub3A_456 = vector.broadcast %mul3A_1 : i32 to vector<16xi32>
      %sub3A_457 = arith.subi %get3A_455, %sub3A_456 : vector<16xi32>
      %ge3A_458 = arith.constant 0 : i32
      %ge3A_459 = vector.broadcast %ge3A_458 : i32 to vector<16xi32>
      %ge3A_460 = arith.cmpi sge, %sub3A_457, %ge3A_459 : vector<16xi32>
      %lt3A_461 = arith.constant 5000 : i32
      %lt3A_462 = vector.broadcast %lt3A_461 : i32 to vector<16xi32>
      %lt3A_463 = arith.cmpi slt, %sub3A_457, %lt3A_462 : vector<16xi32>
      %and3A_464 = arith.andi %ge3A_460, %lt3A_463 : vector<16xi1>
      %broadcast_in_dim3A_465 = vector.broadcast %add3A_2 : i32 to vector<16xi32>
      %select_n3A_466 = arith.select %and3A_464, %sub3A_457, %broadcast_in_dim3A_465 : vector<16xi1>, vector<16xi32>
      %swap3A_467 = arith.constant 16 : index
      %swap3A_468 = tpu.vector_load %arg11[%swap3A_467] {strides = array<i32>} : memref<80xi32, #tpu.memory_space<vmem>>, vector<16xi32>,
      %swap3A_469 = vector.shape_cast %swap3A_468 : vector<16xi32> to vector<16xi32>
      %swap3A_470 = vector.shape_cast %select_n3A_466 : vector<16xi32> to vector<16xi32>
      tpu.vector_store %arg11[%swap3A_467], %swap3A_470 {strides = array<i32>} : memref<80xi32, #tpu.memory_space<vmem>>, vector<16xi32>,
      %get3A_471 = arith.constant 32 : index
      %get3A_472 = tpu.vector_load %arg11[%get3A_471] {strides = array<i32>} : memref<80xi32, #tpu.memory_space<vmem>>, vector<16xi32>,
      %get3A_473 = vector.shape_cast %get3A_472 : vector<16xi32> to vector<16xi32>
      %sub3A_474 = vector.broadcast %mul3A_1 : i32 to vector<16xi32>
      %sub3A_475 = arith.subi %get3A_473, %sub3A_474 : vector<16xi32>
      %ge3A_476 = arith.constant 0 : i32
      %ge3A_477 = vector.broadcast %ge3A_476 : i32 to vector<16xi32>
      %ge3A_478 = arith.cmpi sge, %sub3A_475, %ge3A_477 : vector<16xi32>
      %lt3A_479 = arith.constant 5000 : i32
      %lt3A_480 = vector.broadcast %lt3A_479 : i32 to vector<16xi32>
      %lt3A_481 = arith.cmpi slt, %sub3A_475, %lt3A_480 : vector<16xi32>
      %and3A_482 = arith.andi %ge3A_478, %lt3A_481 : vector<16xi1>
      %broadcast_in_dim3A_483 = vector.broadcast %add3A_2 : i32 to vector<16xi32>
      %select_n3A_484 = arith.select %and3A_482, %sub3A_475, %broadcast_in_dim3A_483 : vector<16xi1>, vector<16xi32>
      %swap3A_485 = arith.constant 32 : index
      %swap3A_486 = tpu.vector_load %arg11[%swap3A_485] {strides = array<i32>} : memref<80xi32, #tpu.memory_space<vmem>>, vector<16xi32>,
      %swap3A_487 = vector.shape_cast %swap3A_486 : vector<16xi32> to vector<16xi32>
      %swap3A_488 = vector.shape_cast %select_n3A_484 : vector<16xi32> to vector<16xi32>
      tpu.vector_store %arg11[%swap3A_485], %swap3A_488 {strides = array<i32>} : memref<80xi32, #tpu.memory_space<vmem>>, vector<16xi32>,
      %get3A_489 = arith.constant 48 : index
      %get3A_490 = tpu.vector_load %arg11[%get3A_489] {strides = array<i32>} : memref<80xi32, #tpu.memory_space<vmem>>, vector<16xi32>,
      %get3A_491 = vector.shape_cast %get3A_490 : vector<16xi32> to vector<16xi32>
      %sub3A_492 = vector.broadcast %mul3A_1 : i32 to vector<16xi32>
      %sub3A_493 = arith.subi %get3A_491, %sub3A_492 : vector<16xi32>
      %ge3A_494 = arith.constant 0 : i32
      %ge3A_495 = vector.broadcast %ge3A_494 : i32 to vector<16xi32>
      %ge3A_496 = arith.cmpi sge, %sub3A_493, %ge3A_495 : vector<16xi32>
      %lt3A_497 = arith.constant 5000 : i32
      %lt3A_498 = vector.broadcast %lt3A_497 : i32 to vector<16xi32>
      %lt3A_499 = arith.cmpi slt, %sub3A_493, %lt3A_498 : vector<16xi32>
      %and3A_500 = arith.andi %ge3A_496, %lt3A_499 : vector<16xi1>
      %broadcast_in_dim3A_501 = vector.broadcast %add3A_2 : i32 to vector<16xi32>
      %select_n3A_502 = arith.select %and3A_500, %sub3A_493, %broadcast_in_dim3A_501 : vector<16xi1>, vector<16xi32>
      %swap3A_503 = arith.constant 48 : index
      %swap3A_504 = tpu.vector_load %arg11[%swap3A_503] {strides = array<i32>} : memref<80xi32, #tpu.memory_space<vmem>>, vector<16xi32>,
      %swap3A_505 = vector.shape_cast %swap3A_504 : vector<16xi32> to vector<16xi32>
      %swap3A_506 = vector.shape_cast %select_n3A_502 : vector<16xi32> to vector<16xi32>
      tpu.vector_store %arg11[%swap3A_503], %swap3A_506 {strides = array<i32>} : memref<80xi32, #tpu.memory_space<vmem>>, vector<16xi32>,
      %get3A_507 = arith.constant 64 : index
      %get3A_508 = tpu.vector_load %arg11[%get3A_507] {strides = array<i32>} : memref<80xi32, #tpu.memory_space<vmem>>, vector<16xi32>,
      %get3A_509 = vector.shape_cast %get3A_508 : vector<16xi32> to vector<16xi32>
      %sub3A_510 = vector.broadcast %mul3A_1 : i32 to vector<16xi32>
      %sub3A_511 = arith.subi %get3A_509, %sub3A_510 : vector<16xi32>
      %ge3A_512 = arith.constant 0 : i32
      %ge3A_513 = vector.broadcast %ge3A_512 : i32 to vector<16xi32>
      %ge3A_514 = arith.cmpi sge, %sub3A_511, %ge3A_513 : vector<16xi32>
      %lt3A_515 = arith.constant 5000 : i32
      %lt3A_516 = vector.broadcast %lt3A_515 : i32 to vector<16xi32>
      %lt3A_517 = arith.cmpi slt, %sub3A_511, %lt3A_516 : vector<16xi32>
      %and3A_518 = arith.andi %ge3A_514, %lt3A_517 : vector<16xi1>
      %broadcast_in_dim3A_519 = vector.broadcast %add3A_2 : i32 to vector<16xi32>
      %select_n3A_520 = arith.select %and3A_518, %sub3A_511, %broadcast_in_dim3A_519 : vector<16xi1>, vector<16xi32>
      %swap3A_521 = arith.constant 64 : index
      %swap3A_522 = tpu.vector_load %arg11[%swap3A_521] {strides = array<i32>} : memref<80xi32, #tpu.memory_space<vmem>>, vector<16xi32>,
      %swap3A_523 = vector.shape_cast %swap3A_522 : vector<16xi32> to vector<16xi32>
      %swap3A_524 = vector.shape_cast %select_n3A_520 : vector<16xi32> to vector<16xi32>
      tpu.vector_store %arg11[%swap3A_521], %swap3A_524 {strides = array<i32>} : memref<80xi32, #tpu.memory_space<vmem>>, vector<16xi32>,
      "tpu.region"() ({
        %run_scoped3A = tpu.sem_alloc : memref<!tpu.dma_semaphore, #tpu.memory_space<semaphore_mem>>
        %dma_start3A_525 = arith.constant 0 : i32
        %dma_start3A_526 = arith.constant 0 : i32
        %dma_start3A_527 = tpu.memref_slice %arg17[%dma_start3A_525, %dma_start3A_526] : memref<5120x128xf32, #tpu.memory_space<vmem_shared>> -> memref<5120x128xf32, #tpu.memory_space<vmem_shared>>
        tpu.enqueue_indirect_dma source(%arg12 : memref<80x128xf32, #tpu.memory_space<vmem>>) target(%dma_start3A_527 : memref<5120x128xf32, #tpu.memory_space<vmem_shared>>) offsets(%arg11 : memref<80xi32, #tpu.memory_space<vmem>>) semaphore(%run_scoped3A : memref<!tpu.dma_semaphore, #tpu.memory_space<semaphore_mem>>) {add = true}
        %dma_wait3A_528 = arith.constant 0 : i32
        %dma_wait3A_529 = arith.constant 0 : i32
        %dma_wait3A_530 = tpu.memref_slice %arg17[%dma_wait3A_528, %dma_wait3A_529] : memref<5120x128xf32, #tpu.memory_space<vmem_shared>> -> memref<5120x128xf32, #tpu.memory_space<vmem_shared>>
        tpu.wait_indirect_dma semaphore(%run_scoped3A : memref<!tpu.dma_semaphore, #tpu.memory_space<semaphore_mem>>) src(%arg12 : memref<80x128xf32, #tpu.memory_space<vmem>>) dst(%dma_wait3A_530 : memref<5120x128xf32, #tpu.memory_space<vmem_shared>>)
        tpu.yield
      }) : () -> ()
      "tpu.region"() ({
        %run_scoped3A = tpu.sem_alloc : memref<!tpu.dma_semaphore, #tpu.memory_space<semaphore_mem>>
        %dma_start3A_525 = arith.constant 0 : i32
        %dma_start3A_526 = arith.constant 0 : i32
        %dma_start3A_527 = tpu.memref_slice %arg18[%dma_start3A_525, %dma_start3A_526] : memref<5120x16xf32, #tpu.memory_space<vmem_shared>> -> memref<5120x16xf32, #tpu.memory_space<vmem_shared>>
        tpu.enqueue_indirect_dma source(%arg13 : memref<80x16xf32, #tpu.memory_space<vmem>>) target(%dma_start3A_527 : memref<5120x16xf32, #tpu.memory_space<vmem_shared>>) offsets(%arg11 : memref<80xi32, #tpu.memory_space<vmem>>) semaphore(%run_scoped3A : memref<!tpu.dma_semaphore, #tpu.memory_space<semaphore_mem>>) {add = true}
        %dma_wait3A_528 = arith.constant 0 : i32
        %dma_wait3A_529 = arith.constant 0 : i32
        %dma_wait3A_530 = tpu.memref_slice %arg18[%dma_wait3A_528, %dma_wait3A_529] : memref<5120x16xf32, #tpu.memory_space<vmem_shared>> -> memref<5120x16xf32, #tpu.memory_space<vmem_shared>>
        tpu.wait_indirect_dma semaphore(%run_scoped3A : memref<!tpu.dma_semaphore, #tpu.memory_space<semaphore_mem>>) src(%arg13 : memref<80x16xf32, #tpu.memory_space<vmem>>) dst(%dma_wait3A_530 : memref<5120x16xf32, #tpu.memory_space<vmem_shared>>)
        tpu.yield
      }) : () -> ()
    }
    %scan3A_35 = arith.constant 124 : i32
    %add3A_36 = arith.constant 19920 : i32
    %add3A_37 = arith.addi %mul3A_13, %add3A_36 : i32
    %dma_start3A_38 = arith.constant 249 : i32
    %dma_start3A_39 = arith.constant 0 : i32
    %dma_start3A_40 = tpu.memref_slice %arg4[%arg1, %dma_start3A_38, %dma_start3A_39] : memref<16x250x80xi32, #tpu.memory_space<hbm>> -> memref<1x1x80xi32, #tpu.memory_space<hbm>>
    %dma_start3A_41 = tpu.memref_squeeze %dma_start3A_40 : memref<1x1x80xi32, #tpu.memory_space<hbm>> -> memref<80xi32, #tpu.memory_space<hbm>>
    %dma_start3A_42 = arith.constant 0 : i32
    %dma_start3A_43 = tpu.memref_slice %arg4[%arg1, %dma_start3A_38, %dma_start3A_42] : memref<16x250x80xi32, #tpu.memory_space<hbm>> -> memref<1x1x80xi32, #tpu.memory_space<hbm>>
    %dma_start3A_44 = tpu.memref_squeeze %dma_start3A_43 : memref<1x1x80xi32, #tpu.memory_space<hbm>> -> memref<80xi32, #tpu.memory_space<hbm>>
    tpu.enqueue_dma source(%dma_start3A_44 : memref<80xi32, #tpu.memory_space<hbm>>) target(%arg11 : memref<80xi32, #tpu.memory_space<vmem>>) target_semaphore(%arg14 : memref<!tpu.dma_semaphore, #tpu.memory_space<semaphore_mem>>)
    %dma_start3A_45 = arith.constant 0 : i32
    %dma_start3A_46 = tpu.memref_slice %arg2[%add3A_37, %dma_start3A_45] : memref<320000x128xf32, #tpu.memory_space<hbm>> -> memref<80x128xf32, #tpu.memory_space<hbm>>
    %dma_start3A_47 = arith.constant 0 : i32
    %dma_start3A_48 = tpu.memref_slice %arg2[%add3A_37, %dma_start3A_47] : memref<320000x128xf32, #tpu.memory_space<hbm>> -> memref<80x128xf32, #tpu.memory_space<hbm>>
    tpu.enqueue_dma source(%dma_start3A_48 : memref<80x128xf32, #tpu.memory_space<hbm>>) target(%arg12 : memref<80x128xf32, #tpu.memory_space<vmem>>) target_semaphore(%arg14 : memref<!tpu.dma_semaphore, #tpu.memory_space<semaphore_mem>>)
    %dma_start3A_49 = arith.constant 0 : i32
    %dma_start3A_50 = tpu.memref_slice %arg3[%add3A_37, %dma_start3A_49] : memref<320000x16xf32, #tpu.memory_space<hbm>> -> memref<80x16xf32, #tpu.memory_space<hbm>>
    %dma_start3A_51 = arith.constant 0 : i32
    %dma_start3A_52 = tpu.memref_slice %arg3[%add3A_37, %dma_start3A_51] : memref<320000x16xf32, #tpu.memory_space<hbm>> -> memref<80x16xf32, #tpu.memory_space<hbm>>
    tpu.enqueue_dma source(%dma_start3A_52 : memref<80x16xf32, #tpu.memory_space<hbm>>) target(%arg13 : memref<80x16xf32, #tpu.memory_space<vmem>>) target_semaphore(%arg14 : memref<!tpu.dma_semaphore, #tpu.memory_space<semaphore_mem>>)
    %add3A_53 = arith.constant 19840 : i32
    %add3A_54 = arith.addi %mul3A_13, %add3A_53 : i32
    %dma_wait3A = arith.constant 248 : i32
    %dma_wait3A_55 = arith.constant 0 : i32
    %dma_wait3A_56 = tpu.memref_slice %arg4[%arg1, %dma_wait3A, %dma_wait3A_55] : memref<16x250x80xi32, #tpu.memory_space<hbm>> -> memref<1x1x80xi32, #tpu.memory_space<hbm>>
    %dma_wait3A_57 = tpu.memref_squeeze %dma_wait3A_56 : memref<1x1x80xi32, #tpu.memory_space<hbm>> -> memref<80xi32, #tpu.memory_space<hbm>>
    %dma_wait3A_58 = arith.constant 0 : i32
    %dma_wait3A_59 = tpu.memref_slice %arg4[%arg1, %dma_wait3A, %dma_wait3A_58] : memref<16x250x80xi32, #tpu.memory_space<hbm>> -> memref<1x1x80xi32, #tpu.memory_space<hbm>>
    %dma_wait3A_60 = tpu.memref_squeeze %dma_wait3A_59 : memref<1x1x80xi32, #tpu.memory_space<hbm>> -> memref<80xi32, #tpu.memory_space<hbm>>
    tpu.wait_dma2 semaphore(%arg10 : memref<!tpu.dma_semaphore, #tpu.memory_space<semaphore_mem>>) src(%dma_wait3A_60 : memref<80xi32, #tpu.memory_space<hbm>>) dst(%arg7 : memref<80xi32, #tpu.memory_space<vmem>>)
    %dma_wait3A_61 = arith.constant 0 : i32
    %dma_wait3A_62 = tpu.memref_slice %arg2[%add3A_54, %dma_wait3A_61] : memref<320000x128xf32, #tpu.memory_space<hbm>> -> memref<80x128xf32, #tpu.memory_space<hbm>>
    %dma_wait3A_63 = arith.constant 0 : i32
    %dma_wait3A_64 = tpu.memref_slice %arg2[%add3A_54, %dma_wait3A_63] : memref<320000x128xf32, #tpu.memory_space<hbm>> -> memref<80x128xf32, #tpu.memory_space<hbm>>
    tpu.wait_dma2 semaphore(%arg10 : memref<!tpu.dma_semaphore, #tpu.memory_space<semaphore_mem>>) src(%dma_wait3A_64 : memref<80x128xf32, #tpu.memory_space<hbm>>) dst(%arg8 : memref<80x128xf32, #tpu.memory_space<vmem>>)
    %dma_wait3A_65 = arith.constant 0 : i32
    %dma_wait3A_66 = tpu.memref_slice %arg3[%add3A_54, %dma_wait3A_65] : memref<320000x16xf32, #tpu.memory_space<hbm>> -> memref<80x16xf32, #tpu.memory_space<hbm>>
    %dma_wait3A_67 = arith.constant 0 : i32
    %dma_wait3A_68 = tpu.memref_slice %arg3[%add3A_54, %dma_wait3A_67] : memref<320000x16xf32, #tpu.memory_space<hbm>> -> memref<80x16xf32, #tpu.memory_space<hbm>>
    tpu.wait_dma2 semaphore(%arg10 : memref<!tpu.dma_semaphore, #tpu.memory_space<semaphore_mem>>) src(%dma_wait3A_68 : memref<80x16xf32, #tpu.memory_space<hbm>>) dst(%arg9 : memref<80x16xf32, #tpu.memory_space<vmem>>)
    %get3A = arith.constant 0 : index
    %get3A_69 = tpu.vector_load %arg7[%get3A] {strides = array<i32>} : memref<80xi32, #tpu.memory_space<vmem>>, vector<16xi32>,
    %get3A_70 = vector.shape_cast %get3A_69 : vector<16xi32> to vector<16xi32>
    %sub3A = vector.broadcast %mul3A_1 : i32 to vector<16xi32>
    %sub3A_71 = arith.subi %get3A_70, %sub3A : vector<16xi32>
    %ge3A = arith.constant 0 : i32
    %ge3A_72 = vector.broadcast %ge3A : i32 to vector<16xi32>
    %ge3A_73 = arith.cmpi sge, %sub3A_71, %ge3A_72 : vector<16xi32>
    %lt3A = arith.constant 5000 : i32
    %lt3A_74 = vector.broadcast %lt3A : i32 to vector<16xi32>
    %lt3A_75 = arith.cmpi slt, %sub3A_71, %lt3A_74 : vector<16xi32>
    %and3A = arith.andi %ge3A_73, %lt3A_75 : vector<16xi1>
    %broadcast_in_dim3A_76 = vector.broadcast %add3A_2 : i32 to vector<16xi32>
    %select_n3A = arith.select %and3A, %sub3A_71, %broadcast_in_dim3A_76 : vector<16xi1>, vector<16xi32>
    %swap3A = arith.constant 0 : index
    %swap3A_77 = tpu.vector_load %arg7[%swap3A] {strides = array<i32>} : memref<80xi32, #tpu.memory_space<vmem>>, vector<16xi32>,
    %swap3A_78 = vector.shape_cast %swap3A_77 : vector<16xi32> to vector<16xi32>
    %swap3A_79 = vector.shape_cast %select_n3A : vector<16xi32> to vector<16xi32>
    tpu.vector_store %arg7[%swap3A], %swap3A_79 {strides = array<i32>} : memref<80xi32, #tpu.memory_space<vmem>>, vector<16xi32>,
    %get3A_80 = arith.constant 16 : index
    %get3A_81 = tpu.vector_load %arg7[%get3A_80] {strides = array<i32>} : memref<80xi32, #tpu.memory_space<vmem>>, vector<16xi32>,
    %get3A_82 = vector.shape_cast %get3A_81 : vector<16xi32> to vector<16xi32>
    %sub3A_83 = vector.broadcast %mul3A_1 : i32 to vector<16xi32>
    %sub3A_84 = arith.subi %get3A_82, %sub3A_83 : vector<16xi32>
    %ge3A_85 = arith.constant 0 : i32
    %ge3A_86 = vector.broadcast %ge3A_85 : i32 to vector<16xi32>
    %ge3A_87 = arith.cmpi sge, %sub3A_84, %ge3A_86 : vector<16xi32>
    %lt3A_88 = arith.constant 5000 : i32
    %lt3A_89 = vector.broadcast %lt3A_88 : i32 to vector<16xi32>
    %lt3A_90 = arith.cmpi slt, %sub3A_84, %lt3A_89 : vector<16xi32>
    %and3A_91 = arith.andi %ge3A_87, %lt3A_90 : vector<16xi1>
    %broadcast_in_dim3A_92 = vector.broadcast %add3A_2 : i32 to vector<16xi32>
    %select_n3A_93 = arith.select %and3A_91, %sub3A_84, %broadcast_in_dim3A_92 : vector<16xi1>, vector<16xi32>
    %swap3A_94 = arith.constant 16 : index
    %swap3A_95 = tpu.vector_load %arg7[%swap3A_94] {strides = array<i32>} : memref<80xi32, #tpu.memory_space<vmem>>, vector<16xi32>,
    %swap3A_96 = vector.shape_cast %swap3A_95 : vector<16xi32> to vector<16xi32>
    %swap3A_97 = vector.shape_cast %select_n3A_93 : vector<16xi32> to vector<16xi32>
    tpu.vector_store %arg7[%swap3A_94], %swap3A_97 {strides = array<i32>} : memref<80xi32, #tpu.memory_space<vmem>>, vector<16xi32>,
    %get3A_98 = arith.constant 32 : index
    %get3A_99 = tpu.vector_load %arg7[%get3A_98] {strides = array<i32>} : memref<80xi32, #tpu.memory_space<vmem>>, vector<16xi32>,
    %get3A_100 = vector.shape_cast %get3A_99 : vector<16xi32> to vector<16xi32>
    %sub3A_101 = vector.broadcast %mul3A_1 : i32 to vector<16xi32>
    %sub3A_102 = arith.subi %get3A_100, %sub3A_101 : vector<16xi32>
    %ge3A_103 = arith.constant 0 : i32
    %ge3A_104 = vector.broadcast %ge3A_103 : i32 to vector<16xi32>
    %ge3A_105 = arith.cmpi sge, %sub3A_102, %ge3A_104 : vector<16xi32>
    %lt3A_106 = arith.constant 5000 : i32
    %lt3A_107 = vector.broadcast %lt3A_106 : i32 to vector<16xi32>
    %lt3A_108 = arith.cmpi slt, %sub3A_102, %lt3A_107 : vector<16xi32>
    %and3A_109 = arith.andi %ge3A_105, %lt3A_108 : vector<16xi1>
    %broadcast_in_dim3A_110 = vector.broadcast %add3A_2 : i32 to vector<16xi32>
    %select_n3A_111 = arith.select %and3A_109, %sub3A_102, %broadcast_in_dim3A_110 : vector<16xi1>, vector<16xi32>
    %swap3A_112 = arith.constant 32 : index
    %swap3A_113 = tpu.vector_load %arg7[%swap3A_112] {strides = array<i32>} : memref<80xi32, #tpu.memory_space<vmem>>, vector<16xi32>,
    %swap3A_114 = vector.shape_cast %swap3A_113 : vector<16xi32> to vector<16xi32>
    %swap3A_115 = vector.shape_cast %select_n3A_111 : vector<16xi32> to vector<16xi32>
    tpu.vector_store %arg7[%swap3A_112], %swap3A_115 {strides = array<i32>} : memref<80xi32, #tpu.memory_space<vmem>>, vector<16xi32>,
    %get3A_116 = arith.constant 48 : index
    %get3A_117 = tpu.vector_load %arg7[%get3A_116] {strides = array<i32>} : memref<80xi32, #tpu.memory_space<vmem>>, vector<16xi32>,
    %get3A_118 = vector.shape_cast %get3A_117 : vector<16xi32> to vector<16xi32>
    %sub3A_119 = vector.broadcast %mul3A_1 : i32 to vector<16xi32>
    %sub3A_120 = arith.subi %get3A_118, %sub3A_119 : vector<16xi32>
    %ge3A_121 = arith.constant 0 : i32
    %ge3A_122 = vector.broadcast %ge3A_121 : i32 to vector<16xi32>
    %ge3A_123 = arith.cmpi sge, %sub3A_120, %ge3A_122 : vector<16xi32>
    %lt3A_124 = arith.constant 5000 : i32
    %lt3A_125 = vector.broadcast %lt3A_124 : i32 to vector<16xi32>
    %lt3A_126 = arith.cmpi slt, %sub3A_120, %lt3A_125 : vector<16xi32>
    %and3A_127 = arith.andi %ge3A_123, %lt3A_126 : vector<16xi1>
    %broadcast_in_dim3A_128 = vector.broadcast %add3A_2 : i32 to vector<16xi32>
    %select_n3A_129 = arith.select %and3A_127, %sub3A_120, %broadcast_in_dim3A_128 : vector<16xi1>, vector<16xi32>
    %swap3A_130 = arith.constant 48 : index
    %swap3A_131 = tpu.vector_load %arg7[%swap3A_130] {strides = array<i32>} : memref<80xi32, #tpu.memory_space<vmem>>, vector<16xi32>,
    %swap3A_132 = vector.shape_cast %swap3A_131 : vector<16xi32> to vector<16xi32>
    %swap3A_133 = vector.shape_cast %select_n3A_129 : vector<16xi32> to vector<16xi32>
    tpu.vector_store %arg7[%swap3A_130], %swap3A_133 {strides = array<i32>} : memref<80xi32, #tpu.memory_space<vmem>>, vector<16xi32>,
    %get3A_134 = arith.constant 64 : index
    %get3A_135 = tpu.vector_load %arg7[%get3A_134] {strides = array<i32>} : memref<80xi32, #tpu.memory_space<vmem>>, vector<16xi32>,
    %get3A_136 = vector.shape_cast %get3A_135 : vector<16xi32> to vector<16xi32>
    %sub3A_137 = vector.broadcast %mul3A_1 : i32 to vector<16xi32>
    %sub3A_138 = arith.subi %get3A_136, %sub3A_137 : vector<16xi32>
    %ge3A_139 = arith.constant 0 : i32
    %ge3A_140 = vector.broadcast %ge3A_139 : i32 to vector<16xi32>
    %ge3A_141 = arith.cmpi sge, %sub3A_138, %ge3A_140 : vector<16xi32>
    %lt3A_142 = arith.constant 5000 : i32
    %lt3A_143 = vector.broadcast %lt3A_142 : i32 to vector<16xi32>
    %lt3A_144 = arith.cmpi slt, %sub3A_138, %lt3A_143 : vector<16xi32>
    %and3A_145 = arith.andi %ge3A_141, %lt3A_144 : vector<16xi1>
    %broadcast_in_dim3A_146 = vector.broadcast %add3A_2 : i32 to vector<16xi32>
    %select_n3A_147 = arith.select %and3A_145, %sub3A_138, %broadcast_in_dim3A_146 : vector<16xi1>, vector<16xi32>
    %swap3A_148 = arith.constant 64 : index
    %swap3A_149 = tpu.vector_load %arg7[%swap3A_148] {strides = array<i32>} : memref<80xi32, #tpu.memory_space<vmem>>, vector<16xi32>,
    %swap3A_150 = vector.shape_cast %swap3A_149 : vector<16xi32> to vector<16xi32>
    %swap3A_151 = vector.shape_cast %select_n3A_147 : vector<16xi32> to vector<16xi32>
    tpu.vector_store %arg7[%swap3A_148], %swap3A_151 {strides = array<i32>} : memref<80xi32, #tpu.memory_space<vmem>>, vector<16xi32>,
    "tpu.region"() ({
      %run_scoped3A = tpu.sem_alloc : memref<!tpu.dma_semaphore, #tpu.memory_space<semaphore_mem>>
      %dma_start3A_268 = arith.constant 0 : i32
      %dma_start3A_269 = arith.constant 0 : i32
      %dma_start3A_270 = tpu.memref_slice %arg17[%dma_start3A_268, %dma_start3A_269] : memref<5120x128xf32, #tpu.memory_space<vmem_shared>> -> memref<5120x128xf32, #tpu.memory_space<vmem_shared>>
      tpu.enqueue_indirect_dma source(%arg8 : memref<80x128xf32, #tpu.memory_space<vmem>>) target(%dma_start3A_270 : memref<5120x128xf32, #tpu.memory_space<vmem_shared>>) offsets(%arg7 : memref<80xi32, #tpu.memory_space<vmem>>) semaphore(%run_scoped3A : memref<!tpu.dma_semaphore, #tpu.memory_space<semaphore_mem>>) {add = true}
      %dma_wait3A_271 = arith.constant 0 : i32
      %dma_wait3A_272 = arith.constant 0 : i32
      %dma_wait3A_273 = tpu.memref_slice %arg17[%dma_wait3A_271, %dma_wait3A_272] : memref<5120x128xf32, #tpu.memory_space<vmem_shared>> -> memref<5120x128xf32, #tpu.memory_space<vmem_shared>>
      tpu.wait_indirect_dma semaphore(%run_scoped3A : memref<!tpu.dma_semaphore, #tpu.memory_space<semaphore_mem>>) src(%arg8 : memref<80x128xf32, #tpu.memory_space<vmem>>) dst(%dma_wait3A_273 : memref<5120x128xf32, #tpu.memory_space<vmem_shared>>)
      tpu.yield
    }) : () -> ()
    "tpu.region"() ({
      %run_scoped3A = tpu.sem_alloc : memref<!tpu.dma_semaphore, #tpu.memory_space<semaphore_mem>>
      %dma_start3A_268 = arith.constant 0 : i32
      %dma_start3A_269 = arith.constant 0 : i32
      %dma_start3A_270 = tpu.memref_slice %arg18[%dma_start3A_268, %dma_start3A_269] : memref<5120x16xf32, #tpu.memory_space<vmem_shared>> -> memref<5120x16xf32, #tpu.memory_space<vmem_shared>>
      tpu.enqueue_indirect_dma source(%arg9 : memref<80x16xf32, #tpu.memory_space<vmem>>) target(%dma_start3A_270 : memref<5120x16xf32, #tpu.memory_space<vmem_shared>>) offsets(%arg7 : memref<80xi32, #tpu.memory_space<vmem>>) semaphore(%run_scoped3A : memref<!tpu.dma_semaphore, #tpu.memory_space<semaphore_mem>>) {add = true}
      %dma_wait3A_271 = arith.constant 0 : i32
      %dma_wait3A_272 = arith.constant 0 : i32
      %dma_wait3A_273 = tpu.memref_slice %arg18[%dma_wait3A_271, %dma_wait3A_272] : memref<5120x16xf32, #tpu.memory_space<vmem_shared>> -> memref<5120x16xf32, #tpu.memory_space<vmem_shared>>
      tpu.wait_indirect_dma semaphore(%run_scoped3A : memref<!tpu.dma_semaphore, #tpu.memory_space<semaphore_mem>>) src(%arg9 : memref<80x16xf32, #tpu.memory_space<vmem>>) dst(%dma_wait3A_273 : memref<5120x16xf32, #tpu.memory_space<vmem_shared>>)
      tpu.yield
    }) : () -> ()
    %add3A_152 = arith.constant 19920 : i32
    %add3A_153 = arith.addi %mul3A_13, %add3A_152 : i32
    %dma_wait3A_154 = arith.constant 249 : i32
    %dma_wait3A_155 = arith.constant 0 : i32
    %dma_wait3A_156 = tpu.memref_slice %arg4[%arg1, %dma_wait3A_154, %dma_wait3A_155] : memref<16x250x80xi32, #tpu.memory_space<hbm>> -> memref<1x1x80xi32, #tpu.memory_space<hbm>>
    %dma_wait3A_157 = tpu.memref_squeeze %dma_wait3A_156 : memref<1x1x80xi32, #tpu.memory_space<hbm>> -> memref<80xi32, #tpu.memory_space<hbm>>
    %dma_wait3A_158 = arith.constant 0 : i32
    %dma_wait3A_159 = tpu.memref_slice %arg4[%arg1, %dma_wait3A_154, %dma_wait3A_158] : memref<16x250x80xi32, #tpu.memory_space<hbm>> -> memref<1x1x80xi32, #tpu.memory_space<hbm>>
    %dma_wait3A_160 = tpu.memref_squeeze %dma_wait3A_159 : memref<1x1x80xi32, #tpu.memory_space<hbm>> -> memref<80xi32, #tpu.memory_space<hbm>>
    tpu.wait_dma2 semaphore(%arg14 : memref<!tpu.dma_semaphore, #tpu.memory_space<semaphore_mem>>) src(%dma_wait3A_160 : memref<80xi32, #tpu.memory_space<hbm>>) dst(%arg11 : memref<80xi32, #tpu.memory_space<vmem>>)
    %dma_wait3A_161 = arith.constant 0 : i32
    %dma_wait3A_162 = tpu.memref_slice %arg2[%add3A_153, %dma_wait3A_161] : memref<320000x128xf32, #tpu.memory_space<hbm>> -> memref<80x128xf32, #tpu.memory_space<hbm>>
    %dma_wait3A_163 = arith.constant 0 : i32
    %dma_wait3A_164 = tpu.memref_slice %arg2[%add3A_153, %dma_wait3A_163] : memref<320000x128xf32, #tpu.memory_space<hbm>> -> memref<80x128xf32, #tpu.memory_space<hbm>>
    tpu.wait_dma2 semaphore(%arg14 : memref<!tpu.dma_semaphore, #tpu.memory_space<semaphore_mem>>) src(%dma_wait3A_164 : memref<80x128xf32, #tpu.memory_space<hbm>>) dst(%arg12 : memref<80x128xf32, #tpu.memory_space<vmem>>)
    %dma_wait3A_165 = arith.constant 0 : i32
    %dma_wait3A_166 = tpu.memref_slice %arg3[%add3A_153, %dma_wait3A_165] : memref<320000x16xf32, #tpu.memory_space<hbm>> -> memref<80x16xf32, #tpu.memory_space<hbm>>
    %dma_wait3A_167 = arith.constant 0 : i32
    %dma_wait3A_168 = tpu.memref_slice %arg3[%add3A_153, %dma_wait3A_167] : memref<320000x16xf32, #tpu.memory_space<hbm>> -> memref<80x16xf32, #tpu.memory_space<hbm>>
    tpu.wait_dma2 semaphore(%arg14 : memref<!tpu.dma_semaphore, #tpu.memory_space<semaphore_mem>>) src(%dma_wait3A_168 : memref<80x16xf32, #tpu.memory_space<hbm>>) dst(%arg13 : memref<80x16xf32, #tpu.memory_space<vmem>>)
    %get3A_169 = arith.constant 0 : index
    %get3A_170 = tpu.vector_load %arg11[%get3A_169] {strides = array<i32>} : memref<80xi32, #tpu.memory_space<vmem>>, vector<16xi32>,
    %get3A_171 = vector.shape_cast %get3A_170 : vector<16xi32> to vector<16xi32>
    %sub3A_172 = vector.broadcast %mul3A_1 : i32 to vector<16xi32>
    %sub3A_173 = arith.subi %get3A_171, %sub3A_172 : vector<16xi32>
    %ge3A_174 = arith.constant 0 : i32
    %ge3A_175 = vector.broadcast %ge3A_174 : i32 to vector<16xi32>
    %ge3A_176 = arith.cmpi sge, %sub3A_173, %ge3A_175 : vector<16xi32>
    %lt3A_177 = arith.constant 5000 : i32
    %lt3A_178 = vector.broadcast %lt3A_177 : i32 to vector<16xi32>
    %lt3A_179 = arith.cmpi slt, %sub3A_173, %lt3A_178 : vector<16xi32>
    %and3A_180 = arith.andi %ge3A_176, %lt3A_179 : vector<16xi1>
    %broadcast_in_dim3A_181 = vector.broadcast %add3A_2 : i32 to vector<16xi32>
    %select_n3A_182 = arith.select %and3A_180, %sub3A_173, %broadcast_in_dim3A_181 : vector<16xi1>, vector<16xi32>
    %swap3A_183 = arith.constant 0 : index
    %swap3A_184 = tpu.vector_load %arg11[%swap3A_183] {strides = array<i32>} : memref<80xi32, #tpu.memory_space<vmem>>, vector<16xi32>,
    %swap3A_185 = vector.shape_cast %swap3A_184 : vector<16xi32> to vector<16xi32>
    %swap3A_186 = vector.shape_cast %select_n3A_182 : vector<16xi32> to vector<16xi32>
    tpu.vector_store %arg11[%swap3A_183], %swap3A_186 {strides = array<i32>} : memref<80xi32, #tpu.memory_space<vmem>>, vector<16xi32>,
    %get3A_187 = arith.constant 16 : index
    %get3A_188 = tpu.vector_load %arg11[%get3A_187] {strides = array<i32>} : memref<80xi32, #tpu.memory_space<vmem>>, vector<16xi32>,
    %get3A_189 = vector.shape_cast %get3A_188 : vector<16xi32> to vector<16xi32>
    %sub3A_190 = vector.broadcast %mul3A_1 : i32 to vector<16xi32>
    %sub3A_191 = arith.subi %get3A_189, %sub3A_190 : vector<16xi32>
    %ge3A_192 = arith.constant 0 : i32
    %ge3A_193 = vector.broadcast %ge3A_192 : i32 to vector<16xi32>
    %ge3A_194 = arith.cmpi sge, %sub3A_191, %ge3A_193 : vector<16xi32>
    %lt3A_195 = arith.constant 5000 : i32
    %lt3A_196 = vector.broadcast %lt3A_195 : i32 to vector<16xi32>
    %lt3A_197 = arith.cmpi slt, %sub3A_191, %lt3A_196 : vector<16xi32>
    %and3A_198 = arith.andi %ge3A_194, %lt3A_197 : vector<16xi1>
    %broadcast_in_dim3A_199 = vector.broadcast %add3A_2 : i32 to vector<16xi32>
    %select_n3A_200 = arith.select %and3A_198, %sub3A_191, %broadcast_in_dim3A_199 : vector<16xi1>, vector<16xi32>
    %swap3A_201 = arith.constant 16 : index
    %swap3A_202 = tpu.vector_load %arg11[%swap3A_201] {strides = array<i32>} : memref<80xi32, #tpu.memory_space<vmem>>, vector<16xi32>,
    %swap3A_203 = vector.shape_cast %swap3A_202 : vector<16xi32> to vector<16xi32>
    %swap3A_204 = vector.shape_cast %select_n3A_200 : vector<16xi32> to vector<16xi32>
    tpu.vector_store %arg11[%swap3A_201], %swap3A_204 {strides = array<i32>} : memref<80xi32, #tpu.memory_space<vmem>>, vector<16xi32>,
    %get3A_205 = arith.constant 32 : index
    %get3A_206 = tpu.vector_load %arg11[%get3A_205] {strides = array<i32>} : memref<80xi32, #tpu.memory_space<vmem>>, vector<16xi32>,
    %get3A_207 = vector.shape_cast %get3A_206 : vector<16xi32> to vector<16xi32>
    %sub3A_208 = vector.broadcast %mul3A_1 : i32 to vector<16xi32>
    %sub3A_209 = arith.subi %get3A_207, %sub3A_208 : vector<16xi32>
    %ge3A_210 = arith.constant 0 : i32
    %ge3A_211 = vector.broadcast %ge3A_210 : i32 to vector<16xi32>
    %ge3A_212 = arith.cmpi sge, %sub3A_209, %ge3A_211 : vector<16xi32>
    %lt3A_213 = arith.constant 5000 : i32
    %lt3A_214 = vector.broadcast %lt3A_213 : i32 to vector<16xi32>
    %lt3A_215 = arith.cmpi slt, %sub3A_209, %lt3A_214 : vector<16xi32>
    %and3A_216 = arith.andi %ge3A_212, %lt3A_215 : vector<16xi1>
    %broadcast_in_dim3A_217 = vector.broadcast %add3A_2 : i32 to vector<16xi32>
    %select_n3A_218 = arith.select %and3A_216, %sub3A_209, %broadcast_in_dim3A_217 : vector<16xi1>, vector<16xi32>
    %swap3A_219 = arith.constant 32 : index
    %swap3A_220 = tpu.vector_load %arg11[%swap3A_219] {strides = array<i32>} : memref<80xi32, #tpu.memory_space<vmem>>, vector<16xi32>,
    %swap3A_221 = vector.shape_cast %swap3A_220 : vector<16xi32> to vector<16xi32>
    %swap3A_222 = vector.shape_cast %select_n3A_218 : vector<16xi32> to vector<16xi32>
    tpu.vector_store %arg11[%swap3A_219], %swap3A_222 {strides = array<i32>} : memref<80xi32, #tpu.memory_space<vmem>>, vector<16xi32>,
    %get3A_223 = arith.constant 48 : index
    %get3A_224 = tpu.vector_load %arg11[%get3A_223] {strides = array<i32>} : memref<80xi32, #tpu.memory_space<vmem>>, vector<16xi32>,
    %get3A_225 = vector.shape_cast %get3A_224 : vector<16xi32> to vector<16xi32>
    %sub3A_226 = vector.broadcast %mul3A_1 : i32 to vector<16xi32>
    %sub3A_227 = arith.subi %get3A_225, %sub3A_226 : vector<16xi32>
    %ge3A_228 = arith.constant 0 : i32
    %ge3A_229 = vector.broadcast %ge3A_228 : i32 to vector<16xi32>
    %ge3A_230 = arith.cmpi sge, %sub3A_227, %ge3A_229 : vector<16xi32>
    %lt3A_231 = arith.constant 5000 : i32
    %lt3A_232 = vector.broadcast %lt3A_231 : i32 to vector<16xi32>
    %lt3A_233 = arith.cmpi slt, %sub3A_227, %lt3A_232 : vector<16xi32>
    %and3A_234 = arith.andi %ge3A_230, %lt3A_233 : vector<16xi1>
    %broadcast_in_dim3A_235 = vector.broadcast %add3A_2 : i32 to vector<16xi32>
    %select_n3A_236 = arith.select %and3A_234, %sub3A_227, %broadcast_in_dim3A_235 : vector<16xi1>, vector<16xi32>
    %swap3A_237 = arith.constant 48 : index
    %swap3A_238 = tpu.vector_load %arg11[%swap3A_237] {strides = array<i32>} : memref<80xi32, #tpu.memory_space<vmem>>, vector<16xi32>,
    %swap3A_239 = vector.shape_cast %swap3A_238 : vector<16xi32> to vector<16xi32>
    %swap3A_240 = vector.shape_cast %select_n3A_236 : vector<16xi32> to vector<16xi32>
    tpu.vector_store %arg11[%swap3A_237], %swap3A_240 {strides = array<i32>} : memref<80xi32, #tpu.memory_space<vmem>>, vector<16xi32>,
    %get3A_241 = arith.constant 64 : index
    %get3A_242 = tpu.vector_load %arg11[%get3A_241] {strides = array<i32>} : memref<80xi32, #tpu.memory_space<vmem>>, vector<16xi32>,
    %get3A_243 = vector.shape_cast %get3A_242 : vector<16xi32> to vector<16xi32>
    %sub3A_244 = vector.broadcast %mul3A_1 : i32 to vector<16xi32>
    %sub3A_245 = arith.subi %get3A_243, %sub3A_244 : vector<16xi32>
    %ge3A_246 = arith.constant 0 : i32
    %ge3A_247 = vector.broadcast %ge3A_246 : i32 to vector<16xi32>
    %ge3A_248 = arith.cmpi sge, %sub3A_245, %ge3A_247 : vector<16xi32>
    %lt3A_249 = arith.constant 5000 : i32
    %lt3A_250 = vector.broadcast %lt3A_249 : i32 to vector<16xi32>
    %lt3A_251 = arith.cmpi slt, %sub3A_245, %lt3A_250 : vector<16xi32>
    %and3A_252 = arith.andi %ge3A_248, %lt3A_251 : vector<16xi1>
    %broadcast_in_dim3A_253 = vector.broadcast %add3A_2 : i32 to vector<16xi32>
    %select_n3A_254 = arith.select %and3A_252, %sub3A_245, %broadcast_in_dim3A_253 : vector<16xi1>, vector<16xi32>
    %swap3A_255 = arith.constant 64 : index
    %swap3A_256 = tpu.vector_load %arg11[%swap3A_255] {strides = array<i32>} : memref<80xi32, #tpu.memory_space<vmem>>, vector<16xi32>,
    %swap3A_257 = vector.shape_cast %swap3A_256 : vector<16xi32> to vector<16xi32>
    %swap3A_258 = vector.shape_cast %select_n3A_254 : vector<16xi32> to vector<16xi32>
    tpu.vector_store %arg11[%swap3A_255], %swap3A_258 {strides = array<i32>} : memref<80xi32, #tpu.memory_space<vmem>>, vector<16xi32>,
    "tpu.region"() ({
      %run_scoped3A = tpu.sem_alloc : memref<!tpu.dma_semaphore, #tpu.memory_space<semaphore_mem>>
      %dma_start3A_268 = arith.constant 0 : i32
      %dma_start3A_269 = arith.constant 0 : i32
      %dma_start3A_270 = tpu.memref_slice %arg17[%dma_start3A_268, %dma_start3A_269] : memref<5120x128xf32, #tpu.memory_space<vmem_shared>> -> memref<5120x128xf32, #tpu.memory_space<vmem_shared>>
      tpu.enqueue_indirect_dma source(%arg12 : memref<80x128xf32, #tpu.memory_space<vmem>>) target(%dma_start3A_270 : memref<5120x128xf32, #tpu.memory_space<vmem_shared>>) offsets(%arg11 : memref<80xi32, #tpu.memory_space<vmem>>) semaphore(%run_scoped3A : memref<!tpu.dma_semaphore, #tpu.memory_space<semaphore_mem>>) {add = true}
      %dma_wait3A_271 = arith.constant 0 : i32
      %dma_wait3A_272 = arith.constant 0 : i32
      %dma_wait3A_273 = tpu.memref_slice %arg17[%dma_wait3A_271, %dma_wait3A_272] : memref<5120x128xf32, #tpu.memory_space<vmem_shared>> -> memref<5120x128xf32, #tpu.memory_space<vmem_shared>>
      tpu.wait_indirect_dma semaphore(%run_scoped3A : memref<!tpu.dma_semaphore, #tpu.memory_space<semaphore_mem>>) src(%arg12 : memref<80x128xf32, #tpu.memory_space<vmem>>) dst(%dma_wait3A_273 : memref<5120x128xf32, #tpu.memory_space<vmem_shared>>)
      tpu.yield
    }) : () -> ()
    "tpu.region"() ({
      %run_scoped3A = tpu.sem_alloc : memref<!tpu.dma_semaphore, #tpu.memory_space<semaphore_mem>>
      %dma_start3A_268 = arith.constant 0 : i32
      %dma_start3A_269 = arith.constant 0 : i32
      %dma_start3A_270 = tpu.memref_slice %arg18[%dma_start3A_268, %dma_start3A_269] : memref<5120x16xf32, #tpu.memory_space<vmem_shared>> -> memref<5120x16xf32, #tpu.memory_space<vmem_shared>>
      tpu.enqueue_indirect_dma source(%arg13 : memref<80x16xf32, #tpu.memory_space<vmem>>) target(%dma_start3A_270 : memref<5120x16xf32, #tpu.memory_space<vmem_shared>>) offsets(%arg11 : memref<80xi32, #tpu.memory_space<vmem>>) semaphore(%run_scoped3A : memref<!tpu.dma_semaphore, #tpu.memory_space<semaphore_mem>>) {add = true}
      %dma_wait3A_271 = arith.constant 0 : i32
      %dma_wait3A_272 = arith.constant 0 : i32
      %dma_wait3A_273 = tpu.memref_slice %arg18[%dma_wait3A_271, %dma_wait3A_272] : memref<5120x16xf32, #tpu.memory_space<vmem_shared>> -> memref<5120x16xf32, #tpu.memory_space<vmem_shared>>
      tpu.wait_indirect_dma semaphore(%run_scoped3A : memref<!tpu.dma_semaphore, #tpu.memory_space<semaphore_mem>>) src(%arg13 : memref<80x16xf32, #tpu.memory_space<vmem>>) dst(%dma_wait3A_273 : memref<5120x16xf32, #tpu.memory_space<vmem_shared>>)
      tpu.yield
    }) : () -> ()
    %barrier3A_259 = arith.constant 0 : index
    tpu.barrier barrier_id(%barrier3A_259)
    %mul3A_260 = arith.constant 320 : i32
    %mul3A_261 = arith.muli %arg1, %mul3A_260 : i32
    %mul3A_262 = arith.constant 320 : i32
    %mul3A_263 = arith.muli %arg1, %mul3A_262 : i32
    "tpu.region"() ({
      %run_scoped3A = tpu.sem_alloc : memref<!tpu.dma_semaphore, #tpu.memory_space<semaphore_mem>>
      %dma_start3A_268 = arith.constant 0 : i32
      %dma_start3A_269 = tpu.memref_slice %arg5[%arg0, %mul3A_263, %dma_start3A_268] : memref<2x5120x128xf32, #tpu.memory_space<hbm>> -> memref<1x320x128xf32, #tpu.memory_space<hbm>>
      %dma_start3A_270 = tpu.memref_squeeze %dma_start3A_269 : memref<1x320x128xf32, #tpu.memory_space<hbm>> -> memref<320x128xf32, #tpu.memory_space<hbm>>
      %dma_start3A_271 = arith.constant 0 : i32
      %dma_start3A_272 = tpu.memref_slice %arg17[%mul3A_261, %dma_start3A_271] : memref<5120x128xf32, #tpu.memory_space<vmem_shared>> -> memref<320x128xf32, #tpu.memory_space<vmem_shared>>
      tpu.enqueue_dma source(%dma_start3A_272 : memref<320x128xf32, #tpu.memory_space<vmem_shared>>) target(%dma_start3A_270 : memref<320x128xf32, #tpu.memory_space<hbm>>) target_semaphore(%run_scoped3A : memref<!tpu.dma_semaphore, #tpu.memory_space<semaphore_mem>>)
      %dma_wait3A_273 = arith.constant 0 : i32
      %dma_wait3A_274 = tpu.memref_slice %arg5[%arg0, %mul3A_263, %dma_wait3A_273] : memref<2x5120x128xf32, #tpu.memory_space<hbm>> -> memref<1x320x128xf32, #tpu.memory_space<hbm>>
      %dma_wait3A_275 = tpu.memref_squeeze %dma_wait3A_274 : memref<1x320x128xf32, #tpu.memory_space<hbm>> -> memref<320x128xf32, #tpu.memory_space<hbm>>
      %dma_wait3A_276 = arith.constant 0 : i32
      %dma_wait3A_277 = tpu.memref_slice %arg17[%mul3A_261, %dma_wait3A_276] : memref<5120x128xf32, #tpu.memory_space<vmem_shared>> -> memref<320x128xf32, #tpu.memory_space<vmem_shared>>
      tpu.wait_dma2 semaphore(%run_scoped3A : memref<!tpu.dma_semaphore, #tpu.memory_space<semaphore_mem>>) src(%dma_wait3A_277 : memref<320x128xf32, #tpu.memory_space<vmem_shared>>) dst(%dma_wait3A_275 : memref<320x128xf32, #tpu.memory_space<hbm>>)
      tpu.yield
    }) : () -> ()
    %mul3A_264 = arith.constant 320 : i32
    %mul3A_265 = arith.muli %arg1, %mul3A_264 : i32
    %mul3A_266 = arith.constant 320 : i32
    %mul3A_267 = arith.muli %arg1, %mul3A_266 : i32
    "tpu.region"() ({
      %run_scoped3A = tpu.sem_alloc : memref<!tpu.dma_semaphore, #tpu.memory_space<semaphore_mem>>
      %dma_start3A_268 = arith.constant 0 : i32
      %dma_start3A_269 = tpu.memref_slice %arg6[%arg0, %mul3A_267, %dma_start3A_268] : memref<2x5120x16xf32, #tpu.memory_space<hbm>> -> memref<1x320x16xf32, #tpu.memory_space<hbm>>
      %dma_start3A_270 = tpu.memref_squeeze %dma_start3A_269 : memref<1x320x16xf32, #tpu.memory_space<hbm>> -> memref<320x16xf32, #tpu.memory_space<hbm>>
      %dma_start3A_271 = arith.constant 0 : i32
      %dma_start3A_272 = tpu.memref_slice %arg18[%mul3A_265, %dma_start3A_271] : memref<5120x16xf32, #tpu.memory_space<vmem_shared>> -> memref<320x16xf32, #tpu.memory_space<vmem_shared>>
      tpu.enqueue_dma source(%dma_start3A_272 : memref<320x16xf32, #tpu.memory_space<vmem_shared>>) target(%dma_start3A_270 : memref<320x16xf32, #tpu.memory_space<hbm>>) target_semaphore(%run_scoped3A : memref<!tpu.dma_semaphore, #tpu.memory_space<semaphore_mem>>)
      %dma_wait3A_273 = arith.constant 0 : i32
      %dma_wait3A_274 = tpu.memref_slice %arg6[%arg0, %mul3A_267, %dma_wait3A_273] : memref<2x5120x16xf32, #tpu.memory_space<hbm>> -> memref<1x320x16xf32, #tpu.memory_space<hbm>>
      %dma_wait3A_275 = tpu.memref_squeeze %dma_wait3A_274 : memref<1x320x16xf32, #tpu.memory_space<hbm>> -> memref<320x16xf32, #tpu.memory_space<hbm>>
      %dma_wait3A_276 = arith.constant 0 : i32
      %dma_wait3A_277 = tpu.memref_slice %arg18[%mul3A_265, %dma_wait3A_276] : memref<5120x16xf32, #tpu.memory_space<vmem_shared>> -> memref<320x16xf32, #tpu.memory_space<vmem_shared>>
      tpu.wait_dma2 semaphore(%run_scoped3A : memref<!tpu.dma_semaphore, #tpu.memory_space<semaphore_mem>>) src(%dma_wait3A_277 : memref<320x16xf32, #tpu.memory_space<vmem_shared>>) dst(%dma_wait3A_275 : memref<320x16xf32, #tpu.memory_space<hbm>>)
      tpu.yield
    }) : () -> ()
    return
  }
}

#map = affine_map<(d0, d1) -> (0, 0)>
#map1 = affine_map<(d0, d1) -> (0, 0, 0)>
module attributes {stable_mosaic.version = 14 : i64} {
  func.func @_gather_body(%arg0: i32, %arg1: i32, %arg2: memref<10000x128xf32, #tpu.memory_space<hbm>>, %arg3: memref<32x125x80xi32, #tpu.memory_space<hbm>>, %arg4: memref<32x125x80xi32, #tpu.memory_space<hbm>>, %arg5: memref<320000x128xf32, #tpu.memory_space<hbm>>, %arg6: memref<320000x128xf32, #tpu.memory_space<hbm>>, %arg7: memref<125x80xi32, #tpu.memory_space<vmem>>, %arg8: memref<125x80xi32, #tpu.memory_space<vmem>>, %arg9: memref<80x128xf32, #tpu.memory_space<vmem>>, %arg10: memref<80x128xf32, #tpu.memory_space<vmem>>, %arg11: memref<!tpu.dma_semaphore, #tpu.memory_space<semaphore_mem>>, %arg12: memref<80x128xf32, #tpu.memory_space<vmem>>, %arg13: memref<80x128xf32, #tpu.memory_space<vmem>>, %arg14: memref<!tpu.dma_semaphore, #tpu.memory_space<semaphore_mem>>) attributes {dimension_semantics = [#tpu.dimension_semantics<core_parallel>, #tpu.dimension_semantics<subcore_parallel>], iteration_bounds = array<i64: 2, 16>, scalar_prefetch = 0 : i64, scratch_operands = 8 : i64, tpu.core_type = #tpu.core_type<sc_vector_subcore>, window_params = [{transform_indices = #map}, {transform_indices = #map1}, {transform_indices = #map1}, {transform_indices = #map}, {transform_indices = #map}]} {
    %mul3A = arith.constant 2 : i32
    %mul3A_0 = arith.muli %arg1, %mul3A : i32
    %add3A = arith.addi %mul3A_0, %arg0 : i32
    %mul3A_1 = arith.constant 10000 : i32
    %mul3A_2 = arith.muli %add3A, %mul3A_1 : i32
    "tpu.region"() ({
      %run_scoped3A = tpu.sem_alloc : memref<!tpu.dma_semaphore, #tpu.memory_space<semaphore_mem>>
      %dma_start3A_36 = arith.constant 0 : i32
      %dma_start3A_37 = arith.constant 0 : i32
      %dma_start3A_38 = tpu.memref_slice %arg3[%add3A, %dma_start3A_36, %dma_start3A_37] : memref<32x125x80xi32, #tpu.memory_space<hbm>> -> memref<1x125x80xi32, #tpu.memory_space<hbm>>
      %dma_start3A_39 = tpu.memref_squeeze %dma_start3A_38 : memref<1x125x80xi32, #tpu.memory_space<hbm>> -> memref<125x80xi32, #tpu.memory_space<hbm>>
      %dma_start3A_40 = arith.constant 0 : i32
      %dma_start3A_41 = arith.constant 0 : i32
      %dma_start3A_42 = tpu.memref_slice %arg3[%add3A, %dma_start3A_40, %dma_start3A_41] : memref<32x125x80xi32, #tpu.memory_space<hbm>> -> memref<1x125x80xi32, #tpu.memory_space<hbm>>
      %dma_start3A_43 = tpu.memref_squeeze %dma_start3A_42 : memref<1x125x80xi32, #tpu.memory_space<hbm>> -> memref<125x80xi32, #tpu.memory_space<hbm>>
      tpu.enqueue_dma source(%dma_start3A_43 : memref<125x80xi32, #tpu.memory_space<hbm>>) target(%arg7 : memref<125x80xi32, #tpu.memory_space<vmem>>) target_semaphore(%run_scoped3A : memref<!tpu.dma_semaphore, #tpu.memory_space<semaphore_mem>>)
      %dma_wait3A_44 = arith.constant 0 : i32
      %dma_wait3A_45 = arith.constant 0 : i32
      %dma_wait3A_46 = tpu.memref_slice %arg3[%add3A, %dma_wait3A_44, %dma_wait3A_45] : memref<32x125x80xi32, #tpu.memory_space<hbm>> -> memref<1x125x80xi32, #tpu.memory_space<hbm>>
      %dma_wait3A_47 = tpu.memref_squeeze %dma_wait3A_46 : memref<1x125x80xi32, #tpu.memory_space<hbm>> -> memref<125x80xi32, #tpu.memory_space<hbm>>
      %dma_wait3A_48 = arith.constant 0 : i32
      %dma_wait3A_49 = arith.constant 0 : i32
      %dma_wait3A_50 = tpu.memref_slice %arg3[%add3A, %dma_wait3A_48, %dma_wait3A_49] : memref<32x125x80xi32, #tpu.memory_space<hbm>> -> memref<1x125x80xi32, #tpu.memory_space<hbm>>
      %dma_wait3A_51 = tpu.memref_squeeze %dma_wait3A_50 : memref<1x125x80xi32, #tpu.memory_space<hbm>> -> memref<125x80xi32, #tpu.memory_space<hbm>>
      tpu.wait_dma2 semaphore(%run_scoped3A : memref<!tpu.dma_semaphore, #tpu.memory_space<semaphore_mem>>) src(%dma_wait3A_51 : memref<125x80xi32, #tpu.memory_space<hbm>>) dst(%arg7 : memref<125x80xi32, #tpu.memory_space<vmem>>)
      tpu.yield
    }) : () -> ()
    "tpu.region"() ({
      %run_scoped3A = tpu.sem_alloc : memref<!tpu.dma_semaphore, #tpu.memory_space<semaphore_mem>>
      %dma_start3A_36 = arith.constant 0 : i32
      %dma_start3A_37 = arith.constant 0 : i32
      %dma_start3A_38 = tpu.memref_slice %arg4[%add3A, %dma_start3A_36, %dma_start3A_37] : memref<32x125x80xi32, #tpu.memory_space<hbm>> -> memref<1x125x80xi32, #tpu.memory_space<hbm>>
      %dma_start3A_39 = tpu.memref_squeeze %dma_start3A_38 : memref<1x125x80xi32, #tpu.memory_space<hbm>> -> memref<125x80xi32, #tpu.memory_space<hbm>>
      %dma_start3A_40 = arith.constant 0 : i32
      %dma_start3A_41 = arith.constant 0 : i32
      %dma_start3A_42 = tpu.memref_slice %arg4[%add3A, %dma_start3A_40, %dma_start3A_41] : memref<32x125x80xi32, #tpu.memory_space<hbm>> -> memref<1x125x80xi32, #tpu.memory_space<hbm>>
      %dma_start3A_43 = tpu.memref_squeeze %dma_start3A_42 : memref<1x125x80xi32, #tpu.memory_space<hbm>> -> memref<125x80xi32, #tpu.memory_space<hbm>>
      tpu.enqueue_dma source(%dma_start3A_43 : memref<125x80xi32, #tpu.memory_space<hbm>>) target(%arg8 : memref<125x80xi32, #tpu.memory_space<vmem>>) target_semaphore(%run_scoped3A : memref<!tpu.dma_semaphore, #tpu.memory_space<semaphore_mem>>)
      %dma_wait3A_44 = arith.constant 0 : i32
      %dma_wait3A_45 = arith.constant 0 : i32
      %dma_wait3A_46 = tpu.memref_slice %arg4[%add3A, %dma_wait3A_44, %dma_wait3A_45] : memref<32x125x80xi32, #tpu.memory_space<hbm>> -> memref<1x125x80xi32, #tpu.memory_space<hbm>>
      %dma_wait3A_47 = tpu.memref_squeeze %dma_wait3A_46 : memref<1x125x80xi32, #tpu.memory_space<hbm>> -> memref<125x80xi32, #tpu.memory_space<hbm>>
      %dma_wait3A_48 = arith.constant 0 : i32
      %dma_wait3A_49 = arith.constant 0 : i32
      %dma_wait3A_50 = tpu.memref_slice %arg4[%add3A, %dma_wait3A_48, %dma_wait3A_49] : memref<32x125x80xi32, #tpu.memory_space<hbm>> -> memref<1x125x80xi32, #tpu.memory_space<hbm>>
      %dma_wait3A_51 = tpu.memref_squeeze %dma_wait3A_50 : memref<1x125x80xi32, #tpu.memory_space<hbm>> -> memref<125x80xi32, #tpu.memory_space<hbm>>
      tpu.wait_dma2 semaphore(%run_scoped3A : memref<!tpu.dma_semaphore, #tpu.memory_space<semaphore_mem>>) src(%dma_wait3A_51 : memref<125x80xi32, #tpu.memory_space<hbm>>) dst(%arg8 : memref<125x80xi32, #tpu.memory_space<vmem>>)
      tpu.yield
    }) : () -> ()
    %dma_start3A = arith.constant 0 : i32
    %dma_start3A_3 = arith.constant 0 : i32
    %dma_start3A_4 = tpu.memref_slice %arg7[%dma_start3A, %dma_start3A_3] : memref<125x80xi32, #tpu.memory_space<vmem>> -> memref<1x80xi32, #tpu.memory_space<vmem>>
    %dma_start3A_5 = tpu.memref_squeeze %dma_start3A_4 : memref<1x80xi32, #tpu.memory_space<vmem>> -> memref<80xi32, #tpu.memory_space<vmem>>
    %dma_start3A_6 = arith.constant 0 : i32
    %dma_start3A_7 = arith.constant 0 : i32
    %dma_start3A_8 = tpu.memref_slice %arg2[%dma_start3A_6, %dma_start3A_7] : memref<10000x128xf32, #tpu.memory_space<hbm>> -> memref<10000x128xf32, #tpu.memory_space<hbm>>
    tpu.enqueue_indirect_dma source(%dma_start3A_8 : memref<10000x128xf32, #tpu.memory_space<hbm>>) target(%arg9 : memref<80x128xf32, #tpu.memory_space<vmem>>) offsets(%dma_start3A_5 : memref<80xi32, #tpu.memory_space<vmem>>) semaphore(%arg11 : memref<!tpu.dma_semaphore, #tpu.memory_space<semaphore_mem>>)
    %dma_start3A_9 = arith.constant 0 : i32
    %dma_start3A_10 = arith.constant 0 : i32
    %dma_start3A_11 = tpu.memref_slice %arg8[%dma_start3A_9, %dma_start3A_10] : memref<125x80xi32, #tpu.memory_space<vmem>> -> memref<1x80xi32, #tpu.memory_space<vmem>>
    %dma_start3A_12 = tpu.memref_squeeze %dma_start3A_11 : memref<1x80xi32, #tpu.memory_space<vmem>> -> memref<80xi32, #tpu.memory_space<vmem>>
    %dma_start3A_13 = arith.constant 0 : i32
    %dma_start3A_14 = arith.constant 0 : i32
    %dma_start3A_15 = tpu.memref_slice %arg2[%dma_start3A_13, %dma_start3A_14] : memref<10000x128xf32, #tpu.memory_space<hbm>> -> memref<10000x128xf32, #tpu.memory_space<hbm>>
    tpu.enqueue_indirect_dma source(%dma_start3A_15 : memref<10000x128xf32, #tpu.memory_space<hbm>>) target(%arg10 : memref<80x128xf32, #tpu.memory_space<vmem>>) offsets(%dma_start3A_12 : memref<80xi32, #tpu.memory_space<vmem>>) semaphore(%arg11 : memref<!tpu.dma_semaphore, #tpu.memory_space<semaphore_mem>>)
    %scan3A = arith.constant 0 : i32
    %scan3A_16 = arith.constant 0 : i32
    %scan3A_17 = arith.constant 62 : i32
    %scan3A_18 = arith.addi %scan3A_16, %scan3A_17 : i32
    %scan3A_19 = arith.constant 1 : i32
    scf.for %scan3A_36 = %scan3A_16 to %scan3A_18 step %scan3A_19  : i32 {
      %mul3A_37 = arith.constant 2 : i32
      %mul3A_38 = arith.muli %mul3A_37, %scan3A_36 : i32
      %add3A_39 = arith.constant 1 : i32
      %add3A_40 = arith.addi %mul3A_38, %add3A_39 : i32
      %dma_start3A_41 = arith.constant 0 : i32
      %dma_start3A_42 = tpu.memref_slice %arg7[%add3A_40, %dma_start3A_41] : memref<125x80xi32, #tpu.memory_space<vmem>> -> memref<1x80xi32, #tpu.memory_space<vmem>>
      %dma_start3A_43 = tpu.memref_squeeze %dma_start3A_42 : memref<1x80xi32, #tpu.memory_space<vmem>> -> memref<80xi32, #tpu.memory_space<vmem>>
      %dma_start3A_44 = arith.constant 0 : i32
      %dma_start3A_45 = arith.constant 0 : i32
      %dma_start3A_46 = tpu.memref_slice %arg2[%dma_start3A_44, %dma_start3A_45] : memref<10000x128xf32, #tpu.memory_space<hbm>> -> memref<10000x128xf32, #tpu.memory_space<hbm>>
      tpu.enqueue_indirect_dma source(%dma_start3A_46 : memref<10000x128xf32, #tpu.memory_space<hbm>>) target(%arg12 : memref<80x128xf32, #tpu.memory_space<vmem>>) offsets(%dma_start3A_43 : memref<80xi32, #tpu.memory_space<vmem>>) semaphore(%arg14 : memref<!tpu.dma_semaphore, #tpu.memory_space<semaphore_mem>>)
      %dma_start3A_47 = arith.constant 0 : i32
      %dma_start3A_48 = tpu.memref_slice %arg8[%add3A_40, %dma_start3A_47] : memref<125x80xi32, #tpu.memory_space<vmem>> -> memref<1x80xi32, #tpu.memory_space<vmem>>
      %dma_start3A_49 = tpu.memref_squeeze %dma_start3A_48 : memref<1x80xi32, #tpu.memory_space<vmem>> -> memref<80xi32, #tpu.memory_space<vmem>>
      %dma_start3A_50 = arith.constant 0 : i32
      %dma_start3A_51 = arith.constant 0 : i32
      %dma_start3A_52 = tpu.memref_slice %arg2[%dma_start3A_50, %dma_start3A_51] : memref<10000x128xf32, #tpu.memory_space<hbm>> -> memref<10000x128xf32, #tpu.memory_space<hbm>>
      tpu.enqueue_indirect_dma source(%dma_start3A_52 : memref<10000x128xf32, #tpu.memory_space<hbm>>) target(%arg13 : memref<80x128xf32, #tpu.memory_space<vmem>>) offsets(%dma_start3A_49 : memref<80xi32, #tpu.memory_space<vmem>>) semaphore(%arg14 : memref<!tpu.dma_semaphore, #tpu.memory_space<semaphore_mem>>)
      %mul3A_53 = arith.constant 80 : i32
      %mul3A_54 = arith.muli %mul3A_38, %mul3A_53 : i32
      %add3A_55 = arith.addi %mul3A_2, %mul3A_54 : i32
      %dma_wait3A_56 = arith.constant 0 : i32
      %dma_wait3A_57 = tpu.memref_slice %arg7[%mul3A_38, %dma_wait3A_56] : memref<125x80xi32, #tpu.memory_space<vmem>> -> memref<1x80xi32, #tpu.memory_space<vmem>>
      %dma_wait3A_58 = tpu.memref_squeeze %dma_wait3A_57 : memref<1x80xi32, #tpu.memory_space<vmem>> -> memref<80xi32, #tpu.memory_space<vmem>>
      %dma_wait3A_59 = arith.constant 0 : i32
      %dma_wait3A_60 = arith.constant 0 : i32
      %dma_wait3A_61 = tpu.memref_slice %arg2[%dma_wait3A_59, %dma_wait3A_60] : memref<10000x128xf32, #tpu.memory_space<hbm>> -> memref<10000x128xf32, #tpu.memory_space<hbm>>
      tpu.wait_indirect_dma semaphore(%arg11 : memref<!tpu.dma_semaphore, #tpu.memory_space<semaphore_mem>>) src(%dma_wait3A_61 : memref<10000x128xf32, #tpu.memory_space<hbm>>) dst(%arg9 : memref<80x128xf32, #tpu.memory_space<vmem>>)
      %dma_wait3A_62 = arith.constant 0 : i32
      %dma_wait3A_63 = tpu.memref_slice %arg8[%mul3A_38, %dma_wait3A_62] : memref<125x80xi32, #tpu.memory_space<vmem>> -> memref<1x80xi32, #tpu.memory_space<vmem>>
      %dma_wait3A_64 = tpu.memref_squeeze %dma_wait3A_63 : memref<1x80xi32, #tpu.memory_space<vmem>> -> memref<80xi32, #tpu.memory_space<vmem>>
      %dma_wait3A_65 = arith.constant 0 : i32
      %dma_wait3A_66 = arith.constant 0 : i32
      %dma_wait3A_67 = tpu.memref_slice %arg2[%dma_wait3A_65, %dma_wait3A_66] : memref<10000x128xf32, #tpu.memory_space<hbm>> -> memref<10000x128xf32, #tpu.memory_space<hbm>>
      tpu.wait_indirect_dma semaphore(%arg11 : memref<!tpu.dma_semaphore, #tpu.memory_space<semaphore_mem>>) src(%dma_wait3A_67 : memref<10000x128xf32, #tpu.memory_space<hbm>>) dst(%arg10 : memref<80x128xf32, #tpu.memory_space<vmem>>)
      "tpu.region"() ({
        %run_scoped3A = tpu.sem_alloc : memref<!tpu.dma_semaphore, #tpu.memory_space<semaphore_mem>>
        %dma_start3A_99 = arith.constant 0 : i32
        %dma_start3A_100 = tpu.memref_slice %arg5[%add3A_55, %dma_start3A_99] : memref<320000x128xf32, #tpu.memory_space<hbm>> -> memref<80x128xf32, #tpu.memory_space<hbm>>
        %dma_start3A_101 = arith.constant 0 : i32
        %dma_start3A_102 = tpu.memref_slice %arg5[%add3A_55, %dma_start3A_101] : memref<320000x128xf32, #tpu.memory_space<hbm>> -> memref<80x128xf32, #tpu.memory_space<hbm>>
        tpu.enqueue_dma source(%arg9 : memref<80x128xf32, #tpu.memory_space<vmem>>) target(%dma_start3A_102 : memref<80x128xf32, #tpu.memory_space<hbm>>) target_semaphore(%run_scoped3A : memref<!tpu.dma_semaphore, #tpu.memory_space<semaphore_mem>>)
        %dma_wait3A_103 = arith.constant 0 : i32
        %dma_wait3A_104 = tpu.memref_slice %arg5[%add3A_55, %dma_wait3A_103] : memref<320000x128xf32, #tpu.memory_space<hbm>> -> memref<80x128xf32, #tpu.memory_space<hbm>>
        %dma_wait3A_105 = arith.constant 0 : i32
        %dma_wait3A_106 = tpu.memref_slice %arg5[%add3A_55, %dma_wait3A_105] : memref<320000x128xf32, #tpu.memory_space<hbm>> -> memref<80x128xf32, #tpu.memory_space<hbm>>
        tpu.wait_dma2 semaphore(%run_scoped3A : memref<!tpu.dma_semaphore, #tpu.memory_space<semaphore_mem>>) src(%arg9 : memref<80x128xf32, #tpu.memory_space<vmem>>) dst(%dma_wait3A_106 : memref<80x128xf32, #tpu.memory_space<hbm>>)
        tpu.yield
      }) : () -> ()
      "tpu.region"() ({
        %run_scoped3A = tpu.sem_alloc : memref<!tpu.dma_semaphore, #tpu.memory_space<semaphore_mem>>
        %dma_start3A_99 = arith.constant 0 : i32
        %dma_start3A_100 = tpu.memref_slice %arg6[%add3A_55, %dma_start3A_99] : memref<320000x128xf32, #tpu.memory_space<hbm>> -> memref<80x128xf32, #tpu.memory_space<hbm>>
        %dma_start3A_101 = arith.constant 0 : i32
        %dma_start3A_102 = tpu.memref_slice %arg6[%add3A_55, %dma_start3A_101] : memref<320000x128xf32, #tpu.memory_space<hbm>> -> memref<80x128xf32, #tpu.memory_space<hbm>>
        tpu.enqueue_dma source(%arg10 : memref<80x128xf32, #tpu.memory_space<vmem>>) target(%dma_start3A_102 : memref<80x128xf32, #tpu.memory_space<hbm>>) target_semaphore(%run_scoped3A : memref<!tpu.dma_semaphore, #tpu.memory_space<semaphore_mem>>)
        %dma_wait3A_103 = arith.constant 0 : i32
        %dma_wait3A_104 = tpu.memref_slice %arg6[%add3A_55, %dma_wait3A_103] : memref<320000x128xf32, #tpu.memory_space<hbm>> -> memref<80x128xf32, #tpu.memory_space<hbm>>
        %dma_wait3A_105 = arith.constant 0 : i32
        %dma_wait3A_106 = tpu.memref_slice %arg6[%add3A_55, %dma_wait3A_105] : memref<320000x128xf32, #tpu.memory_space<hbm>> -> memref<80x128xf32, #tpu.memory_space<hbm>>
        tpu.wait_dma2 semaphore(%run_scoped3A : memref<!tpu.dma_semaphore, #tpu.memory_space<semaphore_mem>>) src(%arg10 : memref<80x128xf32, #tpu.memory_space<vmem>>) dst(%dma_wait3A_106 : memref<80x128xf32, #tpu.memory_space<hbm>>)
        tpu.yield
      }) : () -> ()
      %add3A_68 = arith.constant 2 : i32
      %add3A_69 = arith.addi %mul3A_38, %add3A_68 : i32
      %dma_start3A_70 = arith.constant 0 : i32
      %dma_start3A_71 = tpu.memref_slice %arg7[%add3A_69, %dma_start3A_70] : memref<125x80xi32, #tpu.memory_space<vmem>> -> memref<1x80xi32, #tpu.memory_space<vmem>>
      %dma_start3A_72 = tpu.memref_squeeze %dma_start3A_71 : memref<1x80xi32, #tpu.memory_space<vmem>> -> memref<80xi32, #tpu.memory_space<vmem>>
      %dma_start3A_73 = arith.constant 0 : i32
      %dma_start3A_74 = arith.constant 0 : i32
      %dma_start3A_75 = tpu.memref_slice %arg2[%dma_start3A_73, %dma_start3A_74] : memref<10000x128xf32, #tpu.memory_space<hbm>> -> memref<10000x128xf32, #tpu.memory_space<hbm>>
      tpu.enqueue_indirect_dma source(%dma_start3A_75 : memref<10000x128xf32, #tpu.memory_space<hbm>>) target(%arg9 : memref<80x128xf32, #tpu.memory_space<vmem>>) offsets(%dma_start3A_72 : memref<80xi32, #tpu.memory_space<vmem>>) semaphore(%arg11 : memref<!tpu.dma_semaphore, #tpu.memory_space<semaphore_mem>>)
      %dma_start3A_76 = arith.constant 0 : i32
      %dma_start3A_77 = tpu.memref_slice %arg8[%add3A_69, %dma_start3A_76] : memref<125x80xi32, #tpu.memory_space<vmem>> -> memref<1x80xi32, #tpu.memory_space<vmem>>
      %dma_start3A_78 = tpu.memref_squeeze %dma_start3A_77 : memref<1x80xi32, #tpu.memory_space<vmem>> -> memref<80xi32, #tpu.memory_space<vmem>>
      %dma_start3A_79 = arith.constant 0 : i32
      %dma_start3A_80 = arith.constant 0 : i32
      %dma_start3A_81 = tpu.memref_slice %arg2[%dma_start3A_79, %dma_start3A_80] : memref<10000x128xf32, #tpu.memory_space<hbm>> -> memref<10000x128xf32, #tpu.memory_space<hbm>>
      tpu.enqueue_indirect_dma source(%dma_start3A_81 : memref<10000x128xf32, #tpu.memory_space<hbm>>) target(%arg10 : memref<80x128xf32, #tpu.memory_space<vmem>>) offsets(%dma_start3A_78 : memref<80xi32, #tpu.memory_space<vmem>>) semaphore(%arg11 : memref<!tpu.dma_semaphore, #tpu.memory_space<semaphore_mem>>)
      %add3A_82 = arith.constant 1 : i32
      %add3A_83 = arith.addi %mul3A_38, %add3A_82 : i32
      %mul3A_84 = arith.constant 80 : i32
      %mul3A_85 = arith.muli %add3A_83, %mul3A_84 : i32
      %add3A_86 = arith.addi %mul3A_2, %mul3A_85 : i32
      %dma_wait3A_87 = arith.constant 0 : i32
      %dma_wait3A_88 = tpu.memref_slice %arg7[%add3A_83, %dma_wait3A_87] : memref<125x80xi32, #tpu.memory_space<vmem>> -> memref<1x80xi32, #tpu.memory_space<vmem>>
      %dma_wait3A_89 = tpu.memref_squeeze %dma_wait3A_88 : memref<1x80xi32, #tpu.memory_space<vmem>> -> memref<80xi32, #tpu.memory_space<vmem>>
      %dma_wait3A_90 = arith.constant 0 : i32
      %dma_wait3A_91 = arith.constant 0 : i32
      %dma_wait3A_92 = tpu.memref_slice %arg2[%dma_wait3A_90, %dma_wait3A_91] : memref<10000x128xf32, #tpu.memory_space<hbm>> -> memref<10000x128xf32, #tpu.memory_space<hbm>>
      tpu.wait_indirect_dma semaphore(%arg14 : memref<!tpu.dma_semaphore, #tpu.memory_space<semaphore_mem>>) src(%dma_wait3A_92 : memref<10000x128xf32, #tpu.memory_space<hbm>>) dst(%arg12 : memref<80x128xf32, #tpu.memory_space<vmem>>)
      %dma_wait3A_93 = arith.constant 0 : i32
      %dma_wait3A_94 = tpu.memref_slice %arg8[%add3A_83, %dma_wait3A_93] : memref<125x80xi32, #tpu.memory_space<vmem>> -> memref<1x80xi32, #tpu.memory_space<vmem>>
      %dma_wait3A_95 = tpu.memref_squeeze %dma_wait3A_94 : memref<1x80xi32, #tpu.memory_space<vmem>> -> memref<80xi32, #tpu.memory_space<vmem>>
      %dma_wait3A_96 = arith.constant 0 : i32
      %dma_wait3A_97 = arith.constant 0 : i32
      %dma_wait3A_98 = tpu.memref_slice %arg2[%dma_wait3A_96, %dma_wait3A_97] : memref<10000x128xf32, #tpu.memory_space<hbm>> -> memref<10000x128xf32, #tpu.memory_space<hbm>>
      tpu.wait_indirect_dma semaphore(%arg14 : memref<!tpu.dma_semaphore, #tpu.memory_space<semaphore_mem>>) src(%dma_wait3A_98 : memref<10000x128xf32, #tpu.memory_space<hbm>>) dst(%arg13 : memref<80x128xf32, #tpu.memory_space<vmem>>)
      "tpu.region"() ({
        %run_scoped3A = tpu.sem_alloc : memref<!tpu.dma_semaphore, #tpu.memory_space<semaphore_mem>>
        %dma_start3A_99 = arith.constant 0 : i32
        %dma_start3A_100 = tpu.memref_slice %arg5[%add3A_86, %dma_start3A_99] : memref<320000x128xf32, #tpu.memory_space<hbm>> -> memref<80x128xf32, #tpu.memory_space<hbm>>
        %dma_start3A_101 = arith.constant 0 : i32
        %dma_start3A_102 = tpu.memref_slice %arg5[%add3A_86, %dma_start3A_101] : memref<320000x128xf32, #tpu.memory_space<hbm>> -> memref<80x128xf32, #tpu.memory_space<hbm>>
        tpu.enqueue_dma source(%arg12 : memref<80x128xf32, #tpu.memory_space<vmem>>) target(%dma_start3A_102 : memref<80x128xf32, #tpu.memory_space<hbm>>) target_semaphore(%run_scoped3A : memref<!tpu.dma_semaphore, #tpu.memory_space<semaphore_mem>>)
        %dma_wait3A_103 = arith.constant 0 : i32
        %dma_wait3A_104 = tpu.memref_slice %arg5[%add3A_86, %dma_wait3A_103] : memref<320000x128xf32, #tpu.memory_space<hbm>> -> memref<80x128xf32, #tpu.memory_space<hbm>>
        %dma_wait3A_105 = arith.constant 0 : i32
        %dma_wait3A_106 = tpu.memref_slice %arg5[%add3A_86, %dma_wait3A_105] : memref<320000x128xf32, #tpu.memory_space<hbm>> -> memref<80x128xf32, #tpu.memory_space<hbm>>
        tpu.wait_dma2 semaphore(%run_scoped3A : memref<!tpu.dma_semaphore, #tpu.memory_space<semaphore_mem>>) src(%arg12 : memref<80x128xf32, #tpu.memory_space<vmem>>) dst(%dma_wait3A_106 : memref<80x128xf32, #tpu.memory_space<hbm>>)
        tpu.yield
      }) : () -> ()
      "tpu.region"() ({
        %run_scoped3A = tpu.sem_alloc : memref<!tpu.dma_semaphore, #tpu.memory_space<semaphore_mem>>
        %dma_start3A_99 = arith.constant 0 : i32
        %dma_start3A_100 = tpu.memref_slice %arg6[%add3A_86, %dma_start3A_99] : memref<320000x128xf32, #tpu.memory_space<hbm>> -> memref<80x128xf32, #tpu.memory_space<hbm>>
        %dma_start3A_101 = arith.constant 0 : i32
        %dma_start3A_102 = tpu.memref_slice %arg6[%add3A_86, %dma_start3A_101] : memref<320000x128xf32, #tpu.memory_space<hbm>> -> memref<80x128xf32, #tpu.memory_space<hbm>>
        tpu.enqueue_dma source(%arg13 : memref<80x128xf32, #tpu.memory_space<vmem>>) target(%dma_start3A_102 : memref<80x128xf32, #tpu.memory_space<hbm>>) target_semaphore(%run_scoped3A : memref<!tpu.dma_semaphore, #tpu.memory_space<semaphore_mem>>)
        %dma_wait3A_103 = arith.constant 0 : i32
        %dma_wait3A_104 = tpu.memref_slice %arg6[%add3A_86, %dma_wait3A_103] : memref<320000x128xf32, #tpu.memory_space<hbm>> -> memref<80x128xf32, #tpu.memory_space<hbm>>
        %dma_wait3A_105 = arith.constant 0 : i32
        %dma_wait3A_106 = tpu.memref_slice %arg6[%add3A_86, %dma_wait3A_105] : memref<320000x128xf32, #tpu.memory_space<hbm>> -> memref<80x128xf32, #tpu.memory_space<hbm>>
        tpu.wait_dma2 semaphore(%run_scoped3A : memref<!tpu.dma_semaphore, #tpu.memory_space<semaphore_mem>>) src(%arg13 : memref<80x128xf32, #tpu.memory_space<vmem>>) dst(%dma_wait3A_106 : memref<80x128xf32, #tpu.memory_space<hbm>>)
        tpu.yield
      }) : () -> ()
    }
    %scan3A_20 = arith.constant 62 : i32
    %add3A_21 = arith.constant 9920 : i32
    %add3A_22 = arith.addi %mul3A_2, %add3A_21 : i32
    %dma_wait3A = arith.constant 124 : i32
    %dma_wait3A_23 = arith.constant 0 : i32
    %dma_wait3A_24 = tpu.memref_slice %arg7[%dma_wait3A, %dma_wait3A_23] : memref<125x80xi32, #tpu.memory_space<vmem>> -> memref<1x80xi32, #tpu.memory_space<vmem>>
    %dma_wait3A_25 = tpu.memref_squeeze %dma_wait3A_24 : memref<1x80xi32, #tpu.memory_space<vmem>> -> memref<80xi32, #tpu.memory_space<vmem>>
    %dma_wait3A_26 = arith.constant 0 : i32
    %dma_wait3A_27 = arith.constant 0 : i32
    %dma_wait3A_28 = tpu.memref_slice %arg2[%dma_wait3A_26, %dma_wait3A_27] : memref<10000x128xf32, #tpu.memory_space<hbm>> -> memref<10000x128xf32, #tpu.memory_space<hbm>>
    tpu.wait_indirect_dma semaphore(%arg11 : memref<!tpu.dma_semaphore, #tpu.memory_space<semaphore_mem>>) src(%dma_wait3A_28 : memref<10000x128xf32, #tpu.memory_space<hbm>>) dst(%arg9 : memref<80x128xf32, #tpu.memory_space<vmem>>)
    %dma_wait3A_29 = arith.constant 124 : i32
    %dma_wait3A_30 = arith.constant 0 : i32
    %dma_wait3A_31 = tpu.memref_slice %arg8[%dma_wait3A_29, %dma_wait3A_30] : memref<125x80xi32, #tpu.memory_space<vmem>> -> memref<1x80xi32, #tpu.memory_space<vmem>>
    %dma_wait3A_32 = tpu.memref_squeeze %dma_wait3A_31 : memref<1x80xi32, #tpu.memory_space<vmem>> -> memref<80xi32, #tpu.memory_space<vmem>>
    %dma_wait3A_33 = arith.constant 0 : i32
    %dma_wait3A_34 = arith.constant 0 : i32
    %dma_wait3A_35 = tpu.memref_slice %arg2[%dma_wait3A_33, %dma_wait3A_34] : memref<10000x128xf32, #tpu.memory_space<hbm>> -> memref<10000x128xf32, #tpu.memory_space<hbm>>
    tpu.wait_indirect_dma semaphore(%arg11 : memref<!tpu.dma_semaphore, #tpu.memory_space<semaphore_mem>>) src(%dma_wait3A_35 : memref<10000x128xf32, #tpu.memory_space<hbm>>) dst(%arg10 : memref<80x128xf32, #tpu.memory_space<vmem>>)
    "tpu.region"() ({
      %run_scoped3A = tpu.sem_alloc : memref<!tpu.dma_semaphore, #tpu.memory_space<semaphore_mem>>
      %dma_start3A_36 = arith.constant 0 : i32
      %dma_start3A_37 = tpu.memref_slice %arg5[%add3A_22, %dma_start3A_36] : memref<320000x128xf32, #tpu.memory_space<hbm>> -> memref<80x128xf32, #tpu.memory_space<hbm>>
      %dma_start3A_38 = arith.constant 0 : i32
      %dma_start3A_39 = tpu.memref_slice %arg5[%add3A_22, %dma_start3A_38] : memref<320000x128xf32, #tpu.memory_space<hbm>> -> memref<80x128xf32, #tpu.memory_space<hbm>>
      tpu.enqueue_dma source(%arg9 : memref<80x128xf32, #tpu.memory_space<vmem>>) target(%dma_start3A_39 : memref<80x128xf32, #tpu.memory_space<hbm>>) target_semaphore(%run_scoped3A : memref<!tpu.dma_semaphore, #tpu.memory_space<semaphore_mem>>)
      %dma_wait3A_40 = arith.constant 0 : i32
      %dma_wait3A_41 = tpu.memref_slice %arg5[%add3A_22, %dma_wait3A_40] : memref<320000x128xf32, #tpu.memory_space<hbm>> -> memref<80x128xf32, #tpu.memory_space<hbm>>
      %dma_wait3A_42 = arith.constant 0 : i32
      %dma_wait3A_43 = tpu.memref_slice %arg5[%add3A_22, %dma_wait3A_42] : memref<320000x128xf32, #tpu.memory_space<hbm>> -> memref<80x128xf32, #tpu.memory_space<hbm>>
      tpu.wait_dma2 semaphore(%run_scoped3A : memref<!tpu.dma_semaphore, #tpu.memory_space<semaphore_mem>>) src(%arg9 : memref<80x128xf32, #tpu.memory_space<vmem>>) dst(%dma_wait3A_43 : memref<80x128xf32, #tpu.memory_space<hbm>>)
      tpu.yield
    }) : () -> ()
    "tpu.region"() ({
      %run_scoped3A = tpu.sem_alloc : memref<!tpu.dma_semaphore, #tpu.memory_space<semaphore_mem>>
      %dma_start3A_36 = arith.constant 0 : i32
      %dma_start3A_37 = tpu.memref_slice %arg6[%add3A_22, %dma_start3A_36] : memref<320000x128xf32, #tpu.memory_space<hbm>> -> memref<80x128xf32, #tpu.memory_space<hbm>>
      %dma_start3A_38 = arith.constant 0 : i32
      %dma_start3A_39 = tpu.memref_slice %arg6[%add3A_22, %dma_start3A_38] : memref<320000x128xf32, #tpu.memory_space<hbm>> -> memref<80x128xf32, #tpu.memory_space<hbm>>
      tpu.enqueue_dma source(%arg10 : memref<80x128xf32, #tpu.memory_space<vmem>>) target(%dma_start3A_39 : memref<80x128xf32, #tpu.memory_space<hbm>>) target_semaphore(%run_scoped3A : memref<!tpu.dma_semaphore, #tpu.memory_space<semaphore_mem>>)
      %dma_wait3A_40 = arith.constant 0 : i32
      %dma_wait3A_41 = tpu.memref_slice %arg6[%add3A_22, %dma_wait3A_40] : memref<320000x128xf32, #tpu.memory_space<hbm>> -> memref<80x128xf32, #tpu.memory_space<hbm>>
      %dma_wait3A_42 = arith.constant 0 : i32
      %dma_wait3A_43 = tpu.memref_slice %arg6[%add3A_22, %dma_wait3A_42] : memref<320000x128xf32, #tpu.memory_space<hbm>> -> memref<80x128xf32, #tpu.memory_space<hbm>>
      tpu.wait_dma2 semaphore(%run_scoped3A : memref<!tpu.dma_semaphore, #tpu.memory_space<semaphore_mem>>) src(%arg10 : memref<80x128xf32, #tpu.memory_space<vmem>>) dst(%dma_wait3A_43 : memref<80x128xf32, #tpu.memory_space<hbm>>)
      tpu.yield
    }) : () -> ()
    return
  }
}

module attributes {stable_mosaic.version = 14 : i64} {
  func.func @_edge_body(%arg0: i32, %arg1: memref<4000x128xf32, #tpu.memory_space<vmem>>, %arg2: memref<4000x128xf32, #tpu.memory_space<vmem>>, %arg3: memref<4000x128xf32, #tpu.memory_space<vmem>>, %arg4: memref<128x128xf32, #tpu.memory_space<vmem>>, %arg5: memref<128x256xf32, #tpu.memory_space<vmem>>, %arg6: memref<1x128xf32, #tpu.memory_space<vmem>>, %arg7: memref<1x256xf32, #tpu.memory_space<vmem>>, %arg8: memref<128x256xf32, #tpu.memory_space<vmem>>, %arg9: memref<1x256xf32, #tpu.memory_space<vmem>>, %arg10: memref<128x8xf32, #tpu.memory_space<vmem>>, %arg11: memref<128x128xf32, #tpu.memory_space<vmem>>, %arg12: memref<1x128xf32, #tpu.memory_space<vmem>>, %arg13: memref<8x128xf32, #tpu.memory_space<vmem>>, %arg14: memref<4000x128xf32, #tpu.memory_space<vmem>>, %arg15: memref<4000x16xf32, #tpu.memory_space<vmem>>, %arg16: memref<4000x128xf32, #tpu.memory_space<vmem>>) attributes {dimension_semantics = [#tpu.dimension_semantics<arbitrary>], iteration_bounds = array<i64: 80>, scalar_prefetch = 0 : i64, scratch_operands = 0 : i64, tpu.core_type = #tpu.core_type<tc>, window_params = [{transform_indices = @transform_0, window_bounds = array<i64: 4000, 128>}, {transform_indices = @transform_1, window_bounds = array<i64: 4000, 128>}, {transform_indices = @transform_2, window_bounds = array<i64: 4000, 128>}, {pipeline_mode = #tpu.pipeline_mode<synchronous>, transform_indices = @transform_3, window_bounds = array<i64: 128, 128>}, {pipeline_mode = #tpu.pipeline_mode<synchronous>, transform_indices = @transform_4, window_bounds = array<i64: 128, 256>}, {pipeline_mode = #tpu.pipeline_mode<synchronous>, transform_indices = @transform_5, window_bounds = array<i64: 1, 128>}, {pipeline_mode = #tpu.pipeline_mode<synchronous>, transform_indices = @transform_6, window_bounds = array<i64: 1, 256>}, {pipeline_mode = #tpu.pipeline_mode<synchronous>, transform_indices = @transform_7, window_bounds = array<i64: 128, 256>}, {pipeline_mode = #tpu.pipeline_mode<synchronous>, transform_indices = @transform_8, window_bounds = array<i64: 1, 256>}, {pipeline_mode = #tpu.pipeline_mode<synchronous>, transform_indices = @transform_9, window_bounds = array<i64: 128, 8>}, {pipeline_mode = #tpu.pipeline_mode<synchronous>, transform_indices = @transform_10, window_bounds = array<i64: 128, 128>}, {pipeline_mode = #tpu.pipeline_mode<synchronous>, transform_indices = @transform_11, window_bounds = array<i64: 1, 128>}, {pipeline_mode = #tpu.pipeline_mode<synchronous>, transform_indices = @transform_12, window_bounds = array<i64: 8, 128>}, {transform_indices = @transform_13, window_bounds = array<i64: 4000, 128>}, {transform_indices = @transform_14, window_bounds = array<i64: 4000, 16>}, {transform_indices = @transform_15, window_bounds = array<i64: 4000, 128>}]} {
    %get3A = arith.constant 0 : index
    %get3A_0 = arith.constant 0 : index
    %get3A_1 = vector.load %arg1[%get3A, %get3A_0] : memref<4000x128xf32, #tpu.memory_space<vmem>>, vector<4000x128xf32>
    %get3A_2 = arith.constant 0 : index
    %get3A_3 = arith.constant 0 : index
    %get3A_4 = vector.load %arg8[%get3A_2, %get3A_3] : memref<128x256xf32, #tpu.memory_space<vmem>>, vector<128x256xf32>
    %dot_general3A = arith.constant dense<0.000000e+00> : vector<4000x256xf32>
    %dot_general3A_5 = tpu.matmul %get3A_1, %get3A_4, %dot_general3A {dimension_numbers = #tpu.dot_dimension_numbers<[1], [0], [0], [1], [0, 0, 1, 1], [], []>, transpose_lhs_hint = false} : vector<4000x128xf32>, vector<128x256xf32>, vector<4000x256xf32> -> vector<4000x256xf32>
    %get3A_6 = arith.constant 0 : index
    %get3A_7 = arith.constant 0 : index
    %get3A_8 = vector.load %arg9[%get3A_6, %get3A_7] : memref<1x256xf32, #tpu.memory_space<vmem>>, vector<1x256xf32>
    %add3A = vector.broadcast %get3A_8 : vector<1x256xf32> to vector<4000x256xf32>
    %add3A_9 = arith.addf %dot_general3A_5, %add3A : vector<4000x256xf32>
    %slice3A = vector.extract_strided_slice %add3A_9 {offsets = [0, 0], sizes = [4000, 128], strides = [1, 1]} : vector<4000x256xf32> to vector<4000x128xf32>
    %slice3A_10 = vector.extract_strided_slice %add3A_9 {offsets = [0, 128], sizes = [4000, 128], strides = [1, 1]} : vector<4000x256xf32> to vector<4000x128xf32>
    %get3A_11 = arith.constant 0 : index
    %get3A_12 = arith.constant 0 : index
    %get3A_13 = vector.load %arg3[%get3A_11, %get3A_12] : memref<4000x128xf32, #tpu.memory_space<vmem>>, vector<4000x128xf32>
    %get3A_14 = arith.constant 0 : index
    %get3A_15 = arith.constant 0 : index
    %get3A_16 = vector.load %arg5[%get3A_14, %get3A_15] : memref<128x256xf32, #tpu.memory_space<vmem>>, vector<128x256xf32>
    %dot_general3A_17 = arith.constant dense<0.000000e+00> : vector<4000x256xf32>
    %dot_general3A_18 = tpu.matmul %get3A_13, %get3A_16, %dot_general3A_17 {dimension_numbers = #tpu.dot_dimension_numbers<[1], [0], [0], [1], [0, 0, 1, 1], [], []>, transpose_lhs_hint = false} : vector<4000x128xf32>, vector<128x256xf32>, vector<4000x256xf32> -> vector<4000x256xf32>
    %get3A_19 = arith.constant 0 : index
    %get3A_20 = arith.constant 0 : index
    %get3A_21 = vector.load %arg7[%get3A_19, %get3A_20] : memref<1x256xf32, #tpu.memory_space<vmem>>, vector<1x256xf32>
    %add3A_22 = vector.broadcast %get3A_21 : vector<1x256xf32> to vector<4000x256xf32>
    %add3A_23 = arith.addf %dot_general3A_18, %add3A_22 : vector<4000x256xf32>
    %get3A_24 = arith.constant 0 : index
    %get3A_25 = arith.constant 0 : index
    %get3A_26 = vector.load %arg2[%get3A_24, %get3A_25] : memref<4000x128xf32, #tpu.memory_space<vmem>>, vector<4000x128xf32>
    %get3A_27 = arith.constant 0 : index
    %get3A_28 = arith.constant 0 : index
    %get3A_29 = vector.load %arg4[%get3A_27, %get3A_28] : memref<128x128xf32, #tpu.memory_space<vmem>>, vector<128x128xf32>
    %dot_general3A_30 = arith.constant dense<0.000000e+00> : vector<4000x128xf32>
    %dot_general3A_31 = tpu.matmul %get3A_26, %get3A_29, %dot_general3A_30 {dimension_numbers = #tpu.dot_dimension_numbers<[1], [0], [0], [1], [0, 0, 1, 1], [], []>, transpose_lhs_hint = false} : vector<4000x128xf32>, vector<128x128xf32>, vector<4000x128xf32> -> vector<4000x128xf32>
    %slice3A_32 = vector.extract_strided_slice %add3A_23 {offsets = [0, 0], sizes = [4000, 128], strides = [1, 1]} : vector<4000x256xf32> to vector<4000x128xf32>
    %add3A_33 = arith.addf %dot_general3A_31, %slice3A_32 : vector<4000x128xf32>
    %get3A_34 = arith.constant 0 : index
    %get3A_35 = arith.constant 0 : index
    %get3A_36 = vector.load %arg6[%get3A_34, %get3A_35] : memref<1x128xf32, #tpu.memory_space<vmem>>, vector<1x128xf32>
    %add3A_37 = vector.broadcast %get3A_36 : vector<1x128xf32> to vector<4000x128xf32>
    %add3A_38 = arith.addf %add3A_33, %add3A_37 : vector<4000x128xf32>
    %mul3A = arith.mulf %add3A_38, %slice3A : vector<4000x128xf32>
    %abs3A = math.absf %mul3A : vector<4000x128xf32>
    %sign3A = tpu.bitcast %mul3A : vector<4000x128xf32> -> vector<4000x128xi32>
    %sign3A_39 = arith.constant -2147483648 : i32
    %sign3A_40 = vector.broadcast %sign3A_39 : i32 to vector<4000x128xi32>
    %sign3A_41 = arith.andi %sign3A, %sign3A_40 : vector<4000x128xi32>
    %sign3A_42 = arith.constant 1065353216 : i32
    %sign3A_43 = vector.broadcast %sign3A_42 : i32 to vector<4000x128xi32>
    %sign3A_44 = arith.ori %sign3A_43, %sign3A_41 : vector<4000x128xi32>
    %sign3A_45 = tpu.bitcast %sign3A_44 : vector<4000x128xi32> -> vector<4000x128xf32>
    %sign3A_46 = math.absf %mul3A : vector<4000x128xf32>
    %sign3A_47 = arith.constant 0.000000e+00 : f32
    %sign3A_48 = vector.broadcast %sign3A_47 : f32 to vector<4000x128xf32>
    %sign3A_49 = arith.cmpf ogt, %sign3A_46, %sign3A_48 : vector<4000x128xf32>
    %sign3A_50 = arith.select %sign3A_49, %sign3A_45, %mul3A : vector<4000x128xi1>, vector<4000x128xf32>
    %gt3A = arith.constant 0.000000e+00 : f32
    %gt3A_51 = vector.broadcast %gt3A : f32 to vector<4000x128xf32>
    %gt3A_52 = arith.cmpf ogt, %abs3A, %gt3A_51 : vector<4000x128xf32>
    %jit3A = arith.constant 1.000000e+00 : f32
    %broadcast_in_dim3A = vector.broadcast %jit3A : f32 to vector<4000x128xf32>
    %select_n3A = arith.select %gt3A_52, %abs3A, %broadcast_in_dim3A : vector<4000x128xi1>, vector<4000x128xf32>
    %sqrt3A = math.sqrt %select_n3A : vector<4000x128xf32>
    %mul3A_53 = arith.mulf %sign3A_50, %sqrt3A : vector<4000x128xf32>
    %gt3A_54 = arith.constant 0.000000e+00 : f32
    %gt3A_55 = vector.broadcast %gt3A_54 : f32 to vector<4000x128xf32>
    %gt3A_56 = arith.cmpf ogt, %abs3A, %gt3A_55 : vector<4000x128xf32>
    %convert_element_type3A = arith.extui %gt3A_56 : vector<4000x128xi1> to vector<4000x128xi32>
    %convert_element_type3A_57 = arith.sitofp %convert_element_type3A : vector<4000x128xi32> to vector<4000x128xf32>
    %mul3A_58 = arith.mulf %mul3A_53, %convert_element_type3A_57 : vector<4000x128xf32>
    %add3A_59 = arith.addf %mul3A_58, %slice3A_10 : vector<4000x128xf32>
    %max3A = arith.constant 0.000000e+00 : f32
    %max3A_60 = vector.broadcast %max3A : f32 to vector<4000x128xf32>
    %max3A_61 = arith.maximumf %add3A_59, %max3A_60 : vector<4000x128xf32>
    %get3A_62 = arith.constant 0 : index
    %get3A_63 = arith.constant 0 : index
    %get3A_64 = vector.load %arg10[%get3A_62, %get3A_63] : memref<128x8xf32, #tpu.memory_space<vmem>>, vector<128x8xf32>
    %dot_general3A_65 = arith.constant dense<0.000000e+00> : vector<4000x8xf32>
    %dot_general3A_66 = tpu.matmul %max3A_61, %get3A_64, %dot_general3A_65 {dimension_numbers = #tpu.dot_dimension_numbers<[1], [0], [0], [1], [0, 0, 1, 1], [], []>, transpose_lhs_hint = false} : vector<4000x128xf32>, vector<128x8xf32>, vector<4000x8xf32> -> vector<4000x8xf32>
    %jit3A_67 = arith.constant -5.000000e+00 : f32
    %jit3A_68 = arith.constant 5.000000e+00 : f32
    %max3A_69 = vector.broadcast %jit3A_67 : f32 to vector<4000x8xf32>
    %max3A_70 = arith.maximumf %max3A_69, %dot_general3A_66 : vector<4000x8xf32>
    %min3A = vector.broadcast %jit3A_68 : f32 to vector<4000x8xf32>
    %min3A_71 = arith.minimumf %min3A, %max3A_70 : vector<4000x8xf32>
    %exp3A = math.exp %min3A_71 : vector<4000x8xf32>
    %get3A_72 = arith.constant 0 : index
    %get3A_73 = arith.constant 0 : index
    %get3A_74 = vector.load %arg11[%get3A_72, %get3A_73] : memref<128x128xf32, #tpu.memory_space<vmem>>, vector<128x128xf32>
    %dot_general3A_75 = arith.constant dense<0.000000e+00> : vector<4000x128xf32>
    %dot_general3A_76 = tpu.matmul %max3A_61, %get3A_74, %dot_general3A_75 {dimension_numbers = #tpu.dot_dimension_numbers<[1], [0], [0], [1], [0, 0, 1, 1], [], []>, transpose_lhs_hint = false} : vector<4000x128xf32>, vector<128x128xf32>, vector<4000x128xf32> -> vector<4000x128xf32>
    %get3A_77 = arith.constant 0 : index
    %get3A_78 = arith.constant 0 : index
    %get3A_79 = vector.load %arg12[%get3A_77, %get3A_78] : memref<1x128xf32, #tpu.memory_space<vmem>>, vector<1x128xf32>
    %add3A_80 = vector.broadcast %get3A_79 : vector<1x128xf32> to vector<4000x128xf32>
    %add3A_81 = arith.addf %dot_general3A_76, %add3A_80 : vector<4000x128xf32>
    %slice3A_82 = vector.extract_strided_slice %add3A_23 {offsets = [0, 128], sizes = [4000, 128], strides = [1, 1]} : vector<4000x256xf32> to vector<4000x128xf32>
    %add3A_83 = arith.addf %slice3A_82, %add3A_81 : vector<4000x128xf32>
    %get3A_84 = arith.constant 0 : index
    %get3A_85 = arith.constant 0 : index
    %get3A_86 = vector.load %arg13[%get3A_84, %get3A_85] : memref<8x128xf32, #tpu.memory_space<vmem>>, vector<8x128xf32>
    %dot_general3A_87 = arith.constant dense<0.000000e+00> : vector<4000x128xf32>
    %dot_general3A_88 = tpu.matmul %exp3A, %get3A_86, %dot_general3A_87 {dimension_numbers = #tpu.dot_dimension_numbers<[1], [0], [0], [1], [0, 0, 1, 1], [], []>, transpose_lhs_hint = false} : vector<4000x8xf32>, vector<8x128xf32>, vector<4000x128xf32> -> vector<4000x128xf32>
    %mul3A_89 = arith.mulf %add3A_83, %dot_general3A_88 : vector<4000x128xf32>
    %swap3A = arith.constant 0 : index
    %swap3A_90 = arith.constant 0 : index
    %swap3A_91 = vector.load %arg14[%swap3A, %swap3A_90] : memref<4000x128xf32, #tpu.memory_space<vmem>>, vector<4000x128xf32>
    tpu.vector_store %arg14[%swap3A, %swap3A_90], %mul3A_89 {strides = array<i32>} : memref<4000x128xf32, #tpu.memory_space<vmem>>, vector<4000x128xf32>,
    %swap3A_92 = arith.constant 0 : index
    %swap3A_93 = arith.constant 0 : index
    %swap3A_94 = vector.load %arg15[%swap3A_92, %swap3A_93] : memref<4000x16xf32, #tpu.memory_space<vmem>>, vector<4000x8xf32>
    tpu.vector_store %arg15[%swap3A_92, %swap3A_93], %exp3A {strides = array<i32>} : memref<4000x16xf32, #tpu.memory_space<vmem>>, vector<4000x8xf32>,
    %broadcast_in_dim3A_95 = arith.constant 0.000000e+00 : f32
    %broadcast_in_dim3A_96 = vector.broadcast %broadcast_in_dim3A_95 : f32 to vector<4000x8xf32>
    %swap3A_97 = arith.constant 0 : index
    %swap3A_98 = arith.constant 8 : index
    %swap3A_99 = vector.load %arg15[%swap3A_97, %swap3A_98] : memref<4000x16xf32, #tpu.memory_space<vmem>>, vector<4000x8xf32>
    tpu.vector_store %arg15[%swap3A_97, %swap3A_98], %broadcast_in_dim3A_96 {strides = array<i32>} : memref<4000x16xf32, #tpu.memory_space<vmem>>, vector<4000x8xf32>,
    %swap3A_100 = arith.constant 0 : index
    %swap3A_101 = arith.constant 0 : index
    %swap3A_102 = vector.load %arg16[%swap3A_100, %swap3A_101] : memref<4000x128xf32, #tpu.memory_space<vmem>>, vector<4000x128xf32>
    tpu.vector_store %arg16[%swap3A_100, %swap3A_101], %add3A_81 {strides = array<i32>} : memref<4000x128xf32, #tpu.memory_space<vmem>>, vector<4000x128xf32>,
    return
  }
  func.func @transform_0(%arg0: i32) -> (i32, i32) {
    %c0_i32 = arith.constant 0 : i32
    %c0_i32_0 = arith.constant 0 : i32
    return %arg0, %c0_i32 : i32, i32
  }
  func.func @transform_1(%arg0: i32) -> (i32, i32) {
    %c0_i32 = arith.constant 0 : i32
    %c0_i32_0 = arith.constant 0 : i32
    return %arg0, %c0_i32 : i32, i32
  }
  func.func @transform_2(%arg0: i32) -> (i32, i32) {
    %c0_i32 = arith.constant 0 : i32
    %c0_i32_0 = arith.constant 0 : i32
    return %arg0, %c0_i32 : i32, i32
  }
  func.func @transform_3(%arg0: i32) -> (i32, i32) {
    %c0_i32 = arith.constant 0 : i32
    %c0_i32_0 = arith.constant 0 : i32
    %c0_i32_1 = arith.constant 0 : i32
    return %c0_i32, %c0_i32_0 : i32, i32
  }
  func.func @transform_4(%arg0: i32) -> (i32, i32) {
    %c0_i32 = arith.constant 0 : i32
    %c0_i32_0 = arith.constant 0 : i32
    %c0_i32_1 = arith.constant 0 : i32
    return %c0_i32, %c0_i32_0 : i32, i32
  }
  func.func @transform_5(%arg0: i32) -> (i32, i32) {
    %c0_i32 = arith.constant 0 : i32
    %c0_i32_0 = arith.constant 0 : i32
    %c0_i32_1 = arith.constant 0 : i32
    return %c0_i32, %c0_i32_0 : i32, i32
  }
  func.func @transform_6(%arg0: i32) -> (i32, i32) {
    %c0_i32 = arith.constant 0 : i32
    %c0_i32_0 = arith.constant 0 : i32
    %c0_i32_1 = arith.constant 0 : i32
    return %c0_i32, %c0_i32_0 : i32, i32
  }
  func.func @transform_7(%arg0: i32) -> (i32, i32) {
    %c0_i32 = arith.constant 0 : i32
    %c0_i32_0 = arith.constant 0 : i32
    %c0_i32_1 = arith.constant 0 : i32
    return %c0_i32, %c0_i32_0 : i32, i32
  }
  func.func @transform_8(%arg0: i32) -> (i32, i32) {
    %c0_i32 = arith.constant 0 : i32
    %c0_i32_0 = arith.constant 0 : i32
    %c0_i32_1 = arith.constant 0 : i32
    return %c0_i32, %c0_i32_0 : i32, i32
  }
  func.func @transform_9(%arg0: i32) -> (i32, i32) {
    %c0_i32 = arith.constant 0 : i32
    %c0_i32_0 = arith.constant 0 : i32
    %c0_i32_1 = arith.constant 0 : i32
    return %c0_i32, %c0_i32_0 : i32, i32
  }
  func.func @transform_10(%arg0: i32) -> (i32, i32) {
    %c0_i32 = arith.constant 0 : i32
    %c0_i32_0 = arith.constant 0 : i32
    %c0_i32_1 = arith.constant 0 : i32
    return %c0_i32, %c0_i32_0 : i32, i32
  }
  func.func @transform_11(%arg0: i32) -> (i32, i32) {
    %c0_i32 = arith.constant 0 : i32
    %c0_i32_0 = arith.constant 0 : i32
    %c0_i32_1 = arith.constant 0 : i32
    return %c0_i32, %c0_i32_0 : i32, i32
  }
  func.func @transform_12(%arg0: i32) -> (i32, i32) {
    %c0_i32 = arith.constant 0 : i32
    %c0_i32_0 = arith.constant 0 : i32
    %c0_i32_1 = arith.constant 0 : i32
    return %c0_i32, %c0_i32_0 : i32, i32
  }
  func.func @transform_13(%arg0: i32) -> (i32, i32) {
    %c0_i32 = arith.constant 0 : i32
    %c0_i32_0 = arith.constant 0 : i32
    return %arg0, %c0_i32 : i32, i32
  }
  func.func @transform_14(%arg0: i32) -> (i32, i32) {
    %c0_i32 = arith.constant 0 : i32
    %c0_i32_0 = arith.constant 0 : i32
    return %arg0, %c0_i32 : i32, i32
  }
  func.func @transform_15(%arg0: i32) -> (i32, i32) {
    %c0_i32 = arith.constant 0 : i32
    %c0_i32_0 = arith.constant 0 : i32
    return %arg0, %c0_i32 : i32, i32
  }
}

module attributes {stable_mosaic.version = 14 : i64} {
  func.func @_conn_body(%arg0: i32, %arg1: memref<4000x128xf32, #tpu.memory_space<vmem>>, %arg2: memref<4000x128xf32, #tpu.memory_space<vmem>>, %arg3: memref<128x128xf32, #tpu.memory_space<vmem>>, %arg4: memref<1x128xf32, #tpu.memory_space<vmem>>, %arg5: memref<1x128xf32, #tpu.memory_space<vmem>>, %arg6: memref<1x128xf32, #tpu.memory_space<vmem>>, %arg7: memref<1x128xf32, #tpu.memory_space<vmem>>, %arg8: memref<1x128xf32, #tpu.memory_space<vmem>>, %arg9: memref<4000x128xf32, #tpu.memory_space<vmem>>) attributes {dimension_semantics = [#tpu.dimension_semantics<arbitrary>], iteration_bounds = array<i64: 80>, scalar_prefetch = 0 : i64, scratch_operands = 0 : i64, tpu.core_type = #tpu.core_type<tc>, window_params = [{transform_indices = @transform_0, window_bounds = array<i64: 4000, 128>}, {transform_indices = @transform_1, window_bounds = array<i64: 4000, 128>}, {pipeline_mode = #tpu.pipeline_mode<synchronous>, transform_indices = @transform_2, window_bounds = array<i64: 128, 128>}, {pipeline_mode = #tpu.pipeline_mode<synchronous>, transform_indices = @transform_3, window_bounds = array<i64: 1, 128>}, {pipeline_mode = #tpu.pipeline_mode<synchronous>, transform_indices = @transform_4, window_bounds = array<i64: 1, 128>}, {pipeline_mode = #tpu.pipeline_mode<synchronous>, transform_indices = @transform_5, window_bounds = array<i64: 1, 128>}, {pipeline_mode = #tpu.pipeline_mode<synchronous>, transform_indices = @transform_6, window_bounds = array<i64: 1, 128>}, {pipeline_mode = #tpu.pipeline_mode<synchronous>, transform_indices = @transform_7, window_bounds = array<i64: 1, 128>}, {transform_indices = @transform_8, window_bounds = array<i64: 4000, 128>}]} {
    %get3A = arith.constant 0 : index
    %get3A_0 = arith.constant 0 : index
    %get3A_1 = vector.load %arg2[%get3A, %get3A_0] : memref<4000x128xf32, #tpu.memory_space<vmem>>, vector<4000x128xf32>
    %get3A_2 = arith.constant 0 : index
    %get3A_3 = arith.constant 0 : index
    %get3A_4 = vector.load %arg5[%get3A_2, %get3A_3] : memref<1x128xf32, #tpu.memory_space<vmem>>, vector<1x128xf32>
    %get3A_5 = arith.constant 0 : index
    %get3A_6 = arith.constant 0 : index
    %get3A_7 = vector.load %arg6[%get3A_5, %get3A_6] : memref<1x128xf32, #tpu.memory_space<vmem>>, vector<1x128xf32>
    %reduce_sum3A = arith.constant dense<0.000000e+00> : vector<4000xf32>
    %reduce_sum3A_8 = vector.multi_reduction <add>, %get3A_1, %reduce_sum3A [1] : vector<4000x128xf32> to vector<4000xf32>
    %broadcast_in_dim3A = vector.shape_cast %reduce_sum3A_8 : vector<4000xf32> to vector<4000x1xf32>
    %div3A = arith.constant 1.280000e+02 : f32
    %div3A_9 = vector.broadcast %div3A : f32 to vector<4000x1xf32>
    %div3A_10 = arith.divf %broadcast_in_dim3A, %div3A_9 : vector<4000x1xf32>
    %sub3A = vector.broadcast %div3A_10 : vector<4000x1xf32> to vector<4000x128xf32>
    %sub3A_11 = arith.subf %get3A_1, %sub3A : vector<4000x128xf32>
    %integer_pow3A = arith.mulf %sub3A_11, %sub3A_11 : vector<4000x128xf32>
    %reduce_sum3A_12 = arith.constant dense<0.000000e+00> : vector<4000xf32>
    %reduce_sum3A_13 = vector.multi_reduction <add>, %integer_pow3A, %reduce_sum3A_12 [1] : vector<4000x128xf32> to vector<4000xf32>
    %broadcast_in_dim3A_14 = vector.shape_cast %reduce_sum3A_13 : vector<4000xf32> to vector<4000x1xf32>
    %div3A_15 = arith.constant 1.280000e+02 : f32
    %div3A_16 = vector.broadcast %div3A_15 : f32 to vector<4000x1xf32>
    %div3A_17 = arith.divf %broadcast_in_dim3A_14, %div3A_16 : vector<4000x1xf32>
    %sub3A_18 = vector.broadcast %div3A_10 : vector<4000x1xf32> to vector<4000x128xf32>
    %sub3A_19 = arith.subf %get3A_1, %sub3A_18 : vector<4000x128xf32>
    %add3A = arith.constant 9.99999974E-6 : f32
    %add3A_20 = vector.broadcast %add3A : f32 to vector<4000x1xf32>
    %add3A_21 = arith.addf %div3A_17, %add3A_20 : vector<4000x1xf32>
    %rsqrt3A = math.rsqrt %add3A_21 : vector<4000x1xf32>
    %mul3A = vector.broadcast %rsqrt3A : vector<4000x1xf32> to vector<4000x128xf32>
    %mul3A_22 = arith.mulf %sub3A_19, %mul3A : vector<4000x128xf32>
    %mul3A_23 = vector.broadcast %get3A_4 : vector<1x128xf32> to vector<4000x128xf32>
    %mul3A_24 = arith.mulf %mul3A_22, %mul3A_23 : vector<4000x128xf32>
    %add3A_25 = vector.broadcast %get3A_7 : vector<1x128xf32> to vector<4000x128xf32>
    %add3A_26 = arith.addf %mul3A_24, %add3A_25 : vector<4000x128xf32>
    %max3A = arith.constant 0.000000e+00 : f32
    %max3A_27 = vector.broadcast %max3A : f32 to vector<4000x128xf32>
    %max3A_28 = arith.maximumf %add3A_26, %max3A_27 : vector<4000x128xf32>
    %get3A_29 = arith.constant 0 : index
    %get3A_30 = arith.constant 0 : index
    %get3A_31 = vector.load %arg3[%get3A_29, %get3A_30] : memref<128x128xf32, #tpu.memory_space<vmem>>, vector<128x128xf32>
    %dot_general3A = arith.constant dense<0.000000e+00> : vector<4000x128xf32>
    %dot_general3A_32 = tpu.matmul %max3A_28, %get3A_31, %dot_general3A {dimension_numbers = #tpu.dot_dimension_numbers<[1], [0], [0], [1], [0, 0, 1, 1], [], []>, transpose_lhs_hint = false} : vector<4000x128xf32>, vector<128x128xf32>, vector<4000x128xf32> -> vector<4000x128xf32>
    %get3A_33 = arith.constant 0 : index
    %get3A_34 = arith.constant 0 : index
    %get3A_35 = vector.load %arg4[%get3A_33, %get3A_34] : memref<1x128xf32, #tpu.memory_space<vmem>>, vector<1x128xf32>
    %add3A_36 = vector.broadcast %get3A_35 : vector<1x128xf32> to vector<4000x128xf32>
    %add3A_37 = arith.addf %dot_general3A_32, %add3A_36 : vector<4000x128xf32>
    %get3A_38 = arith.constant 0 : index
    %get3A_39 = arith.constant 0 : index
    %get3A_40 = vector.load %arg1[%get3A_38, %get3A_39] : memref<4000x128xf32, #tpu.memory_space<vmem>>, vector<4000x128xf32>
    %add3A_41 = arith.addf %add3A_37, %get3A_40 : vector<4000x128xf32>
    %get3A_42 = arith.constant 0 : index
    %get3A_43 = arith.constant 0 : index
    %get3A_44 = vector.load %arg7[%get3A_42, %get3A_43] : memref<1x128xf32, #tpu.memory_space<vmem>>, vector<1x128xf32>
    %get3A_45 = arith.constant 0 : index
    %get3A_46 = arith.constant 0 : index
    %get3A_47 = vector.load %arg8[%get3A_45, %get3A_46] : memref<1x128xf32, #tpu.memory_space<vmem>>, vector<1x128xf32>
    %reduce_sum3A_48 = arith.constant dense<0.000000e+00> : vector<4000xf32>
    %reduce_sum3A_49 = vector.multi_reduction <add>, %add3A_41, %reduce_sum3A_48 [1] : vector<4000x128xf32> to vector<4000xf32>
    %broadcast_in_dim3A_50 = vector.shape_cast %reduce_sum3A_49 : vector<4000xf32> to vector<4000x1xf32>
    %div3A_51 = arith.constant 1.280000e+02 : f32
    %div3A_52 = vector.broadcast %div3A_51 : f32 to vector<4000x1xf32>
    %div3A_53 = arith.divf %broadcast_in_dim3A_50, %div3A_52 : vector<4000x1xf32>
    %sub3A_54 = vector.broadcast %div3A_53 : vector<4000x1xf32> to vector<4000x128xf32>
    %sub3A_55 = arith.subf %add3A_41, %sub3A_54 : vector<4000x128xf32>
    %integer_pow3A_56 = arith.mulf %sub3A_55, %sub3A_55 : vector<4000x128xf32>
    %reduce_sum3A_57 = arith.constant dense<0.000000e+00> : vector<4000xf32>
    %reduce_sum3A_58 = vector.multi_reduction <add>, %integer_pow3A_56, %reduce_sum3A_57 [1] : vector<4000x128xf32> to vector<4000xf32>
    %broadcast_in_dim3A_59 = vector.shape_cast %reduce_sum3A_58 : vector<4000xf32> to vector<4000x1xf32>
    %div3A_60 = arith.constant 1.280000e+02 : f32
    %div3A_61 = vector.broadcast %div3A_60 : f32 to vector<4000x1xf32>
    %div3A_62 = arith.divf %broadcast_in_dim3A_59, %div3A_61 : vector<4000x1xf32>
    %sub3A_63 = vector.broadcast %div3A_53 : vector<4000x1xf32> to vector<4000x128xf32>
    %sub3A_64 = arith.subf %add3A_41, %sub3A_63 : vector<4000x128xf32>
    %add3A_65 = arith.constant 9.99999974E-6 : f32
    %add3A_66 = vector.broadcast %add3A_65 : f32 to vector<4000x1xf32>
    %add3A_67 = arith.addf %div3A_62, %add3A_66 : vector<4000x1xf32>
    %rsqrt3A_68 = math.rsqrt %add3A_67 : vector<4000x1xf32>
    %mul3A_69 = vector.broadcast %rsqrt3A_68 : vector<4000x1xf32> to vector<4000x128xf32>
    %mul3A_70 = arith.mulf %sub3A_64, %mul3A_69 : vector<4000x128xf32>
    %mul3A_71 = vector.broadcast %get3A_44 : vector<1x128xf32> to vector<4000x128xf32>
    %mul3A_72 = arith.mulf %mul3A_70, %mul3A_71 : vector<4000x128xf32>
    %add3A_73 = vector.broadcast %get3A_47 : vector<1x128xf32> to vector<4000x128xf32>
    %add3A_74 = arith.addf %mul3A_72, %add3A_73 : vector<4000x128xf32>
    %swap3A = arith.constant 0 : index
    %swap3A_75 = arith.constant 0 : index
    %swap3A_76 = vector.load %arg9[%swap3A, %swap3A_75] : memref<4000x128xf32, #tpu.memory_space<vmem>>, vector<4000x128xf32>
    tpu.vector_store %arg9[%swap3A, %swap3A_75], %add3A_74 {strides = array<i32>} : memref<4000x128xf32, #tpu.memory_space<vmem>>, vector<4000x128xf32>,
    return
  }
  func.func @transform_0(%arg0: i32) -> (i32, i32) {
    %c0_i32 = arith.constant 0 : i32
    %c0_i32_0 = arith.constant 0 : i32
    return %arg0, %c0_i32 : i32, i32
  }
  func.func @transform_1(%arg0: i32) -> (i32, i32) {
    %c0_i32 = arith.constant 0 : i32
    %c0_i32_0 = arith.constant 0 : i32
    return %arg0, %c0_i32 : i32, i32
  }
  func.func @transform_2(%arg0: i32) -> (i32, i32) {
    %c0_i32 = arith.constant 0 : i32
    %c0_i32_0 = arith.constant 0 : i32
    %c0_i32_1 = arith.constant 0 : i32
    return %c0_i32, %c0_i32_0 : i32, i32
  }
  func.func @transform_3(%arg0: i32) -> (i32, i32) {
    %c0_i32 = arith.constant 0 : i32
    %c0_i32_0 = arith.constant 0 : i32
    %c0_i32_1 = arith.constant 0 : i32
    return %c0_i32, %c0_i32_0 : i32, i32
  }
  func.func @transform_4(%arg0: i32) -> (i32, i32) {
    %c0_i32 = arith.constant 0 : i32
    %c0_i32_0 = arith.constant 0 : i32
    %c0_i32_1 = arith.constant 0 : i32
    return %c0_i32, %c0_i32_0 : i32, i32
  }
  func.func @transform_5(%arg0: i32) -> (i32, i32) {
    %c0_i32 = arith.constant 0 : i32
    %c0_i32_0 = arith.constant 0 : i32
    %c0_i32_1 = arith.constant 0 : i32
    return %c0_i32, %c0_i32_0 : i32, i32
  }
  func.func @transform_6(%arg0: i32) -> (i32, i32) {
    %c0_i32 = arith.constant 0 : i32
    %c0_i32_0 = arith.constant 0 : i32
    %c0_i32_1 = arith.constant 0 : i32
    return %c0_i32, %c0_i32_0 : i32, i32
  }
  func.func @transform_7(%arg0: i32) -> (i32, i32) {
    %c0_i32 = arith.constant 0 : i32
    %c0_i32_0 = arith.constant 0 : i32
    %c0_i32_1 = arith.constant 0 : i32
    return %c0_i32, %c0_i32_0 : i32, i32
  }
  func.func @transform_8(%arg0: i32) -> (i32, i32) {
    %c0_i32 = arith.constant 0 : i32
    %c0_i32_0 = arith.constant 0 : i32
    return %arg0, %c0_i32 : i32, i32
  }
}

module attributes {stable_mosaic.version = 14 : i64} {
  func.func @_node_body(%arg0: i32, %arg1: memref<1000x128xf32, #tpu.memory_space<vmem>>, %arg2: memref<1x1000x128xf32, #tpu.memory_space<vmem>>, %arg3: memref<1x1000x16xf32, #tpu.memory_space<vmem>>, %arg4: memref<8x128xf32, #tpu.memory_space<vmem>>, %arg5: memref<128x256xf32, #tpu.memory_space<vmem>>, %arg6: memref<1x256xf32, #tpu.memory_space<vmem>>, %arg7: memref<256x128xf32, #tpu.memory_space<vmem>>, %arg8: memref<1x128xf32, #tpu.memory_space<vmem>>, %arg9: memref<1x128xf32, #tpu.memory_space<vmem>>, %arg10: memref<1x128xf32, #tpu.memory_space<vmem>>, %arg11: memref<1x128xf32, #tpu.memory_space<vmem>>, %arg12: memref<1x128xf32, #tpu.memory_space<vmem>>, %arg13: memref<1000x128xf32, #tpu.memory_space<vmem>>) attributes {dimension_semantics = [#tpu.dimension_semantics<arbitrary>], iteration_bounds = array<i64: 10>, scalar_prefetch = 0 : i64, scratch_operands = 0 : i64, tpu.core_type = #tpu.core_type<tc>, window_params = [{transform_indices = @transform_0, window_bounds = array<i64: 1000, 128>}, {transform_indices = @transform_1, window_bounds = array<i64: 1, 1000, 128>}, {transform_indices = @transform_2, window_bounds = array<i64: 1, 1000, 16>}, {pipeline_mode = #tpu.pipeline_mode<synchronous>, transform_indices = @transform_3, window_bounds = array<i64: 8, 128>}, {pipeline_mode = #tpu.pipeline_mode<synchronous>, transform_indices = @transform_4, window_bounds = array<i64: 128, 256>}, {pipeline_mode = #tpu.pipeline_mode<synchronous>, transform_indices = @transform_5, window_bounds = array<i64: 1, 256>}, {pipeline_mode = #tpu.pipeline_mode<synchronous>, transform_indices = @transform_6, window_bounds = array<i64: 256, 128>}, {pipeline_mode = #tpu.pipeline_mode<synchronous>, transform_indices = @transform_7, window_bounds = array<i64: 1, 128>}, {pipeline_mode = #tpu.pipeline_mode<synchronous>, transform_indices = @transform_8, window_bounds = array<i64: 1, 128>}, {pipeline_mode = #tpu.pipeline_mode<synchronous>, transform_indices = @transform_9, window_bounds = array<i64: 1, 128>}, {pipeline_mode = #tpu.pipeline_mode<synchronous>, transform_indices = @transform_10, window_bounds = array<i64: 1, 128>}, {pipeline_mode = #tpu.pipeline_mode<synchronous>, transform_indices = @transform_11, window_bounds = array<i64: 1, 128>}, {transform_indices = @transform_12, window_bounds = array<i64: 1000, 128>}]} {
    %get3A = arith.constant 0 : index
    %get3A_0 = arith.constant 0 : index
    %get3A_1 = arith.constant 0 : index
    %get3A_2 = vector.load %arg2[%get3A, %get3A_0, %get3A_1] : memref<1x1000x128xf32, #tpu.memory_space<vmem>>, vector<1x1000x128xf32>
    %get3A_3 = vector.shape_cast %get3A_2 : vector<1x1000x128xf32> to vector<1000x128xf32>
    %get3A_4 = arith.constant 0 : index
    %get3A_5 = arith.constant 0 : index
    %get3A_6 = arith.constant 0 : index
    %get3A_7 = vector.load %arg3[%get3A_4, %get3A_5, %get3A_6] : memref<1x1000x16xf32, #tpu.memory_space<vmem>>, vector<1x1000x16xf32>
    %get3A_8 = vector.shape_cast %get3A_7 : vector<1x1000x16xf32> to vector<1000x16xf32>
    %slice3A = vector.extract_strided_slice %get3A_8 {offsets = [0, 0], sizes = [1000, 8], strides = [1, 1]} : vector<1000x16xf32> to vector<1000x8xf32>
    %add3A = arith.constant 1.000000e-16 : f32
    %add3A_9 = vector.broadcast %add3A : f32 to vector<1000x8xf32>
    %add3A_10 = arith.addf %slice3A, %add3A_9 : vector<1000x8xf32>
    %div3A = arith.constant 1.000000e+00 : f32
    %div3A_11 = vector.broadcast %div3A : f32 to vector<1000x8xf32>
    %div3A_12 = arith.divf %div3A_11, %add3A_10 : vector<1000x8xf32>
    %get3A_13 = arith.constant 0 : index
    %get3A_14 = arith.constant 0 : index
    %get3A_15 = vector.load %arg4[%get3A_13, %get3A_14] : memref<8x128xf32, #tpu.memory_space<vmem>>, vector<8x128xf32>
    %dot_general3A = arith.constant dense<0.000000e+00> : vector<1000x128xf32>
    %dot_general3A_16 = tpu.matmul %div3A_12, %get3A_15, %dot_general3A {dimension_numbers = #tpu.dot_dimension_numbers<[1], [0], [0], [1], [0, 0, 1, 1], [], []>, transpose_lhs_hint = false} : vector<1000x8xf32>, vector<8x128xf32>, vector<1000x128xf32> -> vector<1000x128xf32>
    %mul3A = arith.mulf %get3A_3, %dot_general3A_16 : vector<1000x128xf32>
    %get3A_17 = arith.constant 0 : index
    %get3A_18 = arith.constant 0 : index
    %get3A_19 = vector.load %arg1[%get3A_17, %get3A_18] : memref<1000x128xf32, #tpu.memory_space<vmem>>, vector<1000x128xf32>
    %add3A_20 = arith.addf %get3A_19, %mul3A : vector<1000x128xf32>
    %get3A_21 = arith.constant 0 : index
    %get3A_22 = arith.constant 0 : index
    %get3A_23 = vector.load %arg9[%get3A_21, %get3A_22] : memref<1x128xf32, #tpu.memory_space<vmem>>, vector<1x128xf32>
    %get3A_24 = arith.constant 0 : index
    %get3A_25 = arith.constant 0 : index
    %get3A_26 = vector.load %arg10[%get3A_24, %get3A_25] : memref<1x128xf32, #tpu.memory_space<vmem>>, vector<1x128xf32>
    %reduce_sum3A = arith.constant dense<0.000000e+00> : vector<1000xf32>
    %reduce_sum3A_27 = vector.multi_reduction <add>, %add3A_20, %reduce_sum3A [1] : vector<1000x128xf32> to vector<1000xf32>
    %broadcast_in_dim3A = vector.shape_cast %reduce_sum3A_27 : vector<1000xf32> to vector<1000x1xf32>
    %div3A_28 = arith.constant 1.280000e+02 : f32
    %div3A_29 = vector.broadcast %div3A_28 : f32 to vector<1000x1xf32>
    %div3A_30 = arith.divf %broadcast_in_dim3A, %div3A_29 : vector<1000x1xf32>
    %sub3A = vector.broadcast %div3A_30 : vector<1000x1xf32> to vector<1000x128xf32>
    %sub3A_31 = arith.subf %add3A_20, %sub3A : vector<1000x128xf32>
    %integer_pow3A = arith.mulf %sub3A_31, %sub3A_31 : vector<1000x128xf32>
    %reduce_sum3A_32 = arith.constant dense<0.000000e+00> : vector<1000xf32>
    %reduce_sum3A_33 = vector.multi_reduction <add>, %integer_pow3A, %reduce_sum3A_32 [1] : vector<1000x128xf32> to vector<1000xf32>
    %broadcast_in_dim3A_34 = vector.shape_cast %reduce_sum3A_33 : vector<1000xf32> to vector<1000x1xf32>
    %div3A_35 = arith.constant 1.280000e+02 : f32
    %div3A_36 = vector.broadcast %div3A_35 : f32 to vector<1000x1xf32>
    %div3A_37 = arith.divf %broadcast_in_dim3A_34, %div3A_36 : vector<1000x1xf32>
    %sub3A_38 = vector.broadcast %div3A_30 : vector<1000x1xf32> to vector<1000x128xf32>
    %sub3A_39 = arith.subf %add3A_20, %sub3A_38 : vector<1000x128xf32>
    %add3A_40 = arith.constant 9.99999974E-6 : f32
    %add3A_41 = vector.broadcast %add3A_40 : f32 to vector<1000x1xf32>
    %add3A_42 = arith.addf %div3A_37, %add3A_41 : vector<1000x1xf32>
    %rsqrt3A = math.rsqrt %add3A_42 : vector<1000x1xf32>
    %mul3A_43 = vector.broadcast %rsqrt3A : vector<1000x1xf32> to vector<1000x128xf32>
    %mul3A_44 = arith.mulf %sub3A_39, %mul3A_43 : vector<1000x128xf32>
    %mul3A_45 = vector.broadcast %get3A_23 : vector<1x128xf32> to vector<1000x128xf32>
    %mul3A_46 = arith.mulf %mul3A_44, %mul3A_45 : vector<1000x128xf32>
    %add3A_47 = vector.broadcast %get3A_26 : vector<1x128xf32> to vector<1000x128xf32>
    %add3A_48 = arith.addf %mul3A_46, %add3A_47 : vector<1000x128xf32>
    %get3A_49 = arith.constant 0 : index
    %get3A_50 = arith.constant 0 : index
    %get3A_51 = vector.load %arg5[%get3A_49, %get3A_50] : memref<128x256xf32, #tpu.memory_space<vmem>>, vector<128x256xf32>
    %dot_general3A_52 = arith.constant dense<0.000000e+00> : vector<1000x256xf32>
    %dot_general3A_53 = tpu.matmul %add3A_48, %get3A_51, %dot_general3A_52 {dimension_numbers = #tpu.dot_dimension_numbers<[1], [0], [0], [1], [0, 0, 1, 1], [], []>, transpose_lhs_hint = false} : vector<1000x128xf32>, vector<128x256xf32>, vector<1000x256xf32> -> vector<1000x256xf32>
    %get3A_54 = arith.constant 0 : index
    %get3A_55 = arith.constant 0 : index
    %get3A_56 = vector.load %arg6[%get3A_54, %get3A_55] : memref<1x256xf32, #tpu.memory_space<vmem>>, vector<1x256xf32>
    %add3A_57 = vector.broadcast %get3A_56 : vector<1x256xf32> to vector<1000x256xf32>
    %add3A_58 = arith.addf %dot_general3A_53, %add3A_57 : vector<1000x256xf32>
    %max3A = arith.constant 0.000000e+00 : f32
    %max3A_59 = vector.broadcast %max3A : f32 to vector<1000x256xf32>
    %max3A_60 = arith.maximumf %add3A_58, %max3A_59 : vector<1000x256xf32>
    %get3A_61 = arith.constant 0 : index
    %get3A_62 = arith.constant 0 : index
    %get3A_63 = vector.load %arg7[%get3A_61, %get3A_62] : memref<256x128xf32, #tpu.memory_space<vmem>>, vector<256x128xf32>
    %dot_general3A_64 = arith.constant dense<0.000000e+00> : vector<1000x128xf32>
    %dot_general3A_65 = tpu.matmul %max3A_60, %get3A_63, %dot_general3A_64 {dimension_numbers = #tpu.dot_dimension_numbers<[1], [0], [0], [1], [0, 0, 1, 1], [], []>, transpose_lhs_hint = false} : vector<1000x256xf32>, vector<256x128xf32>, vector<1000x128xf32> -> vector<1000x128xf32>
    %get3A_66 = arith.constant 0 : index
    %get3A_67 = arith.constant 0 : index
    %get3A_68 = vector.load %arg8[%get3A_66, %get3A_67] : memref<1x128xf32, #tpu.memory_space<vmem>>, vector<1x128xf32>
    %add3A_69 = vector.broadcast %get3A_68 : vector<1x128xf32> to vector<1000x128xf32>
    %add3A_70 = arith.addf %dot_general3A_65, %add3A_69 : vector<1000x128xf32>
    %add3A_71 = arith.addf %add3A_70, %add3A_20 : vector<1000x128xf32>
    %get3A_72 = arith.constant 0 : index
    %get3A_73 = arith.constant 0 : index
    %get3A_74 = vector.load %arg11[%get3A_72, %get3A_73] : memref<1x128xf32, #tpu.memory_space<vmem>>, vector<1x128xf32>
    %get3A_75 = arith.constant 0 : index
    %get3A_76 = arith.constant 0 : index
    %get3A_77 = vector.load %arg12[%get3A_75, %get3A_76] : memref<1x128xf32, #tpu.memory_space<vmem>>, vector<1x128xf32>
    %reduce_sum3A_78 = arith.constant dense<0.000000e+00> : vector<1000xf32>
    %reduce_sum3A_79 = vector.multi_reduction <add>, %add3A_71, %reduce_sum3A_78 [1] : vector<1000x128xf32> to vector<1000xf32>
    %broadcast_in_dim3A_80 = vector.shape_cast %reduce_sum3A_79 : vector<1000xf32> to vector<1000x1xf32>
    %div3A_81 = arith.constant 1.280000e+02 : f32
    %div3A_82 = vector.broadcast %div3A_81 : f32 to vector<1000x1xf32>
    %div3A_83 = arith.divf %broadcast_in_dim3A_80, %div3A_82 : vector<1000x1xf32>
    %sub3A_84 = vector.broadcast %div3A_83 : vector<1000x1xf32> to vector<1000x128xf32>
    %sub3A_85 = arith.subf %add3A_71, %sub3A_84 : vector<1000x128xf32>
    %integer_pow3A_86 = arith.mulf %sub3A_85, %sub3A_85 : vector<1000x128xf32>
    %reduce_sum3A_87 = arith.constant dense<0.000000e+00> : vector<1000xf32>
    %reduce_sum3A_88 = vector.multi_reduction <add>, %integer_pow3A_86, %reduce_sum3A_87 [1] : vector<1000x128xf32> to vector<1000xf32>
    %broadcast_in_dim3A_89 = vector.shape_cast %reduce_sum3A_88 : vector<1000xf32> to vector<1000x1xf32>
    %div3A_90 = arith.constant 1.280000e+02 : f32
    %div3A_91 = vector.broadcast %div3A_90 : f32 to vector<1000x1xf32>
    %div3A_92 = arith.divf %broadcast_in_dim3A_89, %div3A_91 : vector<1000x1xf32>
    %sub3A_93 = vector.broadcast %div3A_83 : vector<1000x1xf32> to vector<1000x128xf32>
    %sub3A_94 = arith.subf %add3A_71, %sub3A_93 : vector<1000x128xf32>
    %add3A_95 = arith.constant 9.99999974E-6 : f32
    %add3A_96 = vector.broadcast %add3A_95 : f32 to vector<1000x1xf32>
    %add3A_97 = arith.addf %div3A_92, %add3A_96 : vector<1000x1xf32>
    %rsqrt3A_98 = math.rsqrt %add3A_97 : vector<1000x1xf32>
    %mul3A_99 = vector.broadcast %rsqrt3A_98 : vector<1000x1xf32> to vector<1000x128xf32>
    %mul3A_100 = arith.mulf %sub3A_94, %mul3A_99 : vector<1000x128xf32>
    %mul3A_101 = vector.broadcast %get3A_74 : vector<1x128xf32> to vector<1000x128xf32>
    %mul3A_102 = arith.mulf %mul3A_100, %mul3A_101 : vector<1000x128xf32>
    %add3A_103 = vector.broadcast %get3A_77 : vector<1x128xf32> to vector<1000x128xf32>
    %add3A_104 = arith.addf %mul3A_102, %add3A_103 : vector<1000x128xf32>
    %swap3A = arith.constant 0 : index
    %swap3A_105 = arith.constant 0 : index
    %swap3A_106 = vector.load %arg13[%swap3A, %swap3A_105] : memref<1000x128xf32, #tpu.memory_space<vmem>>, vector<1000x128xf32>
    tpu.vector_store %arg13[%swap3A, %swap3A_105], %add3A_104 {strides = array<i32>} : memref<1000x128xf32, #tpu.memory_space<vmem>>, vector<1000x128xf32>,
    return
  }
  func.func @transform_0(%arg0: i32) -> (i32, i32) {
    %c0_i32 = arith.constant 0 : i32
    %c0_i32_0 = arith.constant 0 : i32
    return %arg0, %c0_i32 : i32, i32
  }
  func.func @transform_1(%arg0: i32) -> (i32, i32, i32) {
    %jit3A = arith.constant 5 : i32
    %div3A = arith.divsi %arg0, %jit3A : i32
    %sign3A = arith.constant 0 : i32
    %sign3A_0 = arith.cmpi sgt, %arg0, %sign3A : i32
    %sign3A_1 = arith.extui %sign3A_0 : i1 to i32
    %sign3A_2 = arith.constant 0 : i32
    %sign3A_3 = arith.cmpi slt, %arg0, %sign3A_2 : i32
    %sign3A_4 = arith.extui %sign3A_3 : i1 to i32
    %sign3A_5 = arith.subi %sign3A_1, %sign3A_4 : i32
    %sign3A_6 = arith.constant 0 : i32
    %sign3A_7 = arith.cmpi sgt, %jit3A, %sign3A_6 : i32
    %sign3A_8 = arith.extui %sign3A_7 : i1 to i32
    %sign3A_9 = arith.constant 0 : i32
    %sign3A_10 = arith.cmpi slt, %jit3A, %sign3A_9 : i32
    %sign3A_11 = arith.extui %sign3A_10 : i1 to i32
    %sign3A_12 = arith.subi %sign3A_8, %sign3A_11 : i32
    %ne3A = arith.cmpi ne, %sign3A_5, %sign3A_12 : i32
    %rem3A = arith.remsi %arg0, %jit3A : i32
    %ne3A_13 = arith.constant 0 : i32
    %ne3A_14 = arith.cmpi ne, %rem3A, %ne3A_13 : i32
    %and3A = arith.andi %ne3A, %ne3A_14 : i1
    %sub3A = arith.constant 1 : i32
    %sub3A_15 = arith.subi %div3A, %sub3A : i32
    %select_n3A = arith.select %and3A, %sub3A_15, %div3A : i32
    %jit3A_16 = arith.constant 5 : i32
    %eq3A = arith.constant 0 : i32
    %eq3A_17 = arith.cmpi eq, %jit3A_16, %eq3A : i32
    %jit3A_18 = arith.constant 1 : i32
    %select_n3A_19 = arith.select %eq3A_17, %jit3A_18, %jit3A_16 : i32
    %rem3A_20 = arith.remsi %arg0, %select_n3A_19 : i32
    %ne3A_21 = arith.constant 0 : i32
    %ne3A_22 = arith.cmpi ne, %rem3A_20, %ne3A_21 : i32
    %lt3A = arith.constant 0 : i32
    %lt3A_23 = arith.cmpi slt, %rem3A_20, %lt3A : i32
    %lt3A_24 = arith.constant 0 : i32
    %lt3A_25 = arith.cmpi slt, %select_n3A_19, %lt3A_24 : i32
    %ne3A_26 = arith.xori %lt3A_23, %lt3A_25 : i1
    %and3A_27 = arith.andi %ne3A_26, %ne3A_22 : i1
    %add3A = arith.addi %rem3A_20, %select_n3A_19 : i32
    %select_n3A_28 = arith.select %and3A_27, %add3A, %rem3A_20 : i32
    %c0_i32 = arith.constant 0 : i32
    %c0_i32_29 = arith.constant 0 : i32
    return %select_n3A, %select_n3A_28, %c0_i32 : i32, i32, i32
  }
  func.func @transform_2(%arg0: i32) -> (i32, i32, i32) {
    %jit3A = arith.constant 5 : i32
    %div3A = arith.divsi %arg0, %jit3A : i32
    %sign3A = arith.constant 0 : i32
    %sign3A_0 = arith.cmpi sgt, %arg0, %sign3A : i32
    %sign3A_1 = arith.extui %sign3A_0 : i1 to i32
    %sign3A_2 = arith.constant 0 : i32
    %sign3A_3 = arith.cmpi slt, %arg0, %sign3A_2 : i32
    %sign3A_4 = arith.extui %sign3A_3 : i1 to i32
    %sign3A_5 = arith.subi %sign3A_1, %sign3A_4 : i32
    %sign3A_6 = arith.constant 0 : i32
    %sign3A_7 = arith.cmpi sgt, %jit3A, %sign3A_6 : i32
    %sign3A_8 = arith.extui %sign3A_7 : i1 to i32
    %sign3A_9 = arith.constant 0 : i32
    %sign3A_10 = arith.cmpi slt, %jit3A, %sign3A_9 : i32
    %sign3A_11 = arith.extui %sign3A_10 : i1 to i32
    %sign3A_12 = arith.subi %sign3A_8, %sign3A_11 : i32
    %ne3A = arith.cmpi ne, %sign3A_5, %sign3A_12 : i32
    %rem3A = arith.remsi %arg0, %jit3A : i32
    %ne3A_13 = arith.constant 0 : i32
    %ne3A_14 = arith.cmpi ne, %rem3A, %ne3A_13 : i32
    %and3A = arith.andi %ne3A, %ne3A_14 : i1
    %sub3A = arith.constant 1 : i32
    %sub3A_15 = arith.subi %div3A, %sub3A : i32
    %select_n3A = arith.select %and3A, %sub3A_15, %div3A : i32
    %jit3A_16 = arith.constant 5 : i32
    %eq3A = arith.constant 0 : i32
    %eq3A_17 = arith.cmpi eq, %jit3A_16, %eq3A : i32
    %jit3A_18 = arith.constant 1 : i32
    %select_n3A_19 = arith.select %eq3A_17, %jit3A_18, %jit3A_16 : i32
    %rem3A_20 = arith.remsi %arg0, %select_n3A_19 : i32
    %ne3A_21 = arith.constant 0 : i32
    %ne3A_22 = arith.cmpi ne, %rem3A_20, %ne3A_21 : i32
    %lt3A = arith.constant 0 : i32
    %lt3A_23 = arith.cmpi slt, %rem3A_20, %lt3A : i32
    %lt3A_24 = arith.constant 0 : i32
    %lt3A_25 = arith.cmpi slt, %select_n3A_19, %lt3A_24 : i32
    %ne3A_26 = arith.xori %lt3A_23, %lt3A_25 : i1
    %and3A_27 = arith.andi %ne3A_26, %ne3A_22 : i1
    %add3A = arith.addi %rem3A_20, %select_n3A_19 : i32
    %select_n3A_28 = arith.select %and3A_27, %add3A, %rem3A_20 : i32
    %c0_i32 = arith.constant 0 : i32
    %c0_i32_29 = arith.constant 0 : i32
    return %select_n3A, %select_n3A_28, %c0_i32 : i32, i32, i32
  }
  func.func @transform_3(%arg0: i32) -> (i32, i32) {
    %c0_i32 = arith.constant 0 : i32
    %c0_i32_0 = arith.constant 0 : i32
    %c0_i32_1 = arith.constant 0 : i32
    return %c0_i32, %c0_i32_0 : i32, i32
  }
  func.func @transform_4(%arg0: i32) -> (i32, i32) {
    %c0_i32 = arith.constant 0 : i32
    %c0_i32_0 = arith.constant 0 : i32
    %c0_i32_1 = arith.constant 0 : i32
    return %c0_i32, %c0_i32_0 : i32, i32
  }
  func.func @transform_5(%arg0: i32) -> (i32, i32) {
    %c0_i32 = arith.constant 0 : i32
    %c0_i32_0 = arith.constant 0 : i32
    %c0_i32_1 = arith.constant 0 : i32
    return %c0_i32, %c0_i32_0 : i32, i32
  }
  func.func @transform_6(%arg0: i32) -> (i32, i32) {
    %c0_i32 = arith.constant 0 : i32
    %c0_i32_0 = arith.constant 0 : i32
    %c0_i32_1 = arith.constant 0 : i32
    return %c0_i32, %c0_i32_0 : i32, i32
  }
  func.func @transform_7(%arg0: i32) -> (i32, i32) {
    %c0_i32 = arith.constant 0 : i32
    %c0_i32_0 = arith.constant 0 : i32
    %c0_i32_1 = arith.constant 0 : i32
    return %c0_i32, %c0_i32_0 : i32, i32
  }
  func.func @transform_8(%arg0: i32) -> (i32, i32) {
    %c0_i32 = arith.constant 0 : i32
    %c0_i32_0 = arith.constant 0 : i32
    %c0_i32_1 = arith.constant 0 : i32
    return %c0_i32, %c0_i32_0 : i32, i32
  }
  func.func @transform_9(%arg0: i32) -> (i32, i32) {
    %c0_i32 = arith.constant 0 : i32
    %c0_i32_0 = arith.constant 0 : i32
    %c0_i32_1 = arith.constant 0 : i32
    return %c0_i32, %c0_i32_0 : i32, i32
  }
  func.func @transform_10(%arg0: i32) -> (i32, i32) {
    %c0_i32 = arith.constant 0 : i32
    %c0_i32_0 = arith.constant 0 : i32
    %c0_i32_1 = arith.constant 0 : i32
    return %c0_i32, %c0_i32_0 : i32, i32
  }
  func.func @transform_11(%arg0: i32) -> (i32, i32) {
    %c0_i32 = arith.constant 0 : i32
    %c0_i32_0 = arith.constant 0 : i32
    %c0_i32_1 = arith.constant 0 : i32
    return %c0_i32, %c0_i32_0 : i32, i32
  }
  func.func @transform_12(%arg0: i32) -> (i32, i32) {
    %c0_i32 = arith.constant 0 : i32
    %c0_i32_0 = arith.constant 0 : i32
    return %arg0, %c0_i32 : i32, i32
  }
}

</mosaic_0001>

<sc_bundles>
// kernel: kernel.10.cloned.1.call-start
scs
__scs_entry_jumppad:
0x0: {  	(pc) =	sbr.rel $0x88, $3  }
0x1: {  	(tag) =	ssettag $0x0;
	lr =	simm.s32 $0x1  }
0x2: {  	[smem:$0x3F89] =	sst lr;
	_ =	strace $0xD0000000  }
0x3: {  	_ = 	snop  }
0x4: {  	_ = 	snop  }
0x5: {  	_ = 	snop  }
0x6: {  	_ = 	snop  }
0x7: {  	_ = 	snop  }
__scs_overlays_trampoline_lowered:
0x8: {  	[smem:$0x3F98] =	sst s0  }
0x9: {  	[smem:$0x3F99] =	sst s1  }
0xa: {  	[smem:$0x3F9A] =	sst s2  }
0xb: {  	[smem:$0x3F9B] =	sst s3  }
0xc: {  	[smem:$0x3F9C] =	sst s4  }
0xd: {  	[smem:$0x3F9D] =	sst s5  }
0xe: {  	[smem:$0x3F9E] =	sst s6  }
0xf: {  	[smem:$0x3F9F] =	sst s7  }
0x10: {  	[smem:$0x3FA0] =	sst s8  }
0x11: {  	[smem:$0x3FA1] =	sst s9;
	s0 =	simm.s32 @!p0 $0x0  }
0x12: {  	s1 =	sld [smem:$0x3F87];
	s0 =	simm.s32 @p0 $0x1  }
0x13: {  	[smem:$0x3FA2] =	sst s0;
	s0 =	simm.s32 @!p1 $0x0  }
0x14: {  	s2 =	sld [smem:$0x3F86];
	s0 =	simm.s32 @p1 $0x1  }
0x15: {  	[smem:$0x3FA3] =	sst s0;
	s0 =	simm.s32 @!p2 $0x0  }
0x16: {  	s3 =	sld [smem:$0x3FDB];
	s0 =	simm.s32 @p2 $0x1  }
0x17: {  	s4 =	simm.s32 $0x1BF5;
	[smem:$0x3FA5] =	sst s0  }
0x18: {  	s0 =	sld [smem:$0x3F88];
	_ =	swait.ge [sflag:s4], $0x0  }
0x19: {  	s7 =	sld [smem:$0x3F89]  }
0x1a: {  	s8 =	sadd.s32 $0xFFFFE003, lr  }
0x1b: {  	s9 =	sadd.s32 $0xFFFFFEF7, lr;
	s5 =	simm.s32 $0xFFFFFFFF;
	p2 =	slt.u32 s8, $0xFFFFF086  }
0x1c: {  	p1 =	slt.u32 s9, $0xF7A;
	s5 =	simm.s32 @!p2 $0x0  }
0x1d: {  	s5 =	simm.s32 @p1 $0x1;
	p0 =	seq.s32 s7, s2  }
0x1e: {  	s7 =	smul.u32 @!p0 $0xF7A, s2;
	p2 =	seq.s32 @!p0 s5, $0x0  }
0x1f: {  	s9 =	smul.u32 $0xF7A, s1;
	s8 =	simm.s32 @!p0 $0x1BF5;
	p2 =	por !p2, p0  }
0x20: {  	[sflag:s8] =	ssyncset.s32 @!p0 $0xFFFFF086;
	s6 =	sadd.s32 @!p0 s3, s7;
	s7 =	simm.s32 @!p0 $0x108  }
0x21: {  	s3 =	sadd.s32 s3, s9;
	s6 =	sadd.s32 @!p0 $0x88, s6;
	s7 =	simm.s32 @p2 $0x1082  }
0x22: {  	[simem:s7], [sflag:s8] =	dma.local @!p0 [hbm:s6], $0xF7A  }
0x23: {  	s9 =	sor.u32 $0xD0000000, s2;
	s6 =	simm.s32 $0x108;
	_ =	swait.ge @!p0 [sflag:s8], $0x0  }
0x24: {  	s3 =	sadd.s32 $0x88, s3;
	s6 =	simm.s32 @!p1 $0x1082;
	[sflag:s4] =	ssyncset.s32 $0xFFFFF086  }
0x25: {  	[simem:s6], [sflag:s4] =	dma.local [hbm:s3], $0xF7A  }
0x26: {  	[smem:$0x3F89] =	sst s1;
	(tag) =	ssettag s2;
	_ =	strace s9  }
0x27: {  	s1 =	sld [smem:$0x3F99]  }
0x28: {  	s2 =	sld [smem:$0x3F9A]  }
0x29: {  	s4 =	sld [smem:$0x3F9C]  }
0x2a: {  	p0 =	seq.s32 s5, $0x0;
	s5 =	sld [smem:$0x3F9D]  }
0x2b: {  	s6 =	sld [smem:$0x3F9E]  }
0x2c: {  	s7 =	sld [smem:$0x3F9F]  }
0x2d: {  	s3 =	simm.s32 $0x108;
	s8 =	sld [smem:$0x3FA0]  }
0x2e: {  	s3 =	simm.s32 @!p0 $0x1082;
	s9 =	sld [smem:$0x3FA1]  }
0x2f: {  	lr =	sadd.s32 s0, s3;
	s0 =	sld [smem:$0x3F98]  }
0x30: {  	s3 =	sld [smem:$0x3F9B]  }
0x31: {  	[smem:$0x3FA4] =	sst s10  }
0x32: {  	s10 =	sld [smem:$0x3FA2];
	_ =	sdelay $0x3  }
0x33: {  	p0 =	seq.s32 s10, $0x1;
	s10 =	sld [smem:$0x3FA4];
	_ =	sdelay $0x3  }
0x34: {  	[smem:$0x3FA4] =	sst s10  }
0x35: {  	s10 =	sld [smem:$0x3FA3];
	_ =	sdelay $0x3  }
0x36: {  	p1 =	seq.s32 s10, $0x1;
	s10 =	sld [smem:$0x3FA4];
	_ =	sdelay $0x3  }
0x37: {  	[smem:$0x3FA4] =	sst s10  }
0x38: {  	s10 =	sld [smem:$0x3FA5]  }
0x39: {  	_ = 	snop;
	(pc) =	sbr.ind lr, $3  }
0x3a: {  	_ = 	snop  }
0x3b: {  	_ = 	snop  }
0x3c: {  	p2 =	seq.s32 s10, $0x1;
	s10 =	sld [smem:$0x3FA4]  }
0x3d: {  	_ =	shalt  }
0x3e: {  	_ =	shalt  }
0x3f: {  	_ =	shalt  }
0x40: {  	_ =	shalt  }
0x41: {  	_ =	shalt  }
0x42: {  	_ =	shalt  }
0x43: {  	_ =	shalt  }
0x44: {  	_ =	shalt  }
0x45: {  	_ =	shalt  }
0x46: {  	_ =	shalt  }
0x47: {  	_ =	shalt  }
0x48: {  	_ =	shalt  }
0x49: {  	_ =	shalt  }
0x4a: {  	_ =	shalt  }
0x4b: {  	_ =	shalt  }
0x4c: {  	_ =	shalt  }
0x4d: {  	_ =	shalt  }
0x4e: {  	_ =	shalt  }
0x4f: {  	_ =	shalt  }
0x50: {  	_ =	shalt  }
0x51: {  	_ =	shalt  }
0x52: {  	_ =	shalt  }
0x53: {  	_ =	shalt  }
0x54: {  	_ =	shalt  }
0x55: {  	_ =	shalt  }
0x56: {  	_ =	shalt  }
0x57: {  	_ =	shalt  }
0x58: {  	_ =	shalt  }
0x59: {  	_ =	shalt  }
0x5a: {  	_ =	shalt  }
0x5b: {  	_ =	shalt  }
0x5c: {  	_ =	shalt  }
0x5d: {  	_ =	shalt  }
0x5e: {  	_ =	shalt  }
0x5f: {  	_ =	shalt  }
0x60: {  	_ =	shalt  }
0x61: {  	_ =	shalt  }
0x62: {  	_ =	shalt  }
0x63: {  	_ =	shalt  }
0x64: {  	_ =	shalt  }
0x65: {  	_ =	shalt  }
0x66: {  	_ =	shalt  }
0x67: {  	_ =	shalt  }
0x68: {  	_ =	shalt  }
0x69: {  	_ =	shalt  }
0x6a: {  	_ =	shalt  }
0x6b: {  	_ =	shalt  }
0x6c: {  	_ =	shalt  }
0x6d: {  	_ =	shalt  }
0x6e: {  	_ =	shalt  }
0x6f: {  	_ =	shalt  }
0x70: {  	_ =	shalt  }
0x71: {  	_ =	shalt  }
0x72: {  	_ =	shalt  }
0x73: {  	_ =	shalt  }
0x74: {  	_ =	shalt  }
0x75: {  	_ =	shalt  }
0x76: {  	_ =	shalt  }
0x77: {  	_ =	shalt  }
0x78: {  	_ =	shalt  }
0x79: {  	_ =	shalt  }
0x7a: {  	_ =	shalt  }
0x7b: {  	_ =	shalt  }
0x7c: {  	_ =	shalt  }
0x7d: {  	_ =	shalt  }
0x7e: {  	_ =	shalt  }
0x7f: {  	_ =	shalt  }
0x80: {  	_ =	shalt  }
0x81: {  	_ =	shalt  }
0x82: {  	_ =	shalt  }
0x83: {  	_ =	shalt  }
0x84: {  	_ =	shalt  }
0x85: {  	_ =	shalt  }
0x86: {  	_ =	shalt  }
0x87: {  	_ =	shalt  }
.Lfunc_end0:
.L_simem_size_0:
called_computation.1_lowered:
.L_overlay_start_0:
0x88: {  	s2 =	sld [smem:$0x3FD9]  }
0x89: {  	s3 =	sld [smem:$0x3FFE];
	_ =	sdelay $0x1  }
0x8a: {  	s1 =	srdreg.scid  }
0x8b: {  	s0 =	sand.u32 $0x1, s1  }
0x8c: {  	s14 =	sshll.u32 s0, $0xA;
	s2 =	sadd.s32 s3, s2  }
0x8d: {  	s2 =	sadd.s32 s2, s14  }
0x8e: {  	[smem:$0x3FB0] =	sst s2  }
0x8f: {  	_ = 	snop  }
0x90: {  	s2 =	sld [smem:$0x3FD0];
	_ =	sdelay $0x2  }
0x91: {  	s15 =	simm.s32 $0xA;
	s4 =	simm.s32 $0x10  }
0x92: {  	[smem:s4], [sflag:s15] =	dma.local [hbm:s2], $0x1  }
0x93: {  	_ =	swait.eq [sflag:s15], $0x1  }
0x94: {  	[sflag:s15] =	ssyncset.done $0x0  }
0x95: {  	[sflag:s15] =	ssyncadd.s32 $0xFFFFFFFF  }
0x96: {  	s16 =	sld [smem:$0x10];
	(tm) =	ssettm $0x1  }
0x97: {  	s17 =	sld [smem:$0x3FFB];
	_ =	sdelay $0x3  }
0x98: {  	_ =	strace s17  }
0x99: {  	s3 =	sld [smem:$0x3FFC];
	_ =	sdelay $0x3  }
0x9a: {  	_ =	strace s3  }
0x9b: {  	s3 =	sld [smem:$0x3FFD];
	_ =	sdelay $0x3  }
0x9c: {  	_ =	strace s3  }
0x9d: {  	_ =	strace $0x8FFFFFFF  }
0x9e: {  	s18 =	sld [smem:$0x3FDB];
	_ =	sdelay $0x1  }
0x9f: {  	s19 =	simm.s32 $_scs_section_size  }
0xa0: {  	s5 =	simm.s32 $_size__tile_overlayer_lowered;
	s6 =	simm.s32 $_tile_overlayer_lowered  }
0xa1: {  	s22 =	simm.s32 $0x1BFF;
	s21 =	sshll.u32 s6, $0x1;
	s3 =	sadd.s32 s19, s18  }
0xa2: {  	s7 =	simm.s32 $0x0;
	s20 =	sshll.u32 s5, $0x1;
	s5 =	sadd.s32 s21, s3  }
0xa3: {  	[timem:s7], [sflag:s22] =	dma.local [hbm:s5], s20  }
0xa4: {  	_ =	swait.ge [sflag:s22], s20  }
0xa5: {  	s4 =	ssub.s32 $0x0, s20;
	[sflag:s22] =	ssyncset.done $0x0  }
0xa6: {  	[sflag:s22] =	ssyncadd.s32 s4;
	_ =	sdelay $0x1  }
0xa7: {  	s23 =	simm.s32 $0x1B8B  }
0xa8: {  	_ =	swait.ge [sflag:s23], $0x1  }
0xa9: {  	[sflag:s23] =	ssyncset.done $0x0  }
0xaa: {  	s25 =	simm.s32 $0x1B8E;
	s24 =	sld [smem:$0x3FFE];
	[sflag:s23] =	ssyncadd.s32 $0xFFFFFFFF  }
0xab: {  	s26 =	simm.s32 $execute0_lowered;
	[smem:$0x3FD2] =	sst s25  }
0xac: {  	s5 =	sshll.u32 s26, $0x1;
	_ =	strace $0x80000049;
	[dreg:$0x1] =	wrdreg $0xFFFFFFFF  }
0xad: {  	s28 =	simm.s32 $_size_execute0_lowered;
	s3 =	sadd.s32 s3, s5;
	[dreg:$0x0] =	wrdreg $0x0  }
0xae: {  	s5 =	sshll.u32 s28, $0x1;
	[dreg:$0x2] =	wrdreg s3  }
0xaf: {  	[dreg:$0x3] =	wrdreg s5  }
0xb0: {  	[dreg:$0x4] =	wrdreg $0xC0  }
0xb1: {  	_ =	task [dreg:s7], $0x5FFFF  }
0xb2: {  	[dreg:$0x1] =	wrdreg $0xFFFFFFFF  }
0xb3: {  	[dreg:$0x0] =	wrdreg $0x60  }
0xb4: {  	[dreg:$0x2] =	wrdreg s24  }
0xb5: {  	[dreg:$0x3] =	wrdreg s16  }
0xb6: {  	[dreg:$0x4] =	wrdreg $0x10EA00  }
0xb7: {  	[dreg:$0x5] =	wrdreg $0x1AEA00  }
0xb8: {  	[dreg:$0x6] =	wrdreg $0x9  }
0xb9: {  	_ =	task.clear_ibuf [dreg:s7], $0x7FFFF;
	_ =	strace $0x90000049  }
0xba: {  	s29 =	simm.s32 $0x9;
	_ =	strace $0x8000004B  }
0xbb: {  	_ =	swait.ge [sflag:s29], $0x1  }
0xbc: {  	[sflag:s29] =	ssyncadd.s32 $0xFFFFFFFF  }
0xbd: {  	_ =	strace $0x9000004B  }
0xbe: {  	_ =	sfence  }
0xbf: {  	s30 =	sld [smem:$0x0];
	_ =	sdelay $0x2  }
0xc0: {  	s31 =	sshll.u32 s1, $0xD;
	s1 =	sshrl.u32 s1, $0x2  }
0xc1: {  	s3 =	sand.u32 $0x4000, s31;
	s1 =	sadd.s32 s1, s30  }
0xc2: {  	s0 =	sor.u32 s3, s0;
	s1 =	sshll.u32 s1, $0x11  }
0xc3: {  	s0 =	sor.u32 s1, s0  }
0xc4: {  	s0 =	sadd.s32 $0x8F2B, s0  }
0xc5: {  	[sflag:s0] =	ssyncadd.remote.s32 $0x1  }
0xc6: {  	_ =	sfence.sel $0xFFFF  }
0xc7: {  	[dreg:$0x0] =	wrdreg $0xFFFFFFFF;
	(pc) =	sbr.abs _section_cstart, $3  }
0xc8: {  	[dreg:$0x1] =	wrdreg $0xFFFFFFFF  }
0xc9: {  	_ =	task.clear_ibuf [dreg:s7], $0x2FFFF;
	_ =	strace $0x9FFFFFFF  }
0xca: {  	(tm) =	ssettm $0x7FFFFFFF  }
0xcb: {  	_ =	shalt  }
tec
execute0_lowered:
.L_overlay_start_1:
0x0: {  	(tag) =	ssettag $0x1  }
0x1: {  	s0 =	rddreg [dreg:$0x0]  }
0x2: {  	s14 =	rddreg [dreg:$0x1]  }
0x3: {  	s2 =	rddreg [dreg:$0x2];
	s1 =	stileid.u32  }
0x4: {  	s3 =	rddreg [dreg:$0x3];
	s20 =	smul.u32 $0xA000, s1  }
0x5: {  	s5 =	srdreg.scid;
	s10 =	smul.u32 $0x4E20, s1  }
0x6: {  	s4 =	simm.s32 $0x0;
	s28 =	simm.s32 $0x2;
	s13 =	smul.u32 $0x1400, s1  }
0x7: {  	s29 =	simm.s32 $0x0;
	s9 =	sand.u32 $0x1, s5;
	s8 =	smul.u32 $0x4E200, s1  }
0x8: {  	[smem:$0x7FF] =	sst s4;
	s11 =	sadd.s32 $0xEB4A00, s0;
	s16 =	smul.u32 $0x9C40, s1  }
0x9: {  	s12 =	sadd.s32 $0xE800, s0;
	s17 =	sadd.s32 $0x4A00, s0;
	s30 =	smul.u32 $0x9C4, s1  }
0xa: {  	s26 =	sadd.s32 $0x1388, s1;
	s6 =	smul.u32 $0xA0000, s9;
	_ =	strace $0x8000004A  }
0xb: {  	s7 =	ssub.s32 $0x2, s9;
	s18 =	smul.u32 $0x1388, s9;
	v1 =	vmov s26;
	s26 =	simm.s32 $0x1  }
0xc: {  	s21 =	sshrl.u32 s7, $0x1;
	s5 =	sadd.s32 s20, s2;
	s22 =	sshrl.u32 s10, $0x3  }
0xd: {  	s8 =	sadd.s32 s11, s8;
	s19 =	sadd.s32 $0x4DD0, s10;
	s31 =	sadd.s32 s30, s17  }
0xe: {  	s6 =	sadd.s32 s20, s6;
	s15 =	ssub.s32 s7, s21;
	s7 =	sadd.s32 s17, s22  }
0xf: {  	s20 =	smul.u32 $0x14000, s9;
	s9 =	sadd.s32 s12, s16;
	s10 =	sshrl.u32 s19, $0x3  }
0x10: {  	s23 =	sshll.u32 s19, $0x4;
	s24 =	sshll.u32 s19, $0x1;
	s16 =	sadd.s32 $0xA00, s8  }
0x11: {  	s19 =	simm.s32 $0x3;
	s21 =	simm.s32 $0x50;
	s22 =	simm.s32 $0x2850  }
0x12: {  	s6 =	sshrl.u32 s6, $0x3;
	s10 =	sadd.s32 s17, s10;
	s11 =	sadd.s32 s11, s23  }
0x13: {  	s12 =	sadd.s32 s12, s24;
	s15 =	smax.u32 s15, $0x1;
	s23 =	simm.s32 $0x2D50  }
0x14: {  	s0 =	sadd.s32 s6, s0;
	s6 =	sadd.s32 s13, s3;
	s13 =	sadd.s32 s13, s20  }
0x15: {  	s24 =	simm.s32 $0x2DA0;
	s25 =	sshrl.u32 s13, $0x3;
	s13 =	sadd.s32 $0xAAC00, s0  }
0x16: {  	v2 =	vimm.f32 $0.0e+00;
	v0 =	vmov s18;
	s0 =	sadd.s32 $0x14, s31;
	s14 =	sadd.s32 s14, s25;
	s25 =	simm.s32 $0x55A0  }
.LBB2_1:
0x17: {  	s17 =	simm.s32 $0x5AE0  }
0x18: {  	[tilespmem:s17+$0xFFFFFFD0] =	vst v2  }
0x19: {  	[tilespmem:s17+$0xFFFFFFE0] =	vst v2  }
0x1a: {  	[tilespmem:s17+$0xFFFFFFF0] =	vst v2  }
0x1b: {  	[tilespmem:s17+$0x0] =	vst v2  }
0x1c: {  	[tilespmem:s17+$0x10] =	vst v2  }
0x1d: {  	[tilespmem:s17+$0x20] =	vst v2  }
0x1e: {  	[tilespmem:s17+$0x30] =	vst v2  }
0x1f: {  	s30 =	simm.s32 $0x0;
	s18 =	simm.s32 $0x40;
	[tilespmem:s17+$0xFFFFFFC0] =	vst v2  }
.LBB2_2:
0x20: {  	p0 =	sne.s32 s18, $0x4FC0;
	[tilespmem:s30+$0xFAA0] =	vst v2;
	s17 =	sadd.s32 $0x80, s17  }
0x21: {  	[tilespmem:s17+$0xFFFFFFD0] =	vst v2  }
0x22: {  	[tilespmem:s17+$0xFFFFFFE0] =	vst v2  }
0x23: {  	[tilespmem:s17+$0xFFFFFFF0] =	vst v2  }
.Ltmp0:
0x24: {  	[tilespmem:s17+$0x0] =	vst v2;
	(pc) =	sbr.rel @p0 .LBB2_2-.Ltmp0, $4  }
0x25: {  	[tilespmem:s17+$0x10] =	vst v2  }
0x26: {  	[tilespmem:s17+$0x20] =	vst v2  }
0x27: {  	[tilespmem:s17+$0x30] =	vst v2  }
0x28: {  	s30 =	sshra.s32 s18, $0x2;
	s18 =	sadd.s32 $0x40, s18;
	[tilespmem:s17+$0xFFFFFFC0] =	vst v2  }
0x29: {  	[tilespmem:s30+$0xFAA0] =	vst v2;
	s17 =	simm.s32 $0x5AA0  }
0x2a: {  	[spmem:s5] =	stream.linear.scatter [tilespmem:s17], [sflag:$0x3], $0xA000, $0x38;
	[tilespmem:$0x1C2A0] =	vst v63  }
0x2b: {  	_ =	swait.ge [sflag:s19], $0xA000  }
0x2c: {  	[sflag:s19] =	ssyncset.done $0x0  }
0x2d: {  	s18 =	simm.s32 $0xFAA0;
	[sflag:s19] =	ssyncadd.s32 $0xFFFF6000  }
0x2e: {  	[spmem:s6] =	stream.linear.scatter [tilespmem:s18], [sflag:$0x3], $0x1400, $0x38;
	[tilespmem:$0x1C2A0] =	vst v63  }
0x2f: {  	_ =	swait.ge [sflag:s19], $0x1400  }
0x30: {  	[sflag:s19] =	ssyncset.done $0x0  }
0x31: {  	[sflag:s19] =	ssyncadd.s32 $0xFFFFEC00  }
0x32: {  	s20 =	simm.s32 $0x0;
	[bflag:$0x0] =	sbarrier.arrive $0xFFFF  }
0x33: {  	[tilespmem:s20], [sflag:$0x1] =	stream.linear.gather [hbm4b:s7+s20], $0x50, $0x38;
	[tilespmem:$0x1C2A0] =	vst v63  }
0x34: {  	_ = 	snop  }
0x35: {  	[tilespmem:s21], [sflag:$0x1] =	stream.linear.gather [hbm4b:s8+s20], $0x2800, $0x38;
	[tilespmem:$0x1C2A0] =	vst v63  }
0x36: {  	_ = 	snop  }
0x37: {  	[tilespmem:s22], [sflag:$0x1] =	stream.linear.gather [hbm4b:s9+s20], $0x500, $0x38;
	[tilespmem:$0x1C2A0] =	vst v63  }
0x38: {  	s18 =	sadd.s32 $0xFFFFFFF6, s0  }
0x39: {  	[tilespmem:s23], [sflag:$0x2] =	stream.linear.gather [hbm4b:s18+s4], $0x50, $0x38;
	[tilespmem:$0x1C2A0] =	vst v63  }
0x3a: {  	s20 =	sadd.s32 $0xFFFFFB00, s16;
	s18 =	sadd.s32 $0x0, s9  }
0x3b: {  	[tilespmem:s24], [sflag:$0x2] =	stream.linear.gather [hbm4b:s20+s4], $0x2800, $0x38;
	[tilespmem:$0x1C2A0] =	vst v63  }
0x3c: {  	s20 =	sadd.s32 $0xA0, s18  }
0x3d: {  	[tilespmem:s25], [sflag:$0x2] =	stream.linear.gather [hbm4b:s20+s4], $0x500, $0x38;
	[tilespmem:$0x1C2A0] =	vst v63  }
0x3e: {  	_ =	swait.ge [sflag:s26], $0x50  }
0x3f: {  	[sflag:s26] =	ssyncset.done $0x0  }
0x40: {  	[sflag:s26] =	ssyncadd.s32 $0xFFFFFFB0  }
0x41: {  	_ =	swait.ge [sflag:s26], $0x2800  }
0x42: {  	[sflag:s26] =	ssyncset.done $0x0  }
0x43: {  	[sflag:s26] =	ssyncadd.s32 $0xFFFFD800  }
0x44: {  	_ =	swait.ge [sflag:s26], $0x500  }
0x45: {  	[sflag:s26] =	ssyncset.done $0x0  }
0x46: {  	[sflag:s26] =	ssyncadd.s32 $0xFFFFFB00  }
0x47: {  	v3 =	vld [tilespmem:$0x40]  }
0x48: {  	v4 =	vld [tilespmem:$0x30]  }
0x49: {  	v5 =	vld [tilespmem:$0x10]  }
0x4a: {  	v6 =	vld [tilespmem:$0x20]  }
0x4b: {  	v7 =	vld [tilespmem:$0x0]  }
0x4c: {  	v3 =	vsub.s32 v3, v0  }
0x4d: {  	v4 =	vsub.s32 v4, v0;
	vm0 =	vlt.u32 v3, $0x1388  }
0x4e: {  	v5 =	vsub.s32 v5, v0;
	vm1 =	vlt.u32 v4, $0x1388;
	v3 =	vsel vm0, v3, v1  }
0x4f: {  	v6 =	vsub.s32 v6, v0;
	vm13 =	vlt.u32 v5, $0x1388;
	v4 =	vsel vm1, v4, v1;
	[tilespmem:$0x40] =	vst v3  }
0x50: {  	vm14 =	vlt.u32 v6, $0x1388;
	v5 =	vsel vm13, v5, v1;
	v3 =	vsub.s32 v7, v0;
	[tilespmem:$0x30] =	vst v4  }
0x51: {  	v63 =	vsel vm14, v6, v1;
	[tilespmem:$0x10] =	vst v5;
	vm15 =	vlt.u32 v3, $0x1388  }
0x52: {  	[tilespmem:$0x20] =	vst v63;
	v3 =	vsel vm15, v3, v1  }
0x53: {  	[tilespmem:$0x0] =	vst v3  }
0x54: {  	[spmem:s2] =	stream.indirect.scatter.add.f32 [tilespmem:s21], [sflag:$0x3], $0x80, s4, s21, $0xb8;
	[tilespmem:$0x1C2A0] =	vst v63  }
0x55: {  	_ =	swait.ge [sflag:s19], $0x2800  }
0x56: {  	[sflag:s19] =	ssyncset.done $0x0  }
0x57: {  	[sflag:s19] =	ssyncadd.s32 $0xFFFFD800  }
0x58: {  	[spmem:s3] =	stream.indirect.scatter.add.f32 [tilespmem:s22], [sflag:$0x3], $0x10, s4, s21, $0xb8;
	[tilespmem:$0x1C2A0] =	vst v63  }
0x59: {  	_ =	swait.ge [sflag:s19], $0x500  }
0x5a: {  	[sflag:s19] =	ssyncset.done $0x0  }
0x5b: {  	[sflag:s19] =	ssyncadd.s32 $0xFFFFFB00  }
0x5c: {  	[tilespmem:s4], [sflag:$0x1] =	stream.linear.gather [hbm4b:s0+s4], $0x50, $0x38;
	[tilespmem:$0x1C2A0] =	vst v63  }
0x5d: {  	_ = 	snop  }
0x5e: {  	[tilespmem:s21], [sflag:$0x1] =	stream.linear.gather [hbm4b:s16+s4], $0x2800, $0x38;
	[tilespmem:$0x1C2A0] =	vst v63  }
0x5f: {  	s20 =	sadd.s32 $0x140, s18  }
0x60: {  	[tilespmem:s22], [sflag:$0x1] =	stream.linear.gather [hbm4b:s20+s4], $0x500, $0x38;
	[tilespmem:$0x1C2A0] =	vst v63  }
0x61: {  	_ =	swait.ge [sflag:s28], $0x50  }
0x62: {  	[sflag:s28] =	ssyncset.done $0x0  }
0x63: {  	[sflag:s28] =	ssyncadd.s32 $0xFFFFFFB0  }
0x64: {  	_ =	swait.ge [sflag:s28], $0x2800  }
0x65: {  	[sflag:s28] =	ssyncset.done $0x0  }
0x66: {  	[sflag:s28] =	ssyncadd.s32 $0xFFFFD800  }
0x67: {  	_ =	swait.ge [sflag:s28], $0x500  }
0x68: {  	s30 =	simm.s32 $0x140;
	[sflag:s28] =	ssyncset.done $0x0  }
0x69: {  	s31 =	smov.u32 s16;
	s17 =	smov.u32 s0;
	[sflag:s28] =	ssyncadd.s32 $0xFFFFFB00  }
.LBB2_4:
0x6a: {  	p0 =	sne.s32 s30, $0x99C0;
	v3 =	vld [tilespmem:$0x2D90];
	s31 =	sadd.s32 $0xA00, s31;
	s17 =	sadd.s32 $0x14, s17  }
0x6b: {  	s18 =	smov.u32 s30;
	s30 =	sadd.s32 $0x140, s30;
	v4 =	vld [tilespmem:$0x2D80]  }
0x6c: {  	v5 =	vld [tilespmem:$0x2D70]  }
0x6d: {  	v6 =	vld [tilespmem:$0x2D60]  }
0x6e: {  	v7 =	vld [tilespmem:$0x2D50]  }
0x6f: {  	v3 =	vsub.s32 v3, v0  }
0x70: {  	v4 =	vsub.s32 v4, v0;
	vm0 =	vlt.u32 v3, $0x1388  }
0x71: {  	v5 =	vsub.s32 v5, v0;
	vm1 =	vlt.u32 v4, $0x1388;
	v3 =	vsel vm0, v3, v1  }
0x72: {  	v6 =	vsub.s32 v6, v0;
	vm0 =	vlt.u32 v5, $0x1388;
	v4 =	vsel vm1, v4, v1;
	[tilespmem:$0x2D90] =	vst v3  }
0x73: {  	v3 =	vsub.s32 v7, v0;
	vm1 =	vlt.u32 v6, $0x1388;
	v5 =	vsel vm0, v5, v1;
	[tilespmem:$0x2D80] =	vst v4  }
0x74: {  	vm0 =	vlt.u32 v3, $0x1388;
	v4 =	vsel vm1, v6, v1;
	[tilespmem:$0x2D70] =	vst v5  }
0x75: {  	v3 =	vsel vm0, v3, v1;
	[tilespmem:$0x2D60] =	vst v4  }
0x76: {  	[tilespmem:$0x2D50] =	vst v3  }
0x77: {  	[spmem:s2] =	stream.indirect.scatter.add.f32 [tilespmem:s24], [sflag:$0x3], $0x80, s23, s21, $0xb8;
	[tilespmem:$0x1C2A0] =	vst v63  }
0x78: {  	_ =	swait.ge [sflag:s19], $0x2800  }
0x79: {  	[sflag:s19] =	ssyncset.done $0x0  }
0x7a: {  	[sflag:s19] =	ssyncadd.s32 $0xFFFFD800  }
0x7b: {  	[spmem:s3] =	stream.indirect.scatter.add.f32 [tilespmem:s25], [sflag:$0x3], $0x10, s23, s21, $0xb8;
	[tilespmem:$0x1C2A0] =	vst v63  }
0x7c: {  	_ =	swait.ge [sflag:s19], $0x500  }
0x7d: {  	[sflag:s19] =	ssyncset.done $0x0  }
0x7e: {  	s20 =	sadd.s32 $0xFFFFFFF6, s17;
	[sflag:s19] =	ssyncadd.s32 $0xFFFFFB00  }
0x7f: {  	[tilespmem:s23], [sflag:$0x2] =	stream.linear.gather [hbm4b:s20+s4], $0x50, $0x38;
	[tilespmem:$0x1C2A0] =	vst v63  }
0x80: {  	s18 =	sadd.s32 s18, s9;
	s20 =	sadd.s32 $0xFFFFFB00, s31  }
0x81: {  	[tilespmem:s24], [sflag:$0x2] =	stream.linear.gather [hbm4b:s20+s4], $0x2800, $0x38;
	[tilespmem:$0x1C2A0] =	vst v63  }
0x82: {  	s20 =	sadd.s32 $0xA0, s18  }
0x83: {  	[tilespmem:s25], [sflag:$0x2] =	stream.linear.gather [hbm4b:s20+s4], $0x500, $0x38;
	[tilespmem:$0x1C2A0] =	vst v63  }
0x84: {  	_ =	swait.ge [sflag:s26], $0x50  }
0x85: {  	[sflag:s26] =	ssyncset.done $0x0  }
0x86: {  	[sflag:s26] =	ssyncadd.s32 $0xFFFFFFB0  }
0x87: {  	_ =	swait.ge [sflag:s26], $0x2800  }
0x88: {  	[sflag:s26] =	ssyncset.done $0x0  }
0x89: {  	[sflag:s26] =	ssyncadd.s32 $0xFFFFD800  }
0x8a: {  	_ =	swait.ge [sflag:s26], $0x500  }
0x8b: {  	[sflag:s26] =	ssyncset.done $0x0  }
0x8c: {  	[sflag:s26] =	ssyncadd.s32 $0xFFFFFB00  }
0x8d: {  	v3 =	vld [tilespmem:$0x40]  }
0x8e: {  	v4 =	vld [tilespmem:$0x30]  }
0x8f: {  	v5 =	vld [tilespmem:$0x10]  }
0x90: {  	v6 =	vld [tilespmem:$0x20]  }
0x91: {  	v7 =	vld [tilespmem:$0x0]  }
0x92: {  	v3 =	vsub.s32 v3, v0  }
0x93: {  	v4 =	vsub.s32 v4, v0;
	vm0 =	vlt.u32 v3, $0x1388  }
0x94: {  	v5 =	vsub.s32 v5, v0;
	vm1 =	vlt.u32 v4, $0x1388;
	v3 =	vsel vm0, v3, v1  }
0x95: {  	vm0 =	vlt.u32 v5, $0x1388;
	v6 =	vsub.s32 v6, v0;
	v4 =	vsel vm1, v4, v1;
	[tilespmem:$0x40] =	vst v3  }
0x96: {  	v3 =	vsub.s32 v7, v0;
	v5 =	vsel vm0, v5, v1;
	vm0 =	vlt.u32 v6, $0x1388;
	[tilespmem:$0x30] =	vst v4  }
0x97: {  	vm1 =	vlt.u32 v3, $0x1388;
	[tilespmem:$0x10] =	vst v5;
	v4 =	vsel vm0, v6, v1  }
0x98: {  	v3 =	vsel vm1, v3, v1;
	[tilespmem:$0x20] =	vst v4  }
0x99: {  	[tilespmem:$0x0] =	vst v3  }
0x9a: {  	[spmem:s2] =	stream.indirect.scatter.add.f32 [tilespmem:s21], [sflag:$0x3], $0x80, s4, s21, $0xb8;
	[tilespmem:$0x1C2A0] =	vst v63  }
0x9b: {  	_ =	swait.ge [sflag:s19], $0x2800  }
0x9c: {  	[sflag:s19] =	ssyncset.done $0x0  }
0x9d: {  	[sflag:s19] =	ssyncadd.s32 $0xFFFFD800  }
0x9e: {  	[spmem:s3] =	stream.indirect.scatter.add.f32 [tilespmem:s22], [sflag:$0x3], $0x10, s4, s21, $0xb8;
	[tilespmem:$0x1C2A0] =	vst v63  }
0x9f: {  	_ =	swait.ge [sflag:s19], $0x500  }
0xa0: {  	[sflag:s19] =	ssyncset.done $0x0  }
0xa1: {  	[sflag:s19] =	ssyncadd.s32 $0xFFFFFB00  }
0xa2: {  	[tilespmem:s4], [sflag:$0x1] =	stream.linear.gather [hbm4b:s17+s4], $0x50, $0x38;
	[tilespmem:$0x1C2A0] =	vst v63  }
0xa3: {  	_ = 	snop  }
0xa4: {  	[tilespmem:s21], [sflag:$0x1] =	stream.linear.gather [hbm4b:s31+s4], $0x2800, $0x38;
	[tilespmem:$0x1C2A0] =	vst v63  }
0xa5: {  	s18 =	sadd.s32 $0x140, s18  }
0xa6: {  	[tilespmem:s22], [sflag:$0x1] =	stream.linear.gather [hbm4b:s18+s4], $0x500, $0x38;
	[tilespmem:$0x1C2A0] =	vst v63  }
0xa7: {  	_ =	swait.ge [sflag:s28], $0x50  }
0xa8: {  	[sflag:s28] =	ssyncset.done $0x0  }
0xa9: {  	[sflag:s28] =	ssyncadd.s32 $0xFFFFFFB0  }
0xaa: {  	_ =	swait.ge [sflag:s28], $0x2800  }
.Ltmp1:
0xab: {  	[sflag:s28] =	ssyncset.done $0x0;
	(pc) =	sbr.rel @p0 .LBB2_4-.Ltmp1, $4  }
0xac: {  	[sflag:s28] =	ssyncadd.s32 $0xFFFFD800  }
0xad: {  	_ =	swait.ge [sflag:s28], $0x500  }
0xae: {  	[sflag:s28] =	ssyncset.done $0x0  }
0xaf: {  	[sflag:s28] =	ssyncadd.s32 $0xFFFFFB00  }
0xb0: {  	v3 =	vld [tilespmem:$0x2D90]  }
0xb1: {  	v4 =	vld [tilespmem:$0x2D80]  }
0xb2: {  	v5 =	vld [tilespmem:$0x2D70]  }
0xb3: {  	v6 =	vld [tilespmem:$0x2D60]  }
0xb4: {  	v7 =	vld [tilespmem:$0x2D50]  }
0xb5: {  	v3 =	vsub.s32 v3, v0  }
0xb6: {  	v4 =	vsub.s32 v4, v0;
	vm0 =	vlt.u32 v3, $0x1388  }
0xb7: {  	v5 =	vsub.s32 v5, v0;
	vm1 =	vlt.u32 v4, $0x1388;
	v3 =	vsel vm0, v3, v1  }
0xb8: {  	v6 =	vsub.s32 v6, v0;
	vm15 =	vlt.u32 v5, $0x1388;
	v4 =	vsel vm1, v4, v1;
	[tilespmem:$0x2D90] =	vst v3  }
0xb9: {  	vm4 =	vlt.u32 v6, $0x1388;
	v5 =	vsel vm15, v5, v1;
	v3 =	vsub.s32 v7, v0;
	[tilespmem:$0x2D80] =	vst v4  }
0xba: {  	v51 =	vsel vm4, v6, v1;
	[tilespmem:$0x2D70] =	vst v5;
	vm5 =	vlt.u32 v3, $0x1388  }
0xbb: {  	[tilespmem:$0x2D60] =	vst v51;
	v3 =	vsel vm5, v3, v1  }
0xbc: {  	[tilespmem:$0x2D50] =	vst v3  }
0xbd: {  	[spmem:s2] =	stream.indirect.scatter.add.f32 [tilespmem:s24], [sflag:$0x3], $0x80, s23, s21, $0xb8;
	[tilespmem:$0x1C2A0] =	vst v63  }
0xbe: {  	_ =	swait.ge [sflag:s19], $0x2800  }
0xbf: {  	[sflag:s19] =	ssyncset.done $0x0  }
0xc0: {  	[sflag:s19] =	ssyncadd.s32 $0xFFFFD800  }
0xc1: {  	[spmem:s3] =	stream.indirect.scatter.add.f32 [tilespmem:s25], [sflag:$0x3], $0x10, s23, s21, $0xb8;
	[tilespmem:$0x1C2A0] =	vst v63  }
0xc2: {  	_ =	swait.ge [sflag:s19], $0x500  }
0xc3: {  	[sflag:s19] =	ssyncset.done $0x0  }
0xc4: {  	[sflag:s19] =	ssyncadd.s32 $0xFFFFFB00  }
0xc5: {  	[tilespmem:s23], [sflag:$0x2] =	stream.linear.gather [hbm4b:s10+s4], $0x50, $0x38;
	[tilespmem:$0x1C2A0] =	vst v63  }
0xc6: {  	_ = 	snop  }
0xc7: {  	[tilespmem:s24], [sflag:$0x2] =	stream.linear.gather [hbm4b:s11+s4], $0x2800, $0x38;
	[tilespmem:$0x1C2A0] =	vst v63  }
0xc8: {  	_ = 	snop  }
0xc9: {  	[tilespmem:s25], [sflag:$0x2] =	stream.linear.gather [hbm4b:s12+s4], $0x500, $0x38;
	[tilespmem:$0x1C2A0] =	vst v63  }
0xca: {  	_ =	swait.ge [sflag:s26], $0x50  }
0xcb: {  	[sflag:s26] =	ssyncset.done $0x0  }
0xcc: {  	[sflag:s26] =	ssyncadd.s32 $0xFFFFFFB0  }
0xcd: {  	_ =	swait.ge [sflag:s26], $0x2800  }
0xce: {  	[sflag:s26] =	ssyncset.done $0x0  }
0xcf: {  	[sflag:s26] =	ssyncadd.s32 $0xFFFFD800  }
0xd0: {  	_ =	swait.ge [sflag:s26], $0x500  }
0xd1: {  	[sflag:s26] =	ssyncset.done $0x0  }
0xd2: {  	[sflag:s26] =	ssyncadd.s32 $0xFFFFFB00  }
0xd3: {  	v3 =	vld [tilespmem:$0x0]  }
0xd4: {  	v52 =	vld [tilespmem:$0x10]  }
0xd5: {  	v53 =	vld [tilespmem:$0x20]  }
0xd6: {  	v54 =	vld [tilespmem:$0x30]  }
0xd7: {  	v55 =	vld [tilespmem:$0x40]  }
0xd8: {  	v3 =	vsub.s32 v3, v0  }
0xd9: {  	v4 =	vsub.s32 v52, v0;
	vm6 =	vlt.u32 v3, $0x1388  }
0xda: {  	v5 =	vsub.s32 v53, v0;
	vm7 =	vlt.u32 v4, $0x1388;
	v3 =	vsel vm6, v3, v1  }
0xdb: {  	v56 =	vsub.s32 v54, v0;
	vm8 =	vlt.u32 v5, $0x1388;
	[tilespmem:$0x0] =	vst v3;
	v3 =	vsel vm7, v4, v1  }
0xdc: {  	v57 =	vsub.s32 v55, v0;
	vm9 =	vlt.u32 v56, $0x1388;
	[tilespmem:$0x10] =	vst v3;
	v3 =	vsel vm8, v5, v1  }
0xdd: {  	vm10 =	vlt.u32 v57, $0x1388;
	[tilespmem:$0x20] =	vst v3;
	v3 =	vsel vm9, v56, v1  }
0xde: {  	[tilespmem:$0x30] =	vst v3;
	v3 =	vsel vm10, v57, v1  }
0xdf: {  	[tilespmem:$0x40] =	vst v3  }
0xe0: {  	[spmem:s2] =	stream.indirect.scatter.add.f32 [tilespmem:s21], [sflag:$0x3], $0x80, s4, s21, $0xb8;
	[tilespmem:$0x1C2A0] =	vst v63  }
0xe1: {  	_ =	swait.ge [sflag:s19], $0x2800  }
0xe2: {  	[sflag:s19] =	ssyncset.done $0x0  }
0xe3: {  	[sflag:s19] =	ssyncadd.s32 $0xFFFFD800  }
0xe4: {  	[spmem:s3] =	stream.indirect.scatter.add.f32 [tilespmem:s22], [sflag:$0x3], $0x10, s4, s21, $0xb8;
	[tilespmem:$0x1C2A0] =	vst v63  }
0xe5: {  	_ =	swait.ge [sflag:s19], $0x500  }
0xe6: {  	[sflag:s19] =	ssyncset.done $0x0  }
0xe7: {  	[sflag:s19] =	ssyncadd.s32 $0xFFFFFB00  }
0xe8: {  	_ =	swait.ge [sflag:s28], $0x50  }
0xe9: {  	[sflag:s28] =	ssyncset.done $0x0  }
0xea: {  	[sflag:s28] =	ssyncadd.s32 $0xFFFFFFB0  }
0xeb: {  	_ =	swait.ge [sflag:s28], $0x2800  }
0xec: {  	[sflag:s28] =	ssyncset.done $0x0  }
0xed: {  	[sflag:s28] =	ssyncadd.s32 $0xFFFFD800  }
0xee: {  	_ =	swait.ge [sflag:s28], $0x500  }
0xef: {  	[sflag:s28] =	ssyncset.done $0x0  }
0xf0: {  	[sflag:s28] =	ssyncadd.s32 $0xFFFFFB00  }
0xf1: {  	v3 =	vld [tilespmem:$0x2D50]  }
0xf2: {  	v58 =	vld [tilespmem:$0x2D60]  }
0xf3: {  	v59 =	vld [tilespmem:$0x2D70]  }
0xf4: {  	v60 =	vld [tilespmem:$0x2D80]  }
0xf5: {  	v61 =	vld [tilespmem:$0x2D90]  }
0xf6: {  	v3 =	vsub.s32 v3, v0  }
0xf7: {  	v4 =	vsub.s32 v58, v0;
	vm11 =	vlt.u32 v3, $0x1388  }
0xf8: {  	v5 =	vsub.s32 v59, v0;
	vm12 =	vlt.u32 v4, $0x1388;
	v3 =	vsel vm11, v3, v1  }
0xf9: {  	v62 =	vsub.s32 v60, v0;
	vm13 =	vlt.u32 v5, $0x1388;
	[tilespmem:$0x2D50] =	vst v3;
	v3 =	vsel vm12, v4, v1  }
0xfa: {  	v63 =	vsub.s32 v61, v0;
	vm14 =	vlt.u32 v62, $0x1388;
	[tilespmem:$0x2D60] =	vst v3;
	v3 =	vsel vm13, v5, v1  }
0xfb: {  	vm15 =	vlt.u32 v63, $0x1388;
	[tilespmem:$0x2D70] =	vst v3;
	v3 =	vsel vm14, v62, v1  }
0xfc: {  	[tilespmem:$0x2D80] =	vst v3;
	v3 =	vsel vm15, v63, v1  }
0xfd: {  	[tilespmem:$0x2D90] =	vst v3  }
0xfe: {  	[spmem:s2] =	stream.indirect.scatter.add.f32 [tilespmem:s24], [sflag:$0x3], $0x80, s23, s21, $0xb8;
	[tilespmem:$0x1C2A0] =	vst v63  }
0xff: {  	_ =	swait.ge [sflag:s19], $0x2800  }
0x100: {  	[sflag:s19] =	ssyncset.done $0x0  }
0x101: {  	[sflag:s19] =	ssyncadd.s32 $0xFFFFD800  }
0x102: {  	[spmem:s3] =	stream.indirect.scatter.add.f32 [tilespmem:s25], [sflag:$0x3], $0x10, s23, s21, $0xb8;
	[tilespmem:$0x1C2A0] =	vst v63  }
0x103: {  	_ =	swait.ge [sflag:s19], $0x500  }
0x104: {  	[sflag:s19] =	ssyncset.done $0x0  }
0x105: {  	s17 =	sshll.u32 s1, $0x6;
	[sflag:s19] =	ssyncadd.s32 $0xFFFFFB00  }
0x106: {  	s18 =	sshrl.u32 s5, $0x3;
	s17 =	sor.u32 $0x1C03, s17;
	[bflag:$0x0] =	sbarrier.arrive $0xFFFF  }
0x107: {  	[hbm:s13], [sflag:s17] =	dma.local [spmem:s18], $0x1400  }
0x108: {  	s29 =	sadd.s32 $0x1, s29;
	_ =	swait.ge [sflag:s19], $0x1400  }
0x109: {  	p0 =	sne.s32 s29, s15;
	[sflag:s19] =	ssyncset.done $0x0  }
.Ltmp2:
0x10a: {  	s31 =	sshrl.u32 s6, $0x3;
	[sflag:s19] =	ssyncadd.s32 $0xFFFFEC00;
	(pc) =	sbr.rel @p0 .LBB2_1-.Ltmp2, $4  }
0x10b: {  	[hbm:s14], [sflag:s17] =	dma.local [spmem:s31], $0x280  }
0x10c: {  	_ =	swait.ge [sflag:s19], $0x280  }
0x10d: {  	[sflag:s19] =	ssyncset.done $0x0  }
0x10e: {  	[sflag:s19] =	ssyncadd.s32 $0xFFFFFD80  }
0x10f: {  	_ =	sfence.sel $0x180000  }
0x110: {  	[bflag:$0x0] =	sbarrier.arrive $0xFFFF  }
0x111: {  	_ =	strace $0x9000004A  }
0x112: {  	[bflag:$0x2] =	sbarrier.arrive $0xFFFF  }
0x113: {  	p0 =	sne.s32 s1, $0x0;
	s0 =	rddreg [dreg:$0x4]  }
0x114: {  	s0 =	sadd.s32 @!p0 $0x100000, s0  }
0x115: {  	[sflag:s0] =	ssyncadd.tile.s32 @!p0 $0x1;
	_ =	shalt  }
.Lfunc_end2:
_tile_overlayer_lowered:
.L_overlay_start_2:
0x116: {  	(tag) =	ssettag $0x2  }
0x117: {  	s0 =	rddreg [dreg:$0x0];
	s2 =	stileid.u32  }
0x118: {  	s1 =	rddreg [dreg:$0x1];
	p0 =	sne.s32 s2, $0x0  }
0x119: {  	s3 =	rddreg [dreg:$0x2];
	[bflag:$0x3] =	sbarrier.arrive $0xFFFF;
	s2 =	simm.s32 @!p0 $0x1C03  }
0x11a: {  	[timem:s3], [sflag:s2] =	dma.local @!p0 [hbm:s0], s1  }
0x11b: {  	s0 =	simm.s32 @!p0 $0x3  }
0x11c: {  	_ =	swait.ge @!p0 [sflag:s0], s1  }
0x11d: {  	s1 =	ssub.s32 @!p0 $0x0, s1;
	[sflag:s0] =	ssyncset.done @!p0 $0x0  }
0x11e: {  	[sflag:s0] =	ssyncadd.s32 @!p0 s1  }
0x11f: {  	[bflag:$0x3] =	sbarrier.arrive $0xFFFF  }
0x120: {  	_ =	shalt  }

// kernel: kernel.7.cloned.1.call-start
scs
__scs_entry_jumppad:
0x0: {  	(pc) =	sbr.rel $0x88, $3  }
0x1: {  	(tag) =	ssettag $0x0;
	lr =	simm.s32 $0x1  }
0x2: {  	[smem:$0x3F89] =	sst lr;
	_ =	strace $0xD0000000  }
0x3: {  	_ = 	snop  }
0x4: {  	_ = 	snop  }
0x5: {  	_ = 	snop  }
0x6: {  	_ = 	snop  }
0x7: {  	_ = 	snop  }
__scs_overlays_trampoline_lowered:
0x8: {  	[smem:$0x3F98] =	sst s0  }
0x9: {  	[smem:$0x3F99] =	sst s1  }
0xa: {  	[smem:$0x3F9A] =	sst s2  }
0xb: {  	[smem:$0x3F9B] =	sst s3  }
0xc: {  	[smem:$0x3F9C] =	sst s4  }
0xd: {  	[smem:$0x3F9D] =	sst s5  }
0xe: {  	[smem:$0x3F9E] =	sst s6  }
0xf: {  	[smem:$0x3F9F] =	sst s7  }
0x10: {  	[smem:$0x3FA0] =	sst s8  }
0x11: {  	[smem:$0x3FA1] =	sst s9;
	s0 =	simm.s32 @!p0 $0x0  }
0x12: {  	s1 =	sld [smem:$0x3F87];
	s0 =	simm.s32 @p0 $0x1  }
0x13: {  	[smem:$0x3FA2] =	sst s0;
	s0 =	simm.s32 @!p1 $0x0  }
0x14: {  	s2 =	sld [smem:$0x3F86];
	s0 =	simm.s32 @p1 $0x1  }
0x15: {  	[smem:$0x3FA3] =	sst s0;
	s0 =	simm.s32 @!p2 $0x0  }
0x16: {  	s3 =	sld [smem:$0x3FDB];
	s0 =	simm.s32 @p2 $0x1  }
0x17: {  	s4 =	simm.s32 $0x1BF5;
	[smem:$0x3FA5] =	sst s0  }
0x18: {  	s0 =	sld [smem:$0x3F88];
	_ =	swait.ge [sflag:s4], $0x0  }
0x19: {  	s7 =	sld [smem:$0x3F89]  }
0x1a: {  	s8 =	sadd.s32 $0xFFFFE003, lr  }
0x1b: {  	s9 =	sadd.s32 $0xFFFFFEF7, lr;
	s5 =	simm.s32 $0xFFFFFFFF;
	p2 =	slt.u32 s8, $0xFFFFF086  }
0x1c: {  	p1 =	slt.u32 s9, $0xF7A;
	s5 =	simm.s32 @!p2 $0x0  }
0x1d: {  	s5 =	simm.s32 @p1 $0x1;
	p0 =	seq.s32 s7, s2  }
0x1e: {  	s7 =	smul.u32 @!p0 $0xF7A, s2;
	p2 =	seq.s32 @!p0 s5, $0x0  }
0x1f: {  	s9 =	smul.u32 $0xF7A, s1;
	s8 =	simm.s32 @!p0 $0x1BF5;
	p2 =	por !p2, p0  }
0x20: {  	[sflag:s8] =	ssyncset.s32 @!p0 $0xFFFFF086;
	s6 =	sadd.s32 @!p0 s3, s7;
	s7 =	simm.s32 @!p0 $0x108  }
0x21: {  	s3 =	sadd.s32 s3, s9;
	s6 =	sadd.s32 @!p0 $0x88, s6;
	s7 =	simm.s32 @p2 $0x1082  }
0x22: {  	[simem:s7], [sflag:s8] =	dma.local @!p0 [hbm:s6], $0xF7A  }
0x23: {  	s9 =	sor.u32 $0xD0000000, s2;
	s6 =	simm.s32 $0x108;
	_ =	swait.ge @!p0 [sflag:s8], $0x0  }
0x24: {  	s3 =	sadd.s32 $0x88, s3;
	s6 =	simm.s32 @!p1 $0x1082;
	[sflag:s4] =	ssyncset.s32 $0xFFFFF086  }
0x25: {  	[simem:s6], [sflag:s4] =	dma.local [hbm:s3], $0xF7A  }
0x26: {  	[smem:$0x3F89] =	sst s1;
	(tag) =	ssettag s2;
	_ =	strace s9  }
0x27: {  	s1 =	sld [smem:$0x3F99]  }
0x28: {  	s2 =	sld [smem:$0x3F9A]  }
0x29: {  	s4 =	sld [smem:$0x3F9C]  }
0x2a: {  	p0 =	seq.s32 s5, $0x0;
	s5 =	sld [smem:$0x3F9D]  }
0x2b: {  	s6 =	sld [smem:$0x3F9E]  }
0x2c: {  	s7 =	sld [smem:$0x3F9F]  }
0x2d: {  	s3 =	simm.s32 $0x108;
	s8 =	sld [smem:$0x3FA0]  }
0x2e: {  	s3 =	simm.s32 @!p0 $0x1082;
	s9 =	sld [smem:$0x3FA1]  }
0x2f: {  	lr =	sadd.s32 s0, s3;
	s0 =	sld [smem:$0x3F98]  }
0x30: {  	s3 =	sld [smem:$0x3F9B]  }
0x31: {  	[smem:$0x3FA4] =	sst s10  }
0x32: {  	s10 =	sld [smem:$0x3FA2];
	_ =	sdelay $0x3  }
0x33: {  	p0 =	seq.s32 s10, $0x1;
	s10 =	sld [smem:$0x3FA4];
	_ =	sdelay $0x3  }
0x34: {  	[smem:$0x3FA4] =	sst s10  }
0x35: {  	s10 =	sld [smem:$0x3FA3];
	_ =	sdelay $0x3  }
0x36: {  	p1 =	seq.s32 s10, $0x1;
	s10 =	sld [smem:$0x3FA4];
	_ =	sdelay $0x3  }
0x37: {  	[smem:$0x3FA4] =	sst s10  }
0x38: {  	s10 =	sld [smem:$0x3FA5]  }
0x39: {  	_ = 	snop;
	(pc) =	sbr.ind lr, $3  }
0x3a: {  	_ = 	snop  }
0x3b: {  	_ = 	snop  }
0x3c: {  	p2 =	seq.s32 s10, $0x1;
	s10 =	sld [smem:$0x3FA4]  }
0x3d: {  	_ =	shalt  }
0x3e: {  	_ =	shalt  }
0x3f: {  	_ =	shalt  }
0x40: {  	_ =	shalt  }
0x41: {  	_ =	shalt  }
0x42: {  	_ =	shalt  }
0x43: {  	_ =	shalt  }
0x44: {  	_ =	shalt  }
0x45: {  	_ =	shalt  }
0x46: {  	_ =	shalt  }
0x47: {  	_ =	shalt  }
0x48: {  	_ =	shalt  }
0x49: {  	_ =	shalt  }
0x4a: {  	_ =	shalt  }
0x4b: {  	_ =	shalt  }
0x4c: {  	_ =	shalt  }
0x4d: {  	_ =	shalt  }
0x4e: {  	_ =	shalt  }
0x4f: {  	_ =	shalt  }
0x50: {  	_ =	shalt  }
0x51: {  	_ =	shalt  }
0x52: {  	_ =	shalt  }
0x53: {  	_ =	shalt  }
0x54: {  	_ =	shalt  }
0x55: {  	_ =	shalt  }
0x56: {  	_ =	shalt  }
0x57: {  	_ =	shalt  }
0x58: {  	_ =	shalt  }
0x59: {  	_ =	shalt  }
0x5a: {  	_ =	shalt  }
0x5b: {  	_ =	shalt  }
0x5c: {  	_ =	shalt  }
0x5d: {  	_ =	shalt  }
0x5e: {  	_ =	shalt  }
0x5f: {  	_ =	shalt  }
0x60: {  	_ =	shalt  }
0x61: {  	_ =	shalt  }
0x62: {  	_ =	shalt  }
0x63: {  	_ =	shalt  }
0x64: {  	_ =	shalt  }
0x65: {  	_ =	shalt  }
0x66: {  	_ =	shalt  }
0x67: {  	_ =	shalt  }
0x68: {  	_ =	shalt  }
0x69: {  	_ =	shalt  }
0x6a: {  	_ =	shalt  }
0x6b: {  	_ =	shalt  }
0x6c: {  	_ =	shalt  }
0x6d: {  	_ =	shalt  }
0x6e: {  	_ =	shalt  }
0x6f: {  	_ =	shalt  }
0x70: {  	_ =	shalt  }
0x71: {  	_ =	shalt  }
0x72: {  	_ =	shalt  }
0x73: {  	_ =	shalt  }
0x74: {  	_ =	shalt  }
0x75: {  	_ =	shalt  }
0x76: {  	_ =	shalt  }
0x77: {  	_ =	shalt  }
0x78: {  	_ =	shalt  }
0x79: {  	_ =	shalt  }
0x7a: {  	_ =	shalt  }
0x7b: {  	_ =	shalt  }
0x7c: {  	_ =	shalt  }
0x7d: {  	_ =	shalt  }
0x7e: {  	_ =	shalt  }
0x7f: {  	_ =	shalt  }
0x80: {  	_ =	shalt  }
0x81: {  	_ =	shalt  }
0x82: {  	_ =	shalt  }
0x83: {  	_ =	shalt  }
0x84: {  	_ =	shalt  }
0x85: {  	_ =	shalt  }
0x86: {  	_ =	shalt  }
0x87: {  	_ =	shalt  }
.Lfunc_end0:
.L_simem_size_0:
called_computation_lowered:
.L_overlay_start_0:
0x88: {  	s2 =	sld [smem:$0x3FD9]  }
0x89: {  	s3 =	sld [smem:$0x3FFE];
	_ =	sdelay $0x1  }
0x8a: {  	s1 =	srdreg.scid  }
0x8b: {  	s0 =	sand.u32 $0x1, s1  }
0x8c: {  	s14 =	sshll.u32 s0, $0xA;
	s2 =	sadd.s32 s3, s2  }
0x8d: {  	s2 =	sadd.s32 s2, s14  }
0x8e: {  	[smem:$0x3FB0] =	sst s2  }
0x8f: {  	_ = 	snop  }
0x90: {  	s2 =	sld [smem:$0x3FD0];
	_ =	sdelay $0x2  }
0x91: {  	s4 =	simm.s32 $0xA;
	s5 =	simm.s32 $0x10;
	s15 =	sld [smem:$0x3FC9]  }
0x92: {  	[smem:s5], [sflag:s4] =	dma.local [hbm:s2], $0x1  }
0x93: {  	_ =	swait.eq [sflag:s4], $0x1  }
0x94: {  	[sflag:s4] =	ssyncset.done $0x0  }
0x95: {  	s16 =	sld [smem:$0x10];
	[sflag:s4] =	ssyncadd.s32 $0xFFFFFFFF  }
0x96: {  	s17 =	sld [smem:$0x11];
	(tm) =	ssettm $0x1  }
0x97: {  	s18 =	sld [smem:$0x3FFB];
	_ =	sdelay $0x3  }
0x98: {  	_ =	strace s18  }
0x99: {  	s5 =	sld [smem:$0x3FFC];
	_ =	sdelay $0x3  }
0x9a: {  	_ =	strace s5  }
0x9b: {  	s5 =	sld [smem:$0x3FFD];
	_ =	sdelay $0x3  }
0x9c: {  	_ =	strace s5  }
0x9d: {  	_ =	strace $0x8FFFFFFF  }
0x9e: {  	s19 =	sld [smem:$0x3FDB];
	_ =	sdelay $0x1  }
0x9f: {  	s6 =	simm.s32 $_scs_section_size  }
0xa0: {  	s7 =	simm.s32 $_size__tile_overlayer_lowered;
	s8 =	simm.s32 $_tile_overlayer_lowered  }
0xa1: {  	s22 =	simm.s32 $0x1BFF;
	s21 =	sshll.u32 s8, $0x1;
	s5 =	sadd.s32 s6, s19  }
0xa2: {  	s9 =	simm.s32 $0x0;
	s20 =	sshll.u32 s7, $0x1;
	s7 =	sadd.s32 s21, s5  }
0xa3: {  	[timem:s9], [sflag:s22] =	dma.local [hbm:s7], s20  }
0xa4: {  	_ =	swait.ge [sflag:s22], s20  }
0xa5: {  	s6 =	ssub.s32 $0x0, s20;
	[sflag:s22] =	ssyncset.done $0x0  }
0xa6: {  	[sflag:s22] =	ssyncadd.s32 s6;
	_ =	sdelay $0x1  }
0xa7: {  	s23 =	simm.s32 $0x1B8B  }
0xa8: {  	_ =	swait.ge [sflag:s23], $0x1  }
0xa9: {  	[sflag:s23] =	ssyncset.done $0x0  }
0xaa: {  	s25 =	simm.s32 $0x1B8E;
	s24 =	sld [smem:$0x3FFE];
	[sflag:s23] =	ssyncadd.s32 $0xFFFFFFFF  }
0xab: {  	s26 =	simm.s32 $execute0_lowered;
	[smem:$0x3FD2] =	sst s25  }
0xac: {  	s7 =	sshll.u32 s26, $0x1;
	_ =	strace $0x80000046;
	[dreg:$0x1] =	wrdreg $0xFFFFFFFF  }
0xad: {  	s28 =	simm.s32 $_size_execute0_lowered;
	s5 =	sadd.s32 s5, s7;
	[dreg:$0x0] =	wrdreg $0x0  }
0xae: {  	s7 =	sshll.u32 s28, $0x1;
	[dreg:$0x2] =	wrdreg s5  }
0xaf: {  	[dreg:$0x3] =	wrdreg s7  }
0xb0: {  	[dreg:$0x4] =	wrdreg $0xC0  }
0xb1: {  	_ =	task [dreg:s9], $0x5FFFF  }
0xb2: {  	[dreg:$0x1] =	wrdreg $0xFFFFFFFF  }
0xb3: {  	[dreg:$0x0] =	wrdreg $0x60  }
0xb4: {  	[dreg:$0x2] =	wrdreg s15  }
0xb5: {  	[dreg:$0x3] =	wrdreg s16  }
0xb6: {  	[dreg:$0x4] =	wrdreg s17  }
0xb7: {  	[dreg:$0x5] =	wrdreg s24  }
0xb8: {  	[dreg:$0x6] =	wrdreg $0x9  }
0xb9: {  	_ =	task.clear_ibuf [dreg:s9], $0x7FFFF;
	_ =	strace $0x90000046  }
0xba: {  	s29 =	simm.s32 $0x9;
	_ =	strace $0x80000048  }
0xbb: {  	_ =	swait.ge [sflag:s29], $0x1  }
0xbc: {  	[sflag:s29] =	ssyncadd.s32 $0xFFFFFFFF  }
0xbd: {  	_ =	strace $0x90000048  }
0xbe: {  	_ =	sfence  }
0xbf: {  	s30 =	sld [smem:$0x0];
	_ =	sdelay $0x2  }
0xc0: {  	s31 =	sshll.u32 s1, $0xD;
	s1 =	sshrl.u32 s1, $0x2  }
0xc1: {  	s3 =	sand.u32 $0x4000, s31;
	s1 =	sadd.s32 s1, s30  }
0xc2: {  	s0 =	sor.u32 s3, s0;
	s1 =	sshll.u32 s1, $0x11  }
0xc3: {  	s0 =	sor.u32 s1, s0  }
0xc4: {  	s0 =	sadd.s32 $0x8F2B, s0  }
0xc5: {  	[sflag:s0] =	ssyncadd.remote.s32 $0x1  }
0xc6: {  	_ =	sfence.sel $0xFFFF  }
0xc7: {  	[dreg:$0x0] =	wrdreg $0xFFFFFFFF;
	(pc) =	sbr.abs _section_cstart, $3  }
0xc8: {  	[dreg:$0x1] =	wrdreg $0xFFFFFFFF  }
0xc9: {  	_ =	task.clear_ibuf [dreg:s9], $0x2FFFF;
	_ =	strace $0x9FFFFFFF  }
0xca: {  	(tm) =	ssettm $0x7FFFFFFF  }
0xcb: {  	_ =	shalt  }
tec
execute0_lowered:
.L_overlay_start_1:
0x0: {  	(tag) =	ssettag $0x1  }
0x1: {  	s1 =	rddreg [dreg:$0x0]  }
0x2: {  	s4 =	rddreg [dreg:$0x1]  }
0x3: {  	s5 =	rddreg [dreg:$0x2]  }
0x4: {  	s6 =	rddreg [dreg:$0x3]  }
0x5: {  	s0 =	rddreg [dreg:$0x4];
	s3 =	simm.s32 $0x0;
	s7 =	srdreg.scid  }
0x6: {  	s2 =	stileid.u32;
	s14 =	simm.s32 $0x8000;
	s15 =	simm.s32 $0xA800  }
0x7: {  	s16 =	simm.s32 $0xD000;
	s17 =	simm.s32 $0xF800;
	s18 =	simm.s32 $0x1  }
0x8: {  	s19 =	simm.s32 $0x2;
	s20 =	simm.s32 $0x0;
	[smem:$0x7FF] =	sst s3  }
0x9: {  	s8 =	sand.u32 $0x1, s7;
	s25 =	sshll.u32 s2, $0x1;
	s12 =	sadd.s32 $0x4F0800, s6  }
0xa: {  	s9 =	sadd.s32 $0xE800, s6;
	s30 =	smul.u32 $0x4E200, s2;
	_ =	strace $0x80000047  }
0xb: {  	s7 =	sor.u32 s8, s25;
	s10 =	ssub.s32 $0x2, s8;
	s13 =	smul.u32 $0x27100, s8  }
0xc: {  	s11 =	smul.u32 $0x138800, s7;
	s26 =	sshrl.u32 s10, $0x1;
	s7 =	sshll.u32 s7, $0xB  }
0xd: {  	s31 =	sadd.s32 s30, s12;
	s10 =	ssub.s32 s10, s26;
	s4 =	sadd.s32 s4, s7  }
0xe: {  	s5 =	sadd.s32 s5, s7;
	s28 =	sshrl.u32 s11, $0x3;
	s8 =	smax.u32 s10, $0x1  }
0xf: {  	s10 =	sadd.s32 s13, s31;
	s11 =	simm.s32 $0x3;
	s29 =	sadd.s32 $0x26C00, s28  }
0x10: {  	s6 =	sadd.s32 s9, s29;
	s7 =	sadd.s32 s12, s29;
	s9 =	sadd.s32 s30, s9  }
0x11: {  	s12 =	simm.s32 $0x4000;
	s9 =	sadd.s32 s13, s9;
	s13 =	simm.s32 $0x50  }
.LBB2_1:
0x12: {  	[tilespmem:s3], [sflag:$0x3] =	stream.linear.gather [hbm4b:s4+s3], $0x3E80, $0x38;
	[tilespmem:$0x12000] =	vst v63  }
0x13: {  	_ =	swait.ge [sflag:s11], $0x3E80  }
0x14: {  	[sflag:s11] =	ssyncset.done $0x0  }
0x15: {  	[sflag:s11] =	ssyncadd.s32 $0xFFFFC180  }
0x16: {  	[tilespmem:s12], [sflag:$0x3] =	stream.linear.gather [hbm4b:s5+s3], $0x3E80, $0x38;
	[tilespmem:$0x12000] =	vst v63  }
0x17: {  	_ =	swait.ge [sflag:s11], $0x3E80  }
0x18: {  	[sflag:s11] =	ssyncset.done $0x0  }
0x19: {  	[sflag:s11] =	ssyncadd.s32 $0xFFFFC180  }
0x1a: {  	[tilespmem:s14], [sflag:$0x1] =	stream.indirect.gather [hbm4b:s1+s13], $0x80, s3, s13, $0xb8;
	[tilespmem:$0x12000] =	vst v63  }
0x1b: {  	_ = 	snop  }
0x1c: {  	[tilespmem:s15], [sflag:$0x1] =	stream.indirect.gather [hbm4b:s1+s13], $0x80, s12, s13, $0xb8;
	[tilespmem:$0x12000] =	vst v63  }
0x1d: {  	s21 =	simm.s32 $0x80  }
0x1e: {  	[tilespmem:s16], [sflag:$0x2] =	stream.indirect.gather [hbm4b:s1+s13], $0x80, s21, s13, $0xb8;
	[tilespmem:$0x12000] =	vst v63  }
0x1f: {  	s26 =	simm.s32 $0x4080  }
0x20: {  	[tilespmem:s17], [sflag:$0x2] =	stream.indirect.gather [hbm4b:s1+s13], $0x80, s26, s13, $0xb8;
	[tilespmem:$0x12000] =	vst v63  }
0x21: {  	_ =	swait.ge [sflag:s18], $0x2800  }
0x22: {  	[sflag:s18] =	ssyncset.done $0x0  }
0x23: {  	[sflag:s18] =	ssyncadd.s32 $0xFFFFD800  }
0x24: {  	_ =	swait.ge [sflag:s18], $0x2800  }
0x25: {  	[sflag:s18] =	ssyncset.done $0x0  }
0x26: {  	[sflag:s18] =	ssyncadd.s32 $0xFFFFD800  }
0x27: {  	[hbm4b:s9+s3] =	stream.linear.scatter [tilespmem:s14], [sflag:$0x3], $0x2800, $0x38;
	[tilespmem:$0x12000] =	vst v63  }
0x28: {  	_ =	swait.ge [sflag:s11], $0x2800  }
0x29: {  	[sflag:s11] =	ssyncset.done $0x0  }
0x2a: {  	[sflag:s11] =	ssyncadd.s32 $0xFFFFD800  }
0x2b: {  	[hbm4b:s10+s3] =	stream.linear.scatter [tilespmem:s15], [sflag:$0x3], $0x2800, $0x38;
	[tilespmem:$0x12000] =	vst v63  }
0x2c: {  	_ =	swait.ge [sflag:s11], $0x2800  }
0x2d: {  	[sflag:s11] =	ssyncset.done $0x0  }
0x2e: {  	s28 =	simm.s32 $0x100;
	[sflag:s11] =	ssyncadd.s32 $0xFFFFD800  }
0x2f: {  	[tilespmem:s14], [sflag:$0x1] =	stream.indirect.gather [hbm4b:s1+s13], $0x80, s28, s13, $0xb8;
	[tilespmem:$0x12000] =	vst v63  }
0x30: {  	s29 =	simm.s32 $0x4100  }
0x31: {  	[tilespmem:s15], [sflag:$0x1] =	stream.indirect.gather [hbm4b:s1+s13], $0x80, s29, s13, $0xb8;
	[tilespmem:$0x12000] =	vst v63  }
0x32: {  	_ =	swait.ge [sflag:s19], $0x2800  }
0x33: {  	[sflag:s19] =	ssyncset.done $0x0  }
0x34: {  	[sflag:s19] =	ssyncadd.s32 $0xFFFFD800  }
0x35: {  	_ =	swait.ge [sflag:s19], $0x2800  }
0x36: {  	[sflag:s19] =	ssyncset.done $0x0  }
0x37: {  	s30 =	sadd.s32 $0x500, s9;
	[sflag:s19] =	ssyncadd.s32 $0xFFFFD800  }
0x38: {  	[hbm4b:s30+s3] =	stream.linear.scatter [tilespmem:s16], [sflag:$0x3], $0x2800, $0x38;
	[tilespmem:$0x12000] =	vst v63  }
0x39: {  	_ =	swait.ge [sflag:s11], $0x2800  }
0x3a: {  	[sflag:s11] =	ssyncset.done $0x0  }
0x3b: {  	s31 =	sadd.s32 $0x500, s10;
	[sflag:s11] =	ssyncadd.s32 $0xFFFFD800  }
0x3c: {  	[hbm4b:s31+s3] =	stream.linear.scatter [tilespmem:s17], [sflag:$0x3], $0x2800, $0x38;
	[tilespmem:$0x12000] =	vst v63  }
0x3d: {  	s23 =	simm.s32 $0x100;
	s22 =	sadd.s32 $0xA00, s9;
	_ =	swait.ge [sflag:s11], $0x2800  }
0x3e: {  	s21 =	sadd.s32 $0xA00, s10;
	s26 =	simm.s32 $0x800;
	[sflag:s11] =	ssyncset.done $0x0  }
.LBB2_2:
0x3f: {  	s28 =	sadd.s32 $0x80, s23  }
0x40: {  	[sflag:s11] =	ssyncadd.s32 $0xFFFFD800;
	s25 =	smov.u32 s26;
	s24 =	sadd.s32 $0x400, s26  }
0x41: {  	[tilespmem:s16], [sflag:$0x2] =	stream.indirect.gather [hbm4b:s1+s13], $0x80, s28, s13, $0xb8;
	[tilespmem:$0x12000] =	vst v63  }
0x42: {  	p0 =	sne.s32 s26, $0xF400;
	s26 =	sadd.s32 $0x4080, s23  }
0x43: {  	[tilespmem:s17], [sflag:$0x2] =	stream.indirect.gather [hbm4b:s1+s13], $0x80, s26, s13, $0xb8;
	[tilespmem:$0x12000] =	vst v63  }
0x44: {  	_ =	swait.ge [sflag:s18], $0x2800  }
0x45: {  	[sflag:s18] =	ssyncset.done $0x0  }
0x46: {  	[sflag:s18] =	ssyncadd.s32 $0xFFFFD800  }
0x47: {  	_ =	swait.ge [sflag:s18], $0x2800  }
0x48: {  	[sflag:s18] =	ssyncset.done $0x0  }
0x49: {  	[sflag:s18] =	ssyncadd.s32 $0xFFFFD800  }
0x4a: {  	[hbm4b:s22+s3] =	stream.linear.scatter [tilespmem:s14], [sflag:$0x3], $0x2800, $0x38;
	[tilespmem:$0x12000] =	vst v63  }
0x4b: {  	_ =	swait.ge [sflag:s11], $0x2800  }
0x4c: {  	[sflag:s11] =	ssyncset.done $0x0  }
0x4d: {  	[sflag:s11] =	ssyncadd.s32 $0xFFFFD800  }
0x4e: {  	[hbm4b:s21+s3] =	stream.linear.scatter [tilespmem:s15], [sflag:$0x3], $0x2800, $0x38;
	[tilespmem:$0x12000] =	vst v63  }
0x4f: {  	_ =	swait.ge [sflag:s11], $0x2800  }
0x50: {  	[sflag:s11] =	ssyncset.done $0x0  }
0x51: {  	s26 =	sadd.s32 $0x100, s23;
	[sflag:s11] =	ssyncadd.s32 $0xFFFFD800  }
0x52: {  	[tilespmem:s14], [sflag:$0x1] =	stream.indirect.gather [hbm4b:s1+s13], $0x80, s26, s13, $0xb8;
	[tilespmem:$0x12000] =	vst v63  }
0x53: {  	s23 =	sadd.s32 $0x4100, s23  }
0x54: {  	[tilespmem:s15], [sflag:$0x1] =	stream.indirect.gather [hbm4b:s1+s13], $0x80, s23, s13, $0xb8;
	[tilespmem:$0x12000] =	vst v63  }
0x55: {  	_ =	swait.ge [sflag:s19], $0x2800  }
0x56: {  	[sflag:s19] =	ssyncset.done $0x0  }
0x57: {  	[sflag:s19] =	ssyncadd.s32 $0xFFFFD800  }
0x58: {  	_ =	swait.ge [sflag:s19], $0x2800  }
0x59: {  	[sflag:s19] =	ssyncset.done $0x0  }
0x5a: {  	s23 =	sadd.s32 $0x500, s22;
	[sflag:s19] =	ssyncadd.s32 $0xFFFFD800  }
0x5b: {  	[hbm4b:s23+s3] =	stream.linear.scatter [tilespmem:s16], [sflag:$0x3], $0x2800, $0x38;
	[tilespmem:$0x12000] =	vst v63  }
0x5c: {  	_ =	swait.ge [sflag:s11], $0x2800  }
.Ltmp0:
0x5d: {  	[sflag:s11] =	ssyncset.done $0x0;
	(pc) =	sbr.rel @p0 .LBB2_2-.Ltmp0, $4  }
0x5e: {  	s23 =	sadd.s32 $0x500, s21;
	[sflag:s11] =	ssyncadd.s32 $0xFFFFD800  }
0x5f: {  	[hbm4b:s23+s3] =	stream.linear.scatter [tilespmem:s17], [sflag:$0x3], $0x2800, $0x38;
	[tilespmem:$0x12000] =	vst v63  }
0x60: {  	s26 =	smov.u32 s24;
	s21 =	sadd.s32 $0xA00, s21;
	_ =	swait.ge [sflag:s11], $0x2800  }
0x61: {  	s22 =	sadd.s32 $0xA00, s22;
	s23 =	sshra.s32 s25, $0x2;
	[sflag:s11] =	ssyncset.done $0x0  }
0x62: {  	s24 =	sadd.s32 $0x80, s23;
	[sflag:s11] =	ssyncadd.s32 $0xFFFFD800  }
0x63: {  	[tilespmem:s16], [sflag:$0x2] =	stream.indirect.gather [hbm4b:s1+s13], $0x80, s24, s13, $0xb8;
	[tilespmem:$0x12000] =	vst v63  }
0x64: {  	s26 =	sadd.s32 $0x4080, s23  }
0x65: {  	[tilespmem:s17], [sflag:$0x2] =	stream.indirect.gather [hbm4b:s1+s13], $0x80, s26, s13, $0xb8;
	[tilespmem:$0x12000] =	vst v63  }
0x66: {  	_ =	swait.ge [sflag:s18], $0x2800  }
0x67: {  	[sflag:s18] =	ssyncset.done $0x0  }
0x68: {  	[sflag:s18] =	ssyncadd.s32 $0xFFFFD800  }
0x69: {  	_ =	swait.ge [sflag:s18], $0x2800  }
0x6a: {  	[sflag:s18] =	ssyncset.done $0x0  }
0x6b: {  	[sflag:s18] =	ssyncadd.s32 $0xFFFFD800  }
0x6c: {  	[hbm4b:s22+s3] =	stream.linear.scatter [tilespmem:s14], [sflag:$0x3], $0x2800, $0x38;
	[tilespmem:$0x12000] =	vst v63  }
0x6d: {  	_ =	swait.ge [sflag:s11], $0x2800  }
0x6e: {  	[sflag:s11] =	ssyncset.done $0x0  }
0x6f: {  	[sflag:s11] =	ssyncadd.s32 $0xFFFFD800  }
0x70: {  	[hbm4b:s21+s3] =	stream.linear.scatter [tilespmem:s15], [sflag:$0x3], $0x2800, $0x38;
	[tilespmem:$0x12000] =	vst v63  }
0x71: {  	_ =	swait.ge [sflag:s11], $0x2800  }
0x72: {  	[sflag:s11] =	ssyncset.done $0x0  }
0x73: {  	s28 =	sadd.s32 $0x100, s23;
	[sflag:s11] =	ssyncadd.s32 $0xFFFFD800  }
0x74: {  	[tilespmem:s14], [sflag:$0x1] =	stream.indirect.gather [hbm4b:s1+s13], $0x80, s28, s13, $0xb8;
	[tilespmem:$0x12000] =	vst v63  }
0x75: {  	s29 =	sadd.s32 $0x4100, s23  }
0x76: {  	[tilespmem:s15], [sflag:$0x1] =	stream.indirect.gather [hbm4b:s1+s13], $0x80, s29, s13, $0xb8;
	[tilespmem:$0x12000] =	vst v63  }
0x77: {  	_ =	swait.ge [sflag:s19], $0x2800  }
0x78: {  	[sflag:s19] =	ssyncset.done $0x0  }
0x79: {  	[sflag:s19] =	ssyncadd.s32 $0xFFFFD800  }
0x7a: {  	_ =	swait.ge [sflag:s19], $0x2800  }
0x7b: {  	[sflag:s19] =	ssyncset.done $0x0  }
0x7c: {  	s30 =	sadd.s32 $0x500, s22;
	[sflag:s19] =	ssyncadd.s32 $0xFFFFD800  }
0x7d: {  	[hbm4b:s30+s3] =	stream.linear.scatter [tilespmem:s16], [sflag:$0x3], $0x2800, $0x38;
	[tilespmem:$0x12000] =	vst v63  }
0x7e: {  	_ =	swait.ge [sflag:s11], $0x2800  }
0x7f: {  	[sflag:s11] =	ssyncset.done $0x0  }
0x80: {  	s31 =	sadd.s32 $0x500, s21;
	[sflag:s11] =	ssyncadd.s32 $0xFFFFD800  }
0x81: {  	[hbm4b:s31+s3] =	stream.linear.scatter [tilespmem:s17], [sflag:$0x3], $0x2800, $0x38;
	[tilespmem:$0x12000] =	vst v63  }
0x82: {  	_ =	swait.ge [sflag:s11], $0x2800  }
0x83: {  	[sflag:s11] =	ssyncset.done $0x0  }
0x84: {  	[sflag:s11] =	ssyncadd.s32 $0xFFFFD800  }
0x85: {  	_ =	swait.ge [sflag:s18], $0x2800  }
0x86: {  	[sflag:s18] =	ssyncset.done $0x0  }
0x87: {  	[sflag:s18] =	ssyncadd.s32 $0xFFFFD800  }
0x88: {  	_ =	swait.ge [sflag:s18], $0x2800  }
0x89: {  	[sflag:s18] =	ssyncset.done $0x0  }
0x8a: {  	[sflag:s18] =	ssyncadd.s32 $0xFFFFD800  }
0x8b: {  	[hbm4b:s6+s3] =	stream.linear.scatter [tilespmem:s14], [sflag:$0x3], $0x2800, $0x38;
	[tilespmem:$0x12000] =	vst v63  }
0x8c: {  	s20 =	sadd.s32 $0x1, s20;
	_ =	swait.ge [sflag:s11], $0x2800  }
0x8d: {  	p0 =	sne.s32 s20, s8;
	[sflag:s11] =	ssyncset.done $0x0  }
.Ltmp1:
0x8e: {  	[sflag:s11] =	ssyncadd.s32 $0xFFFFD800;
	(pc) =	sbr.rel @p0 .LBB2_1-.Ltmp1, $4  }
0x8f: {  	[hbm4b:s7+s3] =	stream.linear.scatter [tilespmem:s15], [sflag:$0x3], $0x2800, $0x38;
	[tilespmem:$0x12000] =	vst v63  }
0x90: {  	_ =	swait.ge [sflag:s11], $0x2800  }
0x91: {  	[sflag:s11] =	ssyncset.done $0x0  }
0x92: {  	[sflag:s11] =	ssyncadd.s32 $0xFFFFD800  }
0x93: {  	_ =	sfence.sel $0x180000  }
0x94: {  	[bflag:$0x0] =	sbarrier.arrive $0xFFFF  }
0x95: {  	p0 =	sne.s32 s2, $0x0;
	_ =	strace $0x90000047  }
0x96: {  	s0 =	sadd.s32 @!p0 $0x100000, s0;
	[bflag:$0x2] =	sbarrier.arrive $0xFFFF  }
0x97: {  	[sflag:s0] =	ssyncadd.tile.s32 @!p0 $0x1;
	_ =	shalt  }
.Lfunc_end2:
_tile_overlayer_lowered:
.L_overlay_start_2:
0x98: {  	(tag) =	ssettag $0x2  }
0x99: {  	s0 =	rddreg [dreg:$0x0];
	s2 =	stileid.u32  }
0x9a: {  	s1 =	rddreg [dreg:$0x1];
	p0 =	sne.s32 s2, $0x0  }
0x9b: {  	s3 =	rddreg [dreg:$0x2];
	[bflag:$0x3] =	sbarrier.arrive $0xFFFF;
	s2 =	simm.s32 @!p0 $0x1C03  }
0x9c: {  	[timem:s3], [sflag:s2] =	dma.local @!p0 [hbm:s0], s1  }
0x9d: {  	s0 =	simm.s32 @!p0 $0x3  }
0x9e: {  	_ =	swait.ge @!p0 [sflag:s0], s1  }
0x9f: {  	s1 =	ssub.s32 @!p0 $0x0, s1;
	[sflag:s0] =	ssyncset.done @!p0 $0x0  }
0xa0: {  	[sflag:s0] =	ssyncadd.s32 @!p0 s1  }
0xa1: {  	[bflag:$0x3] =	sbarrier.arrive $0xFFFF  }
0xa2: {  	_ =	shalt  }

</sc_bundles>
